<compile_context>
chip_gen: v7x
topology: tpu7x:2x2x1
jax: 0.10.2.dev20260603
libtpu: 0.0.44.dev20260713+nightly
codegen_flags: <defaults>
</compile_context>

<pallas_src>
import jax
import jax.numpy as jnp
from jax import lax
from jax.experimental import pallas as pl
from jax.experimental.pallas import tpu as pltpu
from jax.experimental.pallas import tpu_sc as plsc

_NU = 1000000
_NI = 100000
_D = 32
_B = 16384

_INFO = plsc.get_sparse_core_info()
_NC = _INFO.num_cores
_NS = _INFO.num_subcores
_NW = _NC * _NS
_BPW = _B // _NW
_L = 16
_NCH = _BPW // _L


def _body(z_hbm, tu_hbm, ti_hbm, uy_hbm, iy_hbm, d_hbm, out_hbm,
          tu_v, ti_v, zu_v, uy_v, zi_v, iy_v, out_v, sem):
    wid = lax.axis_index("s") * _NC + lax.axis_index("c")
    base = wid * _BPW

    pltpu.sync_copy(tu_hbm.at[pl.ds(base, _BPW)], tu_v)
    pltpu.sync_copy(ti_hbm.at[pl.ds(base, _BPW)], ti_v)

    def fire(ch, _):
        tu16 = tu_v[pl.ds(ch * _L, _L)]
        ti16 = ti_v[pl.ds(ch * _L, _L)]
        tz16 = ti16 + _NU
        for k in range(_L):
            r = tu16[k]
            i = ti16[k]
            iz = tz16[k]
            jr = ch * 4 + k // 4
            jc = (k & 3) * _D
            dst = (jr, pl.ds(jc, _D))
            pltpu.async_copy(z_hbm.at[r], zu_v.at[dst], sem)
            pltpu.async_copy(uy_hbm.at[r], uy_v.at[dst], sem)
            pltpu.async_copy(z_hbm.at[iz], zi_v.at[dst], sem)
            pltpu.async_copy(iy_hbm.at[i], iy_v.at[dst], sem)
        return 0

    lax.fori_loop(0, _NCH, fire, 0)

    pltpu.make_async_copy(d_hbm, zu_v, sem).wait()
    pltpu.make_async_copy(d_hbm, uy_v, sem).wait()
    pltpu.make_async_copy(d_hbm, zi_v, sem).wait()
    pltpu.make_async_copy(d_hbm, iy_v, sem).wait()

    lane = lax.broadcasted_iota(jnp.int32, (_L,), 0)

    def dot(ch, _):
        acc = jnp.zeros((_L,), jnp.float32)
        for k in range(_L):
            jr = ch * 4 + k // 4
            jc = (k & 3) * _D
            u = (zu_v[jr, pl.ds(jc, _L)] * zi_v[jr, pl.ds(jc, _L)]
                 + zu_v[jr, pl.ds(jc + _L, _L)] * zi_v[jr, pl.ds(jc + _L, _L)]
                 + uy_v[jr, pl.ds(jc, _L)] * iy_v[jr, pl.ds(jc, _L)]
                 + uy_v[jr, pl.ds(jc + _L, _L)] * iy_v[jr, pl.ds(jc + _L, _L)])
            acc = jnp.where(lane == k, jnp.sum(u), acc)
        out_v[pl.ds(ch * _L, _L)] = acc
        return 0

    lax.fori_loop(0, _NCH, dot, 0)

    pltpu.sync_copy(out_v, out_hbm.at[pl.ds(base, _BPW)])


@jax.jit
def _mf(z, tu, ti, uy, iy):
    dummy = jnp.zeros((_BPW // 4, 128), jnp.float32)
    mesh = plsc.VectorSubcoreMesh(core_axis_name="c", subcore_axis_name="s")
    return pl.kernel(
        _body,
        mesh=mesh,
        compiler_params=pltpu.CompilerParams(
            needs_layout_passes=False, use_tc_tiling_on_sc=True,
            skip_device_barrier=True),
        out_type=jax.ShapeDtypeStruct((_B,), jnp.float32),
        scratch_types=[
            pltpu.VMEM((_BPW,), jnp.int32),
            pltpu.VMEM((_BPW,), jnp.int32),
            pltpu.VMEM((_BPW // 4, 128), jnp.float32),
            pltpu.VMEM((_BPW // 4, 128), jnp.float32),
            pltpu.VMEM((_BPW // 4, 128), jnp.float32),
            pltpu.VMEM((_BPW // 4, 128), jnp.float32),
            pltpu.VMEM((_BPW,), jnp.float32),
            pltpu.SemaphoreType.DMA,
        ],
    )(z, tu, ti, uy, iy, dummy)


def kernel(Z, Tu, Ti, uY, iY):
    return _mf(Z, Tu.astype(jnp.int32), Ti.astype(jnp.int32), uY, iY)

# --- scband reference (transcript-rebuilt; emitter-appended) ---
"""Pipeline reference for scband-modified-mf-63032940036140 (READ-ONLY COPY).

The authoritative reference and input builder live on the scoring server;
editing this copy changes nothing except your own understanding.
"""

import jax, jax.numpy as jnp
import numpy as np

NU = 1000000
NI = 100000
DIM_Y = 32  # ydivx * dimEmbedding = 1 * 32
DIM_Z = 32
BATCH = 16384


def setup_inputs(seed: int = 0) -> dict:
    key = jax.random.key(seed)
    k1, k2, k3, k4, k5 = jax.random.split(key, 5)
    Z = jax.random.normal(k1, (NU + NI, DIM_Z), dtype=jnp.float32)
    Tu = jax.random.randint(k2, (BATCH,), 0, NU, dtype=jnp.int64 if jax.config.jax_enable_x64 else jnp.int32)
    Ti = jax.random.randint(k3, (BATCH,), 0, NI, dtype=jnp.int64 if jax.config.jax_enable_x64 else jnp.int32)
    # learned parameters: uniform(0, 1) init as in torch init.uniform_(.., 0, 1.0)
    uY = jax.random.uniform(k4, (NU, DIM_Y), dtype=jnp.float32, minval=0.0, maxval=1.0)
    iY = jax.random.uniform(k5, (NI, DIM_Y), dtype=jnp.float32, minval=0.0, maxval=1.0)
    return {"Z": Z, "Tu": Tu, "Ti": Ti, "uY": uY, "iY": iY}


def reference(Z, Tu, Ti, uY, iY):
    # cu = cat([Z[0:nu], uY], dim=1); ci = cat([Z[nu:nu+ni], iY], dim=1)
    cu = jnp.concatenate([Z[0:NU], uY], axis=1)
    ci = jnp.concatenate([Z[NU:NU + NI], iY], axis=1)
    # gather rows by user/item ids and dot-product reduce
    return jnp.sum(jnp.take(cu, Tu, axis=0) * jnp.take(ci, Ti, axis=0), axis=1)

if __name__ == "__main__":
    import jax
    _d = setup_inputs()
    print(jax.jit(kernel)(*tuple(_d.values())))

</pallas_src>

<mosaic_0001>
#map = affine_map<(d0, d1) -> (0, 0)>
#map1 = affine_map<(d0, d1) -> (0)>
module attributes {stable_mosaic.version = 14 : i64} {
  func.func @_body(%arg0: i32, %arg1: i32, %arg2: memref<1100000x32xf32, #tpu.memory_space<hbm>>, %arg3: memref<16384xi32, #tpu.memory_space<hbm>>, %arg4: memref<16384xi32, #tpu.memory_space<hbm>>, %arg5: memref<1000000x32xf32, #tpu.memory_space<hbm>>, %arg6: memref<100000x32xf32, #tpu.memory_space<hbm>>, %arg7: memref<128x128xf32, #tpu.memory_space<hbm>>, %arg8: memref<16384xf32, #tpu.memory_space<hbm>>, %arg9: memref<512xi32, #tpu.memory_space<vmem>>, %arg10: memref<512xi32, #tpu.memory_space<vmem>>, %arg11: memref<128x128xf32, #tpu.memory_space<vmem>>, %arg12: memref<128x128xf32, #tpu.memory_space<vmem>>, %arg13: memref<128x128xf32, #tpu.memory_space<vmem>>, %arg14: memref<128x128xf32, #tpu.memory_space<vmem>>, %arg15: memref<512xf32, #tpu.memory_space<vmem>>, %arg16: memref<!tpu.dma_semaphore, #tpu.memory_space<semaphore_mem>>) attributes {dimension_semantics = [#tpu.dimension_semantics<core_parallel>, #tpu.dimension_semantics<subcore_parallel>], iteration_bounds = array<i64: 2, 16>, scalar_prefetch = 0 : i64, scratch_operands = 8 : i64, tpu.core_type = #tpu.core_type<sc_vector_subcore>, window_params = [{transform_indices = #map}, {transform_indices = #map1}, {transform_indices = #map1}, {transform_indices = #map}, {transform_indices = #map}, {transform_indices = #map}, {transform_indices = #map1}]} {
    %mul3A = arith.constant 2 : i32
    %mul3A_0 = arith.muli %arg1, %mul3A : i32
    %add3A = arith.addi %mul3A_0, %arg0 : i32
    %mul3A_1 = arith.constant 512 : i32
    %mul3A_2 = arith.muli %add3A, %mul3A_1 : i32
    "tpu.region"() ({
      %run_scoped3A = tpu.sem_alloc : memref<!tpu.dma_semaphore, #tpu.memory_space<semaphore_mem>>
      %dma_start3A = tpu.memref_slice %arg3[%mul3A_2] : memref<16384xi32, #tpu.memory_space<hbm>> -> memref<512xi32, #tpu.memory_space<hbm>>
      %dma_start3A_16 = tpu.memref_slice %arg3[%mul3A_2] : memref<16384xi32, #tpu.memory_space<hbm>> -> memref<512xi32, #tpu.memory_space<hbm>>
      tpu.enqueue_dma source(%dma_start3A_16 : memref<512xi32, #tpu.memory_space<hbm>>) target(%arg9 : memref<512xi32, #tpu.memory_space<vmem>>) target_semaphore(%run_scoped3A : memref<!tpu.dma_semaphore, #tpu.memory_space<semaphore_mem>>)
      %dma_wait3A = tpu.memref_slice %arg3[%mul3A_2] : memref<16384xi32, #tpu.memory_space<hbm>> -> memref<512xi32, #tpu.memory_space<hbm>>
      %dma_wait3A_17 = tpu.memref_slice %arg3[%mul3A_2] : memref<16384xi32, #tpu.memory_space<hbm>> -> memref<512xi32, #tpu.memory_space<hbm>>
      tpu.wait_dma2 semaphore(%run_scoped3A : memref<!tpu.dma_semaphore, #tpu.memory_space<semaphore_mem>>) src(%dma_wait3A_17 : memref<512xi32, #tpu.memory_space<hbm>>) dst(%arg9 : memref<512xi32, #tpu.memory_space<vmem>>)
      tpu.yield
    }) : () -> ()
    "tpu.region"() ({
      %run_scoped3A = tpu.sem_alloc : memref<!tpu.dma_semaphore, #tpu.memory_space<semaphore_mem>>
      %dma_start3A = tpu.memref_slice %arg4[%mul3A_2] : memref<16384xi32, #tpu.memory_space<hbm>> -> memref<512xi32, #tpu.memory_space<hbm>>
      %dma_start3A_16 = tpu.memref_slice %arg4[%mul3A_2] : memref<16384xi32, #tpu.memory_space<hbm>> -> memref<512xi32, #tpu.memory_space<hbm>>
      tpu.enqueue_dma source(%dma_start3A_16 : memref<512xi32, #tpu.memory_space<hbm>>) target(%arg10 : memref<512xi32, #tpu.memory_space<vmem>>) target_semaphore(%run_scoped3A : memref<!tpu.dma_semaphore, #tpu.memory_space<semaphore_mem>>)
      %dma_wait3A = tpu.memref_slice %arg4[%mul3A_2] : memref<16384xi32, #tpu.memory_space<hbm>> -> memref<512xi32, #tpu.memory_space<hbm>>
      %dma_wait3A_17 = tpu.memref_slice %arg4[%mul3A_2] : memref<16384xi32, #tpu.memory_space<hbm>> -> memref<512xi32, #tpu.memory_space<hbm>>
      tpu.wait_dma2 semaphore(%run_scoped3A : memref<!tpu.dma_semaphore, #tpu.memory_space<semaphore_mem>>) src(%dma_wait3A_17 : memref<512xi32, #tpu.memory_space<hbm>>) dst(%arg10 : memref<512xi32, #tpu.memory_space<vmem>>)
      tpu.yield
    }) : () -> ()
    %scan3A = arith.constant 0 : i32
    %scan3A_3 = arith.constant 0 : i32
    %scan3A_4 = arith.constant 32 : i32
    %scan3A_5 = arith.addi %scan3A_3, %scan3A_4 : i32
    %scan3A_6 = arith.constant 1 : i32
    %scan3A_7 = scf.for %scan3A_16 = %scan3A_3 to %scan3A_5 step %scan3A_6 iter_args(%scan3A_17 = %scan3A) -> (i32)  : i32 {
      %mul3A_18 = arith.constant 16 : i32
      %mul3A_19 = arith.muli %scan3A_16, %mul3A_18 : i32
      %get3A = arith.index_cast %mul3A_19 : i32 to index
      %get3A_20 = tpu.vector_load %arg9[%get3A] {strides = array<i32>} : memref<512xi32, #tpu.memory_space<vmem>>, vector<16xi32>,
      %mul3A_21 = arith.constant 16 : i32
      %mul3A_22 = arith.muli %scan3A_16, %mul3A_21 : i32
      %get3A_23 = arith.index_cast %mul3A_22 : i32 to index
      %get3A_24 = tpu.vector_load %arg10[%get3A_23] {strides = array<i32>} : memref<512xi32, #tpu.memory_space<vmem>>, vector<16xi32>,
      %add3A_25 = arith.constant 1000000 : i32
      %add3A_26 = vector.broadcast %add3A_25 : i32 to vector<16xi32>
      %add3A_27 = arith.addi %get3A_24, %add3A_26 : vector<16xi32>
      %slice3A = vector.extract_strided_slice %get3A_20 {offsets = [0], sizes = [1], strides = [1]} : vector<16xi32> to vector<1xi32>
      %squeeze3A = vector.extract %slice3A[0] : i32 from vector<1xi32>
      %slice3A_28 = vector.extract_strided_slice %get3A_24 {offsets = [0], sizes = [1], strides = [1]} : vector<16xi32> to vector<1xi32>
      %squeeze3A_29 = vector.extract %slice3A_28[0] : i32 from vector<1xi32>
      %slice3A_30 = vector.extract_strided_slice %add3A_27 {offsets = [0], sizes = [1], strides = [1]} : vector<16xi32> to vector<1xi32>
      %squeeze3A_31 = vector.extract %slice3A_30[0] : i32 from vector<1xi32>
      %mul3A_32 = arith.constant 4 : i32
      %mul3A_33 = arith.muli %scan3A_16, %mul3A_32 : i32
      %add3A_34 = arith.constant 0 : i32
      %add3A_35 = arith.addi %mul3A_33, %add3A_34 : i32
      %dma_start3A = arith.constant 0 : i32
      %dma_start3A_36 = tpu.memref_slice %arg11[%add3A_35, %dma_start3A] : memref<128x128xf32, #tpu.memory_space<vmem>> -> memref<1x32xf32, #tpu.memory_space<vmem>>
      %dma_start3A_37 = tpu.memref_squeeze %dma_start3A_36 : memref<1x32xf32, #tpu.memory_space<vmem>> -> memref<32xf32, #tpu.memory_space<vmem>>
      %dma_start3A_38 = arith.constant 0 : i32
      %dma_start3A_39 = tpu.memref_slice %arg2[%squeeze3A, %dma_start3A_38] : memref<1100000x32xf32, #tpu.memory_space<hbm>> -> memref<1x32xf32, #tpu.memory_space<hbm>>
      %dma_start3A_40 = tpu.memref_squeeze %dma_start3A_39 : memref<1x32xf32, #tpu.memory_space<hbm>> -> memref<32xf32, #tpu.memory_space<hbm>>
      %dma_start3A_41 = arith.constant 0 : i32
      %dma_start3A_42 = tpu.memref_slice %arg11[%add3A_35, %dma_start3A_41] : memref<128x128xf32, #tpu.memory_space<vmem>> -> memref<1x32xf32, #tpu.memory_space<vmem>>
      %dma_start3A_43 = tpu.memref_squeeze %dma_start3A_42 : memref<1x32xf32, #tpu.memory_space<vmem>> -> memref<32xf32, #tpu.memory_space<vmem>>
      %dma_start3A_44 = arith.constant 0 : i32
      %dma_start3A_45 = tpu.memref_slice %arg2[%squeeze3A, %dma_start3A_44] : memref<1100000x32xf32, #tpu.memory_space<hbm>> -> memref<1x32xf32, #tpu.memory_space<hbm>>
      %dma_start3A_46 = tpu.memref_squeeze %dma_start3A_45 : memref<1x32xf32, #tpu.memory_space<hbm>> -> memref<32xf32, #tpu.memory_space<hbm>>
      tpu.enqueue_dma source(%dma_start3A_46 : memref<32xf32, #tpu.memory_space<hbm>>) target(%dma_start3A_43 : memref<32xf32, #tpu.memory_space<vmem>>) target_semaphore(%arg16 : memref<!tpu.dma_semaphore, #tpu.memory_space<semaphore_mem>>)
      %dma_start3A_47 = arith.constant 0 : i32
      %dma_start3A_48 = tpu.memref_slice %arg12[%add3A_35, %dma_start3A_47] : memref<128x128xf32, #tpu.memory_space<vmem>> -> memref<1x32xf32, #tpu.memory_space<vmem>>
      %dma_start3A_49 = tpu.memref_squeeze %dma_start3A_48 : memref<1x32xf32, #tpu.memory_space<vmem>> -> memref<32xf32, #tpu.memory_space<vmem>>
      %dma_start3A_50 = arith.constant 0 : i32
      %dma_start3A_51 = tpu.memref_slice %arg5[%squeeze3A, %dma_start3A_50] : memref<1000000x32xf32, #tpu.memory_space<hbm>> -> memref<1x32xf32, #tpu.memory_space<hbm>>
      %dma_start3A_52 = tpu.memref_squeeze %dma_start3A_51 : memref<1x32xf32, #tpu.memory_space<hbm>> -> memref<32xf32, #tpu.memory_space<hbm>>
      %dma_start3A_53 = arith.constant 0 : i32
      %dma_start3A_54 = tpu.memref_slice %arg12[%add3A_35, %dma_start3A_53] : memref<128x128xf32, #tpu.memory_space<vmem>> -> memref<1x32xf32, #tpu.memory_space<vmem>>
      %dma_start3A_55 = tpu.memref_squeeze %dma_start3A_54 : memref<1x32xf32, #tpu.memory_space<vmem>> -> memref<32xf32, #tpu.memory_space<vmem>>
      %dma_start3A_56 = arith.constant 0 : i32
      %dma_start3A_57 = tpu.memref_slice %arg5[%squeeze3A, %dma_start3A_56] : memref<1000000x32xf32, #tpu.memory_space<hbm>> -> memref<1x32xf32, #tpu.memory_space<hbm>>
      %dma_start3A_58 = tpu.memref_squeeze %dma_start3A_57 : memref<1x32xf32, #tpu.memory_space<hbm>> -> memref<32xf32, #tpu.memory_space<hbm>>
      tpu.enqueue_dma source(%dma_start3A_58 : memref<32xf32, #tpu.memory_space<hbm>>) target(%dma_start3A_55 : memref<32xf32, #tpu.memory_space<vmem>>) target_semaphore(%arg16 : memref<!tpu.dma_semaphore, #tpu.memory_space<semaphore_mem>>)
      %dma_start3A_59 = arith.constant 0 : i32
      %dma_start3A_60 = tpu.memref_slice %arg13[%add3A_35, %dma_start3A_59] : memref<128x128xf32, #tpu.memory_space<vmem>> -> memref<1x32xf32, #tpu.memory_space<vmem>>
      %dma_start3A_61 = tpu.memref_squeeze %dma_start3A_60 : memref<1x32xf32, #tpu.memory_space<vmem>> -> memref<32xf32, #tpu.memory_space<vmem>>
      %dma_start3A_62 = arith.constant 0 : i32
      %dma_start3A_63 = tpu.memref_slice %arg2[%squeeze3A_31, %dma_start3A_62] : memref<1100000x32xf32, #tpu.memory_space<hbm>> -> memref<1x32xf32, #tpu.memory_space<hbm>>
      %dma_start3A_64 = tpu.memref_squeeze %dma_start3A_63 : memref<1x32xf32, #tpu.memory_space<hbm>> -> memref<32xf32, #tpu.memory_space<hbm>>
      %dma_start3A_65 = arith.constant 0 : i32
      %dma_start3A_66 = tpu.memref_slice %arg13[%add3A_35, %dma_start3A_65] : memref<128x128xf32, #tpu.memory_space<vmem>> -> memref<1x32xf32, #tpu.memory_space<vmem>>
      %dma_start3A_67 = tpu.memref_squeeze %dma_start3A_66 : memref<1x32xf32, #tpu.memory_space<vmem>> -> memref<32xf32, #tpu.memory_space<vmem>>
      %dma_start3A_68 = arith.constant 0 : i32
      %dma_start3A_69 = tpu.memref_slice %arg2[%squeeze3A_31, %dma_start3A_68] : memref<1100000x32xf32, #tpu.memory_space<hbm>> -> memref<1x32xf32, #tpu.memory_space<hbm>>
      %dma_start3A_70 = tpu.memref_squeeze %dma_start3A_69 : memref<1x32xf32, #tpu.memory_space<hbm>> -> memref<32xf32, #tpu.memory_space<hbm>>
      tpu.enqueue_dma source(%dma_start3A_70 : memref<32xf32, #tpu.memory_space<hbm>>) target(%dma_start3A_67 : memref<32xf32, #tpu.memory_space<vmem>>) target_semaphore(%arg16 : memref<!tpu.dma_semaphore, #tpu.memory_space<semaphore_mem>>)
      %dma_start3A_71 = arith.constant 0 : i32
      %dma_start3A_72 = tpu.memref_slice %arg14[%add3A_35, %dma_start3A_71] : memref<128x128xf32, #tpu.memory_space<vmem>> -> memref<1x32xf32, #tpu.memory_space<vmem>>
      %dma_start3A_73 = tpu.memref_squeeze %dma_start3A_72 : memref<1x32xf32, #tpu.memory_space<vmem>> -> memref<32xf32, #tpu.memory_space<vmem>>
      %dma_start3A_74 = arith.constant 0 : i32
      %dma_start3A_75 = tpu.memref_slice %arg6[%squeeze3A_29, %dma_start3A_74] : memref<100000x32xf32, #tpu.memory_space<hbm>> -> memref<1x32xf32, #tpu.memory_space<hbm>>
      %dma_start3A_76 = tpu.memref_squeeze %dma_start3A_75 : memref<1x32xf32, #tpu.memory_space<hbm>> -> memref<32xf32, #tpu.memory_space<hbm>>
      %dma_start3A_77 = arith.constant 0 : i32
      %dma_start3A_78 = tpu.memref_slice %arg14[%add3A_35, %dma_start3A_77] : memref<128x128xf32, #tpu.memory_space<vmem>> -> memref<1x32xf32, #tpu.memory_space<vmem>>
      %dma_start3A_79 = tpu.memref_squeeze %dma_start3A_78 : memref<1x32xf32, #tpu.memory_space<vmem>> -> memref<32xf32, #tpu.memory_space<vmem>>
      %dma_start3A_80 = arith.constant 0 : i32
      %dma_start3A_81 = tpu.memref_slice %arg6[%squeeze3A_29, %dma_start3A_80] : memref<100000x32xf32, #tpu.memory_space<hbm>> -> memref<1x32xf32, #tpu.memory_space<hbm>>
      %dma_start3A_82 = tpu.memref_squeeze %dma_start3A_81 : memref<1x32xf32, #tpu.memory_space<hbm>> -> memref<32xf32, #tpu.memory_space<hbm>>
      tpu.enqueue_dma source(%dma_start3A_82 : memref<32xf32, #tpu.memory_space<hbm>>) target(%dma_start3A_79 : memref<32xf32, #tpu.memory_space<vmem>>) target_semaphore(%arg16 : memref<!tpu.dma_semaphore, #tpu.memory_space<semaphore_mem>>)
      %slice3A_83 = vector.extract_strided_slice %get3A_20 {offsets = [1], sizes = [1], strides = [1]} : vector<16xi32> to vector<1xi32>
      %squeeze3A_84 = vector.extract %slice3A_83[0] : i32 from vector<1xi32>
      %slice3A_85 = vector.extract_strided_slice %get3A_24 {offsets = [1], sizes = [1], strides = [1]} : vector<16xi32> to vector<1xi32>
      %squeeze3A_86 = vector.extract %slice3A_85[0] : i32 from vector<1xi32>
      %slice3A_87 = vector.extract_strided_slice %add3A_27 {offsets = [1], sizes = [1], strides = [1]} : vector<16xi32> to vector<1xi32>
      %squeeze3A_88 = vector.extract %slice3A_87[0] : i32 from vector<1xi32>
      %mul3A_89 = arith.constant 4 : i32
      %mul3A_90 = arith.muli %scan3A_16, %mul3A_89 : i32
      %add3A_91 = arith.constant 0 : i32
      %add3A_92 = arith.addi %mul3A_90, %add3A_91 : i32
      %dma_start3A_93 = arith.constant 32 : i32
      %dma_start3A_94 = tpu.memref_slice %arg11[%add3A_92, %dma_start3A_93] : memref<128x128xf32, #tpu.memory_space<vmem>> -> memref<1x32xf32, #tpu.memory_space<vmem>>
      %dma_start3A_95 = tpu.memref_squeeze %dma_start3A_94 : memref<1x32xf32, #tpu.memory_space<vmem>> -> memref<32xf32, #tpu.memory_space<vmem>>
      %dma_start3A_96 = arith.constant 0 : i32
      %dma_start3A_97 = tpu.memref_slice %arg2[%squeeze3A_84, %dma_start3A_96] : memref<1100000x32xf32, #tpu.memory_space<hbm>> -> memref<1x32xf32, #tpu.memory_space<hbm>>
      %dma_start3A_98 = tpu.memref_squeeze %dma_start3A_97 : memref<1x32xf32, #tpu.memory_space<hbm>> -> memref<32xf32, #tpu.memory_space<hbm>>
      %dma_start3A_99 = arith.constant 32 : i32
      %dma_start3A_100 = tpu.memref_slice %arg11[%add3A_92, %dma_start3A_99] : memref<128x128xf32, #tpu.memory_space<vmem>> -> memref<1x32xf32, #tpu.memory_space<vmem>>
      %dma_start3A_101 = tpu.memref_squeeze %dma_start3A_100 : memref<1x32xf32, #tpu.memory_space<vmem>> -> memref<32xf32, #tpu.memory_space<vmem>>
      %dma_start3A_102 = arith.constant 0 : i32
      %dma_start3A_103 = tpu.memref_slice %arg2[%squeeze3A_84, %dma_start3A_102] : memref<1100000x32xf32, #tpu.memory_space<hbm>> -> memref<1x32xf32, #tpu.memory_space<hbm>>
      %dma_start3A_104 = tpu.memref_squeeze %dma_start3A_103 : memref<1x32xf32, #tpu.memory_space<hbm>> -> memref<32xf32, #tpu.memory_space<hbm>>
      tpu.enqueue_dma source(%dma_start3A_104 : memref<32xf32, #tpu.memory_space<hbm>>) target(%dma_start3A_101 : memref<32xf32, #tpu.memory_space<vmem>>) target_semaphore(%arg16 : memref<!tpu.dma_semaphore, #tpu.memory_space<semaphore_mem>>)
      %dma_start3A_105 = arith.constant 32 : i32
      %dma_start3A_106 = tpu.memref_slice %arg12[%add3A_92, %dma_start3A_105] : memref<128x128xf32, #tpu.memory_space<vmem>> -> memref<1x32xf32, #tpu.memory_space<vmem>>
      %dma_start3A_107 = tpu.memref_squeeze %dma_start3A_106 : memref<1x32xf32, #tpu.memory_space<vmem>> -> memref<32xf32, #tpu.memory_space<vmem>>
      %dma_start3A_108 = arith.constant 0 : i32
      %dma_start3A_109 = tpu.memref_slice %arg5[%squeeze3A_84, %dma_start3A_108] : memref<1000000x32xf32, #tpu.memory_space<hbm>> -> memref<1x32xf32, #tpu.memory_space<hbm>>
      %dma_start3A_110 = tpu.memref_squeeze %dma_start3A_109 : memref<1x32xf32, #tpu.memory_space<hbm>> -> memref<32xf32, #tpu.memory_space<hbm>>
      %dma_start3A_111 = arith.constant 32 : i32
      %dma_start3A_112 = tpu.memref_slice %arg12[%add3A_92, %dma_start3A_111] : memref<128x128xf32, #tpu.memory_space<vmem>> -> memref<1x32xf32, #tpu.memory_space<vmem>>
      %dma_start3A_113 = tpu.memref_squeeze %dma_start3A_112 : memref<1x32xf32, #tpu.memory_space<vmem>> -> memref<32xf32, #tpu.memory_space<vmem>>
      %dma_start3A_114 = arith.constant 0 : i32
      %dma_start3A_115 = tpu.memref_slice %arg5[%squeeze3A_84, %dma_start3A_114] : memref<1000000x32xf32, #tpu.memory_space<hbm>> -> memref<1x32xf32, #tpu.memory_space<hbm>>
      %dma_start3A_116 = tpu.memref_squeeze %dma_start3A_115 : memref<1x32xf32, #tpu.memory_space<hbm>> -> memref<32xf32, #tpu.memory_space<hbm>>
      tpu.enqueue_dma source(%dma_start3A_116 : memref<32xf32, #tpu.memory_space<hbm>>) target(%dma_start3A_113 : memref<32xf32, #tpu.memory_space<vmem>>) target_semaphore(%arg16 : memref<!tpu.dma_semaphore, #tpu.memory_space<semaphore_mem>>)
      %dma_start3A_117 = arith.constant 32 : i32
      %dma_start3A_118 = tpu.memref_slice %arg13[%add3A_92, %dma_start3A_117] : memref<128x128xf32, #tpu.memory_space<vmem>> -> memref<1x32xf32, #tpu.memory_space<vmem>>
      %dma_start3A_119 = tpu.memref_squeeze %dma_start3A_118 : memref<1x32xf32, #tpu.memory_space<vmem>> -> memref<32xf32, #tpu.memory_space<vmem>>
      %dma_start3A_120 = arith.constant 0 : i32
      %dma_start3A_121 = tpu.memref_slice %arg2[%squeeze3A_88, %dma_start3A_120] : memref<1100000x32xf32, #tpu.memory_space<hbm>> -> memref<1x32xf32, #tpu.memory_space<hbm>>
      %dma_start3A_122 = tpu.memref_squeeze %dma_start3A_121 : memref<1x32xf32, #tpu.memory_space<hbm>> -> memref<32xf32, #tpu.memory_space<hbm>>
      %dma_start3A_123 = arith.constant 32 : i32
      %dma_start3A_124 = tpu.memref_slice %arg13[%add3A_92, %dma_start3A_123] : memref<128x128xf32, #tpu.memory_space<vmem>> -> memref<1x32xf32, #tpu.memory_space<vmem>>
      %dma_start3A_125 = tpu.memref_squeeze %dma_start3A_124 : memref<1x32xf32, #tpu.memory_space<vmem>> -> memref<32xf32, #tpu.memory_space<vmem>>
      %dma_start3A_126 = arith.constant 0 : i32
      %dma_start3A_127 = tpu.memref_slice %arg2[%squeeze3A_88, %dma_start3A_126] : memref<1100000x32xf32, #tpu.memory_space<hbm>> -> memref<1x32xf32, #tpu.memory_space<hbm>>
      %dma_start3A_128 = tpu.memref_squeeze %dma_start3A_127 : memref<1x32xf32, #tpu.memory_space<hbm>> -> memref<32xf32, #tpu.memory_space<hbm>>
      tpu.enqueue_dma source(%dma_start3A_128 : memref<32xf32, #tpu.memory_space<hbm>>) target(%dma_start3A_125 : memref<32xf32, #tpu.memory_space<vmem>>) target_semaphore(%arg16 : memref<!tpu.dma_semaphore, #tpu.memory_space<semaphore_mem>>)
      %dma_start3A_129 = arith.constant 32 : i32
      %dma_start3A_130 = tpu.memref_slice %arg14[%add3A_92, %dma_start3A_129] : memref<128x128xf32, #tpu.memory_space<vmem>> -> memref<1x32xf32, #tpu.memory_space<vmem>>
      %dma_start3A_131 = tpu.memref_squeeze %dma_start3A_130 : memref<1x32xf32, #tpu.memory_space<vmem>> -> memref<32xf32, #tpu.memory_space<vmem>>
      %dma_start3A_132 = arith.constant 0 : i32
      %dma_start3A_133 = tpu.memref_slice %arg6[%squeeze3A_86, %dma_start3A_132] : memref<100000x32xf32, #tpu.memory_space<hbm>> -> memref<1x32xf32, #tpu.memory_space<hbm>>
      %dma_start3A_134 = tpu.memref_squeeze %dma_start3A_133 : memref<1x32xf32, #tpu.memory_space<hbm>> -> memref<32xf32, #tpu.memory_space<hbm>>
      %dma_start3A_135 = arith.constant 32 : i32
      %dma_start3A_136 = tpu.memref_slice %arg14[%add3A_92, %dma_start3A_135] : memref<128x128xf32, #tpu.memory_space<vmem>> -> memref<1x32xf32, #tpu.memory_space<vmem>>
      %dma_start3A_137 = tpu.memref_squeeze %dma_start3A_136 : memref<1x32xf32, #tpu.memory_space<vmem>> -> memref<32xf32, #tpu.memory_space<vmem>>
      %dma_start3A_138 = arith.constant 0 : i32
      %dma_start3A_139 = tpu.memref_slice %arg6[%squeeze3A_86, %dma_start3A_138] : memref<100000x32xf32, #tpu.memory_space<hbm>> -> memref<1x32xf32, #tpu.memory_space<hbm>>
      %dma_start3A_140 = tpu.memref_squeeze %dma_start3A_139 : memref<1x32xf32, #tpu.memory_space<hbm>> -> memref<32xf32, #tpu.memory_space<hbm>>
      tpu.enqueue_dma source(%dma_start3A_140 : memref<32xf32, #tpu.memory_space<hbm>>) target(%dma_start3A_137 : memref<32xf32, #tpu.memory_space<vmem>>) target_semaphore(%arg16 : memref<!tpu.dma_semaphore, #tpu.memory_space<semaphore_mem>>)
      %slice3A_141 = vector.extract_strided_slice %get3A_20 {offsets = [2], sizes = [1], strides = [1]} : vector<16xi32> to vector<1xi32>
      %squeeze3A_142 = vector.extract %slice3A_141[0] : i32 from vector<1xi32>
      %slice3A_143 = vector.extract_strided_slice %get3A_24 {offsets = [2], sizes = [1], strides = [1]} : vector<16xi32> to vector<1xi32>
      %squeeze3A_144 = vector.extract %slice3A_143[0] : i32 from vector<1xi32>
      %slice3A_145 = vector.extract_strided_slice %add3A_27 {offsets = [2], sizes = [1], strides = [1]} : vector<16xi32> to vector<1xi32>
      %squeeze3A_146 = vector.extract %slice3A_145[0] : i32 from vector<1xi32>
      %mul3A_147 = arith.constant 4 : i32
      %mul3A_148 = arith.muli %scan3A_16, %mul3A_147 : i32
      %add3A_149 = arith.constant 0 : i32
      %add3A_150 = arith.addi %mul3A_148, %add3A_149 : i32
      %dma_start3A_151 = arith.constant 64 : i32
      %dma_start3A_152 = tpu.memref_slice %arg11[%add3A_150, %dma_start3A_151] : memref<128x128xf32, #tpu.memory_space<vmem>> -> memref<1x32xf32, #tpu.memory_space<vmem>>
      %dma_start3A_153 = tpu.memref_squeeze %dma_start3A_152 : memref<1x32xf32, #tpu.memory_space<vmem>> -> memref<32xf32, #tpu.memory_space<vmem>>
      %dma_start3A_154 = arith.constant 0 : i32
      %dma_start3A_155 = tpu.memref_slice %arg2[%squeeze3A_142, %dma_start3A_154] : memref<1100000x32xf32, #tpu.memory_space<hbm>> -> memref<1x32xf32, #tpu.memory_space<hbm>>
      %dma_start3A_156 = tpu.memref_squeeze %dma_start3A_155 : memref<1x32xf32, #tpu.memory_space<hbm>> -> memref<32xf32, #tpu.memory_space<hbm>>
      %dma_start3A_157 = arith.constant 64 : i32
      %dma_start3A_158 = tpu.memref_slice %arg11[%add3A_150, %dma_start3A_157] : memref<128x128xf32, #tpu.memory_space<vmem>> -> memref<1x32xf32, #tpu.memory_space<vmem>>
      %dma_start3A_159 = tpu.memref_squeeze %dma_start3A_158 : memref<1x32xf32, #tpu.memory_space<vmem>> -> memref<32xf32, #tpu.memory_space<vmem>>
      %dma_start3A_160 = arith.constant 0 : i32
      %dma_start3A_161 = tpu.memref_slice %arg2[%squeeze3A_142, %dma_start3A_160] : memref<1100000x32xf32, #tpu.memory_space<hbm>> -> memref<1x32xf32, #tpu.memory_space<hbm>>
      %dma_start3A_162 = tpu.memref_squeeze %dma_start3A_161 : memref<1x32xf32, #tpu.memory_space<hbm>> -> memref<32xf32, #tpu.memory_space<hbm>>
      tpu.enqueue_dma source(%dma_start3A_162 : memref<32xf32, #tpu.memory_space<hbm>>) target(%dma_start3A_159 : memref<32xf32, #tpu.memory_space<vmem>>) target_semaphore(%arg16 : memref<!tpu.dma_semaphore, #tpu.memory_space<semaphore_mem>>)
      %dma_start3A_163 = arith.constant 64 : i32
      %dma_start3A_164 = tpu.memref_slice %arg12[%add3A_150, %dma_start3A_163] : memref<128x128xf32, #tpu.memory_space<vmem>> -> memref<1x32xf32, #tpu.memory_space<vmem>>
      %dma_start3A_165 = tpu.memref_squeeze %dma_start3A_164 : memref<1x32xf32, #tpu.memory_space<vmem>> -> memref<32xf32, #tpu.memory_space<vmem>>
      %dma_start3A_166 = arith.constant 0 : i32
      %dma_start3A_167 = tpu.memref_slice %arg5[%squeeze3A_142, %dma_start3A_166] : memref<1000000x32xf32, #tpu.memory_space<hbm>> -> memref<1x32xf32, #tpu.memory_space<hbm>>
      %dma_start3A_168 = tpu.memref_squeeze %dma_start3A_167 : memref<1x32xf32, #tpu.memory_space<hbm>> -> memref<32xf32, #tpu.memory_space<hbm>>
      %dma_start3A_169 = arith.constant 64 : i32
      %dma_start3A_170 = tpu.memref_slice %arg12[%add3A_150, %dma_start3A_169] : memref<128x128xf32, #tpu.memory_space<vmem>> -> memref<1x32xf32, #tpu.memory_space<vmem>>
      %dma_start3A_171 = tpu.memref_squeeze %dma_start3A_170 : memref<1x32xf32, #tpu.memory_space<vmem>> -> memref<32xf32, #tpu.memory_space<vmem>>
      %dma_start3A_172 = arith.constant 0 : i32
      %dma_start3A_173 = tpu.memref_slice %arg5[%squeeze3A_142, %dma_start3A_172] : memref<1000000x32xf32, #tpu.memory_space<hbm>> -> memref<1x32xf32, #tpu.memory_space<hbm>>
      %dma_start3A_174 = tpu.memref_squeeze %dma_start3A_173 : memref<1x32xf32, #tpu.memory_space<hbm>> -> memref<32xf32, #tpu.memory_space<hbm>>
      tpu.enqueue_dma source(%dma_start3A_174 : memref<32xf32, #tpu.memory_space<hbm>>) target(%dma_start3A_171 : memref<32xf32, #tpu.memory_space<vmem>>) target_semaphore(%arg16 : memref<!tpu.dma_semaphore, #tpu.memory_space<semaphore_mem>>)
      %dma_start3A_175 = arith.constant 64 : i32
      %dma_start3A_176 = tpu.memref_slice %arg13[%add3A_150, %dma_start3A_175] : memref<128x128xf32, #tpu.memory_space<vmem>> -> memref<1x32xf32, #tpu.memory_space<vmem>>
      %dma_start3A_177 = tpu.memref_squeeze %dma_start3A_176 : memref<1x32xf32, #tpu.memory_space<vmem>> -> memref<32xf32, #tpu.memory_space<vmem>>
      %dma_start3A_178 = arith.constant 0 : i32
      %dma_start3A_179 = tpu.memref_slice %arg2[%squeeze3A_146, %dma_start3A_178] : memref<1100000x32xf32, #tpu.memory_space<hbm>> -> memref<1x32xf32, #tpu.memory_space<hbm>>
      %dma_start3A_180 = tpu.memref_squeeze %dma_start3A_179 : memref<1x32xf32, #tpu.memory_space<hbm>> -> memref<32xf32, #tpu.memory_space<hbm>>
      %dma_start3A_181 = arith.constant 64 : i32
      %dma_start3A_182 = tpu.memref_slice %arg13[%add3A_150, %dma_start3A_181] : memref<128x128xf32, #tpu.memory_space<vmem>> -> memref<1x32xf32, #tpu.memory_space<vmem>>
      %dma_start3A_183 = tpu.memref_squeeze %dma_start3A_182 : memref<1x32xf32, #tpu.memory_space<vmem>> -> memref<32xf32, #tpu.memory_space<vmem>>
      %dma_start3A_184 = arith.constant 0 : i32
      %dma_start3A_185 = tpu.memref_slice %arg2[%squeeze3A_146, %dma_start3A_184] : memref<1100000x32xf32, #tpu.memory_space<hbm>> -> memref<1x32xf32, #tpu.memory_space<hbm>>
      %dma_start3A_186 = tpu.memref_squeeze %dma_start3A_185 : memref<1x32xf32, #tpu.memory_space<hbm>> -> memref<32xf32, #tpu.memory_space<hbm>>
      tpu.enqueue_dma source(%dma_start3A_186 : memref<32xf32, #tpu.memory_space<hbm>>) target(%dma_start3A_183 : memref<32xf32, #tpu.memory_space<vmem>>) target_semaphore(%arg16 : memref<!tpu.dma_semaphore, #tpu.memory_space<semaphore_mem>>)
      %dma_start3A_187 = arith.constant 64 : i32
      %dma_start3A_188 = tpu.memref_slice %arg14[%add3A_150, %dma_start3A_187] : memref<128x128xf32, #tpu.memory_space<vmem>> -> memref<1x32xf32, #tpu.memory_space<vmem>>
      %dma_start3A_189 = tpu.memref_squeeze %dma_start3A_188 : memref<1x32xf32, #tpu.memory_space<vmem>> -> memref<32xf32, #tpu.memory_space<vmem>>
      %dma_start3A_190 = arith.constant 0 : i32
      %dma_start3A_191 = tpu.memref_slice %arg6[%squeeze3A_144, %dma_start3A_190] : memref<100000x32xf32, #tpu.memory_space<hbm>> -> memref<1x32xf32, #tpu.memory_space<hbm>>
      %dma_start3A_192 = tpu.memref_squeeze %dma_start3A_191 : memref<1x32xf32, #tpu.memory_space<hbm>> -> memref<32xf32, #tpu.memory_space<hbm>>
      %dma_start3A_193 = arith.constant 64 : i32
      %dma_start3A_194 = tpu.memref_slice %arg14[%add3A_150, %dma_start3A_193] : memref<128x128xf32, #tpu.memory_space<vmem>> -> memref<1x32xf32, #tpu.memory_space<vmem>>
      %dma_start3A_195 = tpu.memref_squeeze %dma_start3A_194 : memref<1x32xf32, #tpu.memory_space<vmem>> -> memref<32xf32, #tpu.memory_space<vmem>>
      %dma_start3A_196 = arith.constant 0 : i32
      %dma_start3A_197 = tpu.memref_slice %arg6[%squeeze3A_144, %dma_start3A_196] : memref<100000x32xf32, #tpu.memory_space<hbm>> -> memref<1x32xf32, #tpu.memory_space<hbm>>
      %dma_start3A_198 = tpu.memref_squeeze %dma_start3A_197 : memref<1x32xf32, #tpu.memory_space<hbm>> -> memref<32xf32, #tpu.memory_space<hbm>>
      tpu.enqueue_dma source(%dma_start3A_198 : memref<32xf32, #tpu.memory_space<hbm>>) target(%dma_start3A_195 : memref<32xf32, #tpu.memory_space<vmem>>) target_semaphore(%arg16 : memref<!tpu.dma_semaphore, #tpu.memory_space<semaphore_mem>>)
      %slice3A_199 = vector.extract_strided_slice %get3A_20 {offsets = [3], sizes = [1], strides = [1]} : vector<16xi32> to vector<1xi32>
      %squeeze3A_200 = vector.extract %slice3A_199[0] : i32 from vector<1xi32>
      %slice3A_201 = vector.extract_strided_slice %get3A_24 {offsets = [3], sizes = [1], strides = [1]} : vector<16xi32> to vector<1xi32>
      %squeeze3A_202 = vector.extract %slice3A_201[0] : i32 from vector<1xi32>
      %slice3A_203 = vector.extract_strided_slice %add3A_27 {offsets = [3], sizes = [1], strides = [1]} : vector<16xi32> to vector<1xi32>
      %squeeze3A_204 = vector.extract %slice3A_203[0] : i32 from vector<1xi32>
      %mul3A_205 = arith.constant 4 : i32
      %mul3A_206 = arith.muli %scan3A_16, %mul3A_205 : i32
      %add3A_207 = arith.constant 0 : i32
      %add3A_208 = arith.addi %mul3A_206, %add3A_207 : i32
      %dma_start3A_209 = arith.constant 96 : i32
      %dma_start3A_210 = tpu.memref_slice %arg11[%add3A_208, %dma_start3A_209] : memref<128x128xf32, #tpu.memory_space<vmem>> -> memref<1x32xf32, #tpu.memory_space<vmem>>
      %dma_start3A_211 = tpu.memref_squeeze %dma_start3A_210 : memref<1x32xf32, #tpu.memory_space<vmem>> -> memref<32xf32, #tpu.memory_space<vmem>>
      %dma_start3A_212 = arith.constant 0 : i32
      %dma_start3A_213 = tpu.memref_slice %arg2[%squeeze3A_200, %dma_start3A_212] : memref<1100000x32xf32, #tpu.memory_space<hbm>> -> memref<1x32xf32, #tpu.memory_space<hbm>>
      %dma_start3A_214 = tpu.memref_squeeze %dma_start3A_213 : memref<1x32xf32, #tpu.memory_space<hbm>> -> memref<32xf32, #tpu.memory_space<hbm>>
      %dma_start3A_215 = arith.constant 96 : i32
      %dma_start3A_216 = tpu.memref_slice %arg11[%add3A_208, %dma_start3A_215] : memref<128x128xf32, #tpu.memory_space<vmem>> -> memref<1x32xf32, #tpu.memory_space<vmem>>
      %dma_start3A_217 = tpu.memref_squeeze %dma_start3A_216 : memref<1x32xf32, #tpu.memory_space<vmem>> -> memref<32xf32, #tpu.memory_space<vmem>>
      %dma_start3A_218 = arith.constant 0 : i32
      %dma_start3A_219 = tpu.memref_slice %arg2[%squeeze3A_200, %dma_start3A_218] : memref<1100000x32xf32, #tpu.memory_space<hbm>> -> memref<1x32xf32, #tpu.memory_space<hbm>>
      %dma_start3A_220 = tpu.memref_squeeze %dma_start3A_219 : memref<1x32xf32, #tpu.memory_space<hbm>> -> memref<32xf32, #tpu.memory_space<hbm>>
      tpu.enqueue_dma source(%dma_start3A_220 : memref<32xf32, #tpu.memory_space<hbm>>) target(%dma_start3A_217 : memref<32xf32, #tpu.memory_space<vmem>>) target_semaphore(%arg16 : memref<!tpu.dma_semaphore, #tpu.memory_space<semaphore_mem>>)
      %dma_start3A_221 = arith.constant 96 : i32
      %dma_start3A_222 = tpu.memref_slice %arg12[%add3A_208, %dma_start3A_221] : memref<128x128xf32, #tpu.memory_space<vmem>> -> memref<1x32xf32, #tpu.memory_space<vmem>>
      %dma_start3A_223 = tpu.memref_squeeze %dma_start3A_222 : memref<1x32xf32, #tpu.memory_space<vmem>> -> memref<32xf32, #tpu.memory_space<vmem>>
      %dma_start3A_224 = arith.constant 0 : i32
      %dma_start3A_225 = tpu.memref_slice %arg5[%squeeze3A_200, %dma_start3A_224] : memref<1000000x32xf32, #tpu.memory_space<hbm>> -> memref<1x32xf32, #tpu.memory_space<hbm>>
      %dma_start3A_226 = tpu.memref_squeeze %dma_start3A_225 : memref<1x32xf32, #tpu.memory_space<hbm>> -> memref<32xf32, #tpu.memory_space<hbm>>
      %dma_start3A_227 = arith.constant 96 : i32
      %dma_start3A_228 = tpu.memref_slice %arg12[%add3A_208, %dma_start3A_227] : memref<128x128xf32, #tpu.memory_space<vmem>> -> memref<1x32xf32, #tpu.memory_space<vmem>>
      %dma_start3A_229 = tpu.memref_squeeze %dma_start3A_228 : memref<1x32xf32, #tpu.memory_space<vmem>> -> memref<32xf32, #tpu.memory_space<vmem>>
      %dma_start3A_230 = arith.constant 0 : i32
      %dma_start3A_231 = tpu.memref_slice %arg5[%squeeze3A_200, %dma_start3A_230] : memref<1000000x32xf32, #tpu.memory_space<hbm>> -> memref<1x32xf32, #tpu.memory_space<hbm>>
      %dma_start3A_232 = tpu.memref_squeeze %dma_start3A_231 : memref<1x32xf32, #tpu.memory_space<hbm>> -> memref<32xf32, #tpu.memory_space<hbm>>
      tpu.enqueue_dma source(%dma_start3A_232 : memref<32xf32, #tpu.memory_space<hbm>>) target(%dma_start3A_229 : memref<32xf32, #tpu.memory_space<vmem>>) target_semaphore(%arg16 : memref<!tpu.dma_semaphore, #tpu.memory_space<semaphore_mem>>)
      %dma_start3A_233 = arith.constant 96 : i32
      %dma_start3A_234 = tpu.memref_slice %arg13[%add3A_208, %dma_start3A_233] : memref<128x128xf32, #tpu.memory_space<vmem>> -> memref<1x32xf32, #tpu.memory_space<vmem>>
      %dma_start3A_235 = tpu.memref_squeeze %dma_start3A_234 : memref<1x32xf32, #tpu.memory_space<vmem>> -> memref<32xf32, #tpu.memory_space<vmem>>
      %dma_start3A_236 = arith.constant 0 : i32
      %dma_start3A_237 = tpu.memref_slice %arg2[%squeeze3A_204, %dma_start3A_236] : memref<1100000x32xf32, #tpu.memory_space<hbm>> -> memref<1x32xf32, #tpu.memory_space<hbm>>
      %dma_start3A_238 = tpu.memref_squeeze %dma_start3A_237 : memref<1x32xf32, #tpu.memory_space<hbm>> -> memref<32xf32, #tpu.memory_space<hbm>>
      %dma_start3A_239 = arith.constant 96 : i32
      %dma_start3A_240 = tpu.memref_slice %arg13[%add3A_208, %dma_start3A_239] : memref<128x128xf32, #tpu.memory_space<vmem>> -> memref<1x32xf32, #tpu.memory_space<vmem>>
      %dma_start3A_241 = tpu.memref_squeeze %dma_start3A_240 : memref<1x32xf32, #tpu.memory_space<vmem>> -> memref<32xf32, #tpu.memory_space<vmem>>
      %dma_start3A_242 = arith.constant 0 : i32
      %dma_start3A_243 = tpu.memref_slice %arg2[%squeeze3A_204, %dma_start3A_242] : memref<1100000x32xf32, #tpu.memory_space<hbm>> -> memref<1x32xf32, #tpu.memory_space<hbm>>
      %dma_start3A_244 = tpu.memref_squeeze %dma_start3A_243 : memref<1x32xf32, #tpu.memory_space<hbm>> -> memref<32xf32, #tpu.memory_space<hbm>>
      tpu.enqueue_dma source(%dma_start3A_244 : memref<32xf32, #tpu.memory_space<hbm>>) target(%dma_start3A_241 : memref<32xf32, #tpu.memory_space<vmem>>) target_semaphore(%arg16 : memref<!tpu.dma_semaphore, #tpu.memory_space<semaphore_mem>>)
      %dma_start3A_245 = arith.constant 96 : i32
      %dma_start3A_246 = tpu.memref_slice %arg14[%add3A_208, %dma_start3A_245] : memref<128x128xf32, #tpu.memory_space<vmem>> -> memref<1x32xf32, #tpu.memory_space<vmem>>
      %dma_start3A_247 = tpu.memref_squeeze %dma_start3A_246 : memref<1x32xf32, #tpu.memory_space<vmem>> -> memref<32xf32, #tpu.memory_space<vmem>>
      %dma_start3A_248 = arith.constant 0 : i32
      %dma_start3A_249 = tpu.memref_slice %arg6[%squeeze3A_202, %dma_start3A_248] : memref<100000x32xf32, #tpu.memory_space<hbm>> -> memref<1x32xf32, #tpu.memory_space<hbm>>
      %dma_start3A_250 = tpu.memref_squeeze %dma_start3A_249 : memref<1x32xf32, #tpu.memory_space<hbm>> -> memref<32xf32, #tpu.memory_space<hbm>>
      %dma_start3A_251 = arith.constant 96 : i32
      %dma_start3A_252 = tpu.memref_slice %arg14[%add3A_208, %dma_start3A_251] : memref<128x128xf32, #tpu.memory_space<vmem>> -> memref<1x32xf32, #tpu.memory_space<vmem>>
      %dma_start3A_253 = tpu.memref_squeeze %dma_start3A_252 : memref<1x32xf32, #tpu.memory_space<vmem>> -> memref<32xf32, #tpu.memory_space<vmem>>
      %dma_start3A_254 = arith.constant 0 : i32
      %dma_start3A_255 = tpu.memref_slice %arg6[%squeeze3A_202, %dma_start3A_254] : memref<100000x32xf32, #tpu.memory_space<hbm>> -> memref<1x32xf32, #tpu.memory_space<hbm>>
      %dma_start3A_256 = tpu.memref_squeeze %dma_start3A_255 : memref<1x32xf32, #tpu.memory_space<hbm>> -> memref<32xf32, #tpu.memory_space<hbm>>
      tpu.enqueue_dma source(%dma_start3A_256 : memref<32xf32, #tpu.memory_space<hbm>>) target(%dma_start3A_253 : memref<32xf32, #tpu.memory_space<vmem>>) target_semaphore(%arg16 : memref<!tpu.dma_semaphore, #tpu.memory_space<semaphore_mem>>)
      %slice3A_257 = vector.extract_strided_slice %get3A_20 {offsets = [4], sizes = [1], strides = [1]} : vector<16xi32> to vector<1xi32>
      %squeeze3A_258 = vector.extract %slice3A_257[0] : i32 from vector<1xi32>
      %slice3A_259 = vector.extract_strided_slice %get3A_24 {offsets = [4], sizes = [1], strides = [1]} : vector<16xi32> to vector<1xi32>
      %squeeze3A_260 = vector.extract %slice3A_259[0] : i32 from vector<1xi32>
      %slice3A_261 = vector.extract_strided_slice %add3A_27 {offsets = [4], sizes = [1], strides = [1]} : vector<16xi32> to vector<1xi32>
      %squeeze3A_262 = vector.extract %slice3A_261[0] : i32 from vector<1xi32>
      %mul3A_263 = arith.constant 4 : i32
      %mul3A_264 = arith.muli %scan3A_16, %mul3A_263 : i32
      %add3A_265 = arith.constant 1 : i32
      %add3A_266 = arith.addi %mul3A_264, %add3A_265 : i32
      %dma_start3A_267 = arith.constant 0 : i32
      %dma_start3A_268 = tpu.memref_slice %arg11[%add3A_266, %dma_start3A_267] : memref<128x128xf32, #tpu.memory_space<vmem>> -> memref<1x32xf32, #tpu.memory_space<vmem>>
      %dma_start3A_269 = tpu.memref_squeeze %dma_start3A_268 : memref<1x32xf32, #tpu.memory_space<vmem>> -> memref<32xf32, #tpu.memory_space<vmem>>
      %dma_start3A_270 = arith.constant 0 : i32
      %dma_start3A_271 = tpu.memref_slice %arg2[%squeeze3A_258, %dma_start3A_270] : memref<1100000x32xf32, #tpu.memory_space<hbm>> -> memref<1x32xf32, #tpu.memory_space<hbm>>
      %dma_start3A_272 = tpu.memref_squeeze %dma_start3A_271 : memref<1x32xf32, #tpu.memory_space<hbm>> -> memref<32xf32, #tpu.memory_space<hbm>>
      %dma_start3A_273 = arith.constant 0 : i32
      %dma_start3A_274 = tpu.memref_slice %arg11[%add3A_266, %dma_start3A_273] : memref<128x128xf32, #tpu.memory_space<vmem>> -> memref<1x32xf32, #tpu.memory_space<vmem>>
      %dma_start3A_275 = tpu.memref_squeeze %dma_start3A_274 : memref<1x32xf32, #tpu.memory_space<vmem>> -> memref<32xf32, #tpu.memory_space<vmem>>
      %dma_start3A_276 = arith.constant 0 : i32
      %dma_start3A_277 = tpu.memref_slice %arg2[%squeeze3A_258, %dma_start3A_276] : memref<1100000x32xf32, #tpu.memory_space<hbm>> -> memref<1x32xf32, #tpu.memory_space<hbm>>
      %dma_start3A_278 = tpu.memref_squeeze %dma_start3A_277 : memref<1x32xf32, #tpu.memory_space<hbm>> -> memref<32xf32, #tpu.memory_space<hbm>>
      tpu.enqueue_dma source(%dma_start3A_278 : memref<32xf32, #tpu.memory_space<hbm>>) target(%dma_start3A_275 : memref<32xf32, #tpu.memory_space<vmem>>) target_semaphore(%arg16 : memref<!tpu.dma_semaphore, #tpu.memory_space<semaphore_mem>>)
      %dma_start3A_279 = arith.constant 0 : i32
      %dma_start3A_280 = tpu.memref_slice %arg12[%add3A_266, %dma_start3A_279] : memref<128x128xf32, #tpu.memory_space<vmem>> -> memref<1x32xf32, #tpu.memory_space<vmem>>
      %dma_start3A_281 = tpu.memref_squeeze %dma_start3A_280 : memref<1x32xf32, #tpu.memory_space<vmem>> -> memref<32xf32, #tpu.memory_space<vmem>>
      %dma_start3A_282 = arith.constant 0 : i32
      %dma_start3A_283 = tpu.memref_slice %arg5[%squeeze3A_258, %dma_start3A_282] : memref<1000000x32xf32, #tpu.memory_space<hbm>> -> memref<1x32xf32, #tpu.memory_space<hbm>>
      %dma_start3A_284 = tpu.memref_squeeze %dma_start3A_283 : memref<1x32xf32, #tpu.memory_space<hbm>> -> memref<32xf32, #tpu.memory_space<hbm>>
      %dma_start3A_285 = arith.constant 0 : i32
      %dma_start3A_286 = tpu.memref_slice %arg12[%add3A_266, %dma_start3A_285] : memref<128x128xf32, #tpu.memory_space<vmem>> -> memref<1x32xf32, #tpu.memory_space<vmem>>
      %dma_start3A_287 = tpu.memref_squeeze %dma_start3A_286 : memref<1x32xf32, #tpu.memory_space<vmem>> -> memref<32xf32, #tpu.memory_space<vmem>>
      %dma_start3A_288 = arith.constant 0 : i32
      %dma_start3A_289 = tpu.memref_slice %arg5[%squeeze3A_258, %dma_start3A_288] : memref<1000000x32xf32, #tpu.memory_space<hbm>> -> memref<1x32xf32, #tpu.memory_space<hbm>>
      %dma_start3A_290 = tpu.memref_squeeze %dma_start3A_289 : memref<1x32xf32, #tpu.memory_space<hbm>> -> memref<32xf32, #tpu.memory_space<hbm>>
      tpu.enqueue_dma source(%dma_start3A_290 : memref<32xf32, #tpu.memory_space<hbm>>) target(%dma_start3A_287 : memref<32xf32, #tpu.memory_space<vmem>>) target_semaphore(%arg16 : memref<!tpu.dma_semaphore, #tpu.memory_space<semaphore_mem>>)
      %dma_start3A_291 = arith.constant 0 : i32
      %dma_start3A_292 = tpu.memref_slice %arg13[%add3A_266, %dma_start3A_291] : memref<128x128xf32, #tpu.memory_space<vmem>> -> memref<1x32xf32, #tpu.memory_space<vmem>>
      %dma_start3A_293 = tpu.memref_squeeze %dma_start3A_292 : memref<1x32xf32, #tpu.memory_space<vmem>> -> memref<32xf32, #tpu.memory_space<vmem>>
      %dma_start3A_294 = arith.constant 0 : i32
      %dma_start3A_295 = tpu.memref_slice %arg2[%squeeze3A_262, %dma_start3A_294] : memref<1100000x32xf32, #tpu.memory_space<hbm>> -> memref<1x32xf32, #tpu.memory_space<hbm>>
      %dma_start3A_296 = tpu.memref_squeeze %dma_start3A_295 : memref<1x32xf32, #tpu.memory_space<hbm>> -> memref<32xf32, #tpu.memory_space<hbm>>
      %dma_start3A_297 = arith.constant 0 : i32
      %dma_start3A_298 = tpu.memref_slice %arg13[%add3A_266, %dma_start3A_297] : memref<128x128xf32, #tpu.memory_space<vmem>> -> memref<1x32xf32, #tpu.memory_space<vmem>>
      %dma_start3A_299 = tpu.memref_squeeze %dma_start3A_298 : memref<1x32xf32, #tpu.memory_space<vmem>> -> memref<32xf32, #tpu.memory_space<vmem>>
      %dma_start3A_300 = arith.constant 0 : i32
      %dma_start3A_301 = tpu.memref_slice %arg2[%squeeze3A_262, %dma_start3A_300] : memref<1100000x32xf32, #tpu.memory_space<hbm>> -> memref<1x32xf32, #tpu.memory_space<hbm>>
      %dma_start3A_302 = tpu.memref_squeeze %dma_start3A_301 : memref<1x32xf32, #tpu.memory_space<hbm>> -> memref<32xf32, #tpu.memory_space<hbm>>
      tpu.enqueue_dma source(%dma_start3A_302 : memref<32xf32, #tpu.memory_space<hbm>>) target(%dma_start3A_299 : memref<32xf32, #tpu.memory_space<vmem>>) target_semaphore(%arg16 : memref<!tpu.dma_semaphore, #tpu.memory_space<semaphore_mem>>)
      %dma_start3A_303 = arith.constant 0 : i32
      %dma_start3A_304 = tpu.memref_slice %arg14[%add3A_266, %dma_start3A_303] : memref<128x128xf32, #tpu.memory_space<vmem>> -> memref<1x32xf32, #tpu.memory_space<vmem>>
      %dma_start3A_305 = tpu.memref_squeeze %dma_start3A_304 : memref<1x32xf32, #tpu.memory_space<vmem>> -> memref<32xf32, #tpu.memory_space<vmem>>
      %dma_start3A_306 = arith.constant 0 : i32
      %dma_start3A_307 = tpu.memref_slice %arg6[%squeeze3A_260, %dma_start3A_306] : memref<100000x32xf32, #tpu.memory_space<hbm>> -> memref<1x32xf32, #tpu.memory_space<hbm>>
      %dma_start3A_308 = tpu.memref_squeeze %dma_start3A_307 : memref<1x32xf32, #tpu.memory_space<hbm>> -> memref<32xf32, #tpu.memory_space<hbm>>
      %dma_start3A_309 = arith.constant 0 : i32
      %dma_start3A_310 = tpu.memref_slice %arg14[%add3A_266, %dma_start3A_309] : memref<128x128xf32, #tpu.memory_space<vmem>> -> memref<1x32xf32, #tpu.memory_space<vmem>>
      %dma_start3A_311 = tpu.memref_squeeze %dma_start3A_310 : memref<1x32xf32, #tpu.memory_space<vmem>> -> memref<32xf32, #tpu.memory_space<vmem>>
      %dma_start3A_312 = arith.constant 0 : i32
      %dma_start3A_313 = tpu.memref_slice %arg6[%squeeze3A_260, %dma_start3A_312] : memref<100000x32xf32, #tpu.memory_space<hbm>> -> memref<1x32xf32, #tpu.memory_space<hbm>>
      %dma_start3A_314 = tpu.memref_squeeze %dma_start3A_313 : memref<1x32xf32, #tpu.memory_space<hbm>> -> memref<32xf32, #tpu.memory_space<hbm>>
      tpu.enqueue_dma source(%dma_start3A_314 : memref<32xf32, #tpu.memory_space<hbm>>) target(%dma_start3A_311 : memref<32xf32, #tpu.memory_space<vmem>>) target_semaphore(%arg16 : memref<!tpu.dma_semaphore, #tpu.memory_space<semaphore_mem>>)
      %slice3A_315 = vector.extract_strided_slice %get3A_20 {offsets = [5], sizes = [1], strides = [1]} : vector<16xi32> to vector<1xi32>
      %squeeze3A_316 = vector.extract %slice3A_315[0] : i32 from vector<1xi32>
      %slice3A_317 = vector.extract_strided_slice %get3A_24 {offsets = [5], sizes = [1], strides = [1]} : vector<16xi32> to vector<1xi32>
      %squeeze3A_318 = vector.extract %slice3A_317[0] : i32 from vector<1xi32>
      %slice3A_319 = vector.extract_strided_slice %add3A_27 {offsets = [5], sizes = [1], strides = [1]} : vector<16xi32> to vector<1xi32>
      %squeeze3A_320 = vector.extract %slice3A_319[0] : i32 from vector<1xi32>
      %mul3A_321 = arith.constant 4 : i32
      %mul3A_322 = arith.muli %scan3A_16, %mul3A_321 : i32
      %add3A_323 = arith.constant 1 : i32
      %add3A_324 = arith.addi %mul3A_322, %add3A_323 : i32
      %dma_start3A_325 = arith.constant 32 : i32
      %dma_start3A_326 = tpu.memref_slice %arg11[%add3A_324, %dma_start3A_325] : memref<128x128xf32, #tpu.memory_space<vmem>> -> memref<1x32xf32, #tpu.memory_space<vmem>>
      %dma_start3A_327 = tpu.memref_squeeze %dma_start3A_326 : memref<1x32xf32, #tpu.memory_space<vmem>> -> memref<32xf32, #tpu.memory_space<vmem>>
      %dma_start3A_328 = arith.constant 0 : i32
      %dma_start3A_329 = tpu.memref_slice %arg2[%squeeze3A_316, %dma_start3A_328] : memref<1100000x32xf32, #tpu.memory_space<hbm>> -> memref<1x32xf32, #tpu.memory_space<hbm>>
      %dma_start3A_330 = tpu.memref_squeeze %dma_start3A_329 : memref<1x32xf32, #tpu.memory_space<hbm>> -> memref<32xf32, #tpu.memory_space<hbm>>
      %dma_start3A_331 = arith.constant 32 : i32
      %dma_start3A_332 = tpu.memref_slice %arg11[%add3A_324, %dma_start3A_331] : memref<128x128xf32, #tpu.memory_space<vmem>> -> memref<1x32xf32, #tpu.memory_space<vmem>>
      %dma_start3A_333 = tpu.memref_squeeze %dma_start3A_332 : memref<1x32xf32, #tpu.memory_space<vmem>> -> memref<32xf32, #tpu.memory_space<vmem>>
      %dma_start3A_334 = arith.constant 0 : i32
      %dma_start3A_335 = tpu.memref_slice %arg2[%squeeze3A_316, %dma_start3A_334] : memref<1100000x32xf32, #tpu.memory_space<hbm>> -> memref<1x32xf32, #tpu.memory_space<hbm>>
      %dma_start3A_336 = tpu.memref_squeeze %dma_start3A_335 : memref<1x32xf32, #tpu.memory_space<hbm>> -> memref<32xf32, #tpu.memory_space<hbm>>
      tpu.enqueue_dma source(%dma_start3A_336 : memref<32xf32, #tpu.memory_space<hbm>>) target(%dma_start3A_333 : memref<32xf32, #tpu.memory_space<vmem>>) target_semaphore(%arg16 : memref<!tpu.dma_semaphore, #tpu.memory_space<semaphore_mem>>)
      %dma_start3A_337 = arith.constant 32 : i32
      %dma_start3A_338 = tpu.memref_slice %arg12[%add3A_324, %dma_start3A_337] : memref<128x128xf32, #tpu.memory_space<vmem>> -> memref<1x32xf32, #tpu.memory_space<vmem>>
      %dma_start3A_339 = tpu.memref_squeeze %dma_start3A_338 : memref<1x32xf32, #tpu.memory_space<vmem>> -> memref<32xf32, #tpu.memory_space<vmem>>
      %dma_start3A_340 = arith.constant 0 : i32
      %dma_start3A_341 = tpu.memref_slice %arg5[%squeeze3A_316, %dma_start3A_340] : memref<1000000x32xf32, #tpu.memory_space<hbm>> -> memref<1x32xf32, #tpu.memory_space<hbm>>
      %dma_start3A_342 = tpu.memref_squeeze %dma_start3A_341 : memref<1x32xf32, #tpu.memory_space<hbm>> -> memref<32xf32, #tpu.memory_space<hbm>>
      %dma_start3A_343 = arith.constant 32 : i32
      %dma_start3A_344 = tpu.memref_slice %arg12[%add3A_324, %dma_start3A_343] : memref<128x128xf32, #tpu.memory_space<vmem>> -> memref<1x32xf32, #tpu.memory_space<vmem>>
      %dma_start3A_345 = tpu.memref_squeeze %dma_start3A_344 : memref<1x32xf32, #tpu.memory_space<vmem>> -> memref<32xf32, #tpu.memory_space<vmem>>
      %dma_start3A_346 = arith.constant 0 : i32
      %dma_start3A_347 = tpu.memref_slice %arg5[%squeeze3A_316, %dma_start3A_346] : memref<1000000x32xf32, #tpu.memory_space<hbm>> -> memref<1x32xf32, #tpu.memory_space<hbm>>
      %dma_start3A_348 = tpu.memref_squeeze %dma_start3A_347 : memref<1x32xf32, #tpu.memory_space<hbm>> -> memref<32xf32, #tpu.memory_space<hbm>>
      tpu.enqueue_dma source(%dma_start3A_348 : memref<32xf32, #tpu.memory_space<hbm>>) target(%dma_start3A_345 : memref<32xf32, #tpu.memory_space<vmem>>) target_semaphore(%arg16 : memref<!tpu.dma_semaphore, #tpu.memory_space<semaphore_mem>>)
      %dma_start3A_349 = arith.constant 32 : i32
      %dma_start3A_350 = tpu.memref_slice %arg13[%add3A_324, %dma_start3A_349] : memref<128x128xf32, #tpu.memory_space<vmem>> -> memref<1x32xf32, #tpu.memory_space<vmem>>
      %dma_start3A_351 = tpu.memref_squeeze %dma_start3A_350 : memref<1x32xf32, #tpu.memory_space<vmem>> -> memref<32xf32, #tpu.memory_space<vmem>>
      %dma_start3A_352 = arith.constant 0 : i32
      %dma_start3A_353 = tpu.memref_slice %arg2[%squeeze3A_320, %dma_start3A_352] : memref<1100000x32xf32, #tpu.memory_space<hbm>> -> memref<1x32xf32, #tpu.memory_space<hbm>>
      %dma_start3A_354 = tpu.memref_squeeze %dma_start3A_353 : memref<1x32xf32, #tpu.memory_space<hbm>> -> memref<32xf32, #tpu.memory_space<hbm>>
      %dma_start3A_355 = arith.constant 32 : i32
      %dma_start3A_356 = tpu.memref_slice %arg13[%add3A_324, %dma_start3A_355] : memref<128x128xf32, #tpu.memory_space<vmem>> -> memref<1x32xf32, #tpu.memory_space<vmem>>
      %dma_start3A_357 = tpu.memref_squeeze %dma_start3A_356 : memref<1x32xf32, #tpu.memory_space<vmem>> -> memref<32xf32, #tpu.memory_space<vmem>>
      %dma_start3A_358 = arith.constant 0 : i32
      %dma_start3A_359 = tpu.memref_slice %arg2[%squeeze3A_320, %dma_start3A_358] : memref<1100000x32xf32, #tpu.memory_space<hbm>> -> memref<1x32xf32, #tpu.memory_space<hbm>>
      %dma_start3A_360 = tpu.memref_squeeze %dma_start3A_359 : memref<1x32xf32, #tpu.memory_space<hbm>> -> memref<32xf32, #tpu.memory_space<hbm>>
      tpu.enqueue_dma source(%dma_start3A_360 : memref<32xf32, #tpu.memory_space<hbm>>) target(%dma_start3A_357 : memref<32xf32, #tpu.memory_space<vmem>>) target_semaphore(%arg16 : memref<!tpu.dma_semaphore, #tpu.memory_space<semaphore_mem>>)
      %dma_start3A_361 = arith.constant 32 : i32
      %dma_start3A_362 = tpu.memref_slice %arg14[%add3A_324, %dma_start3A_361] : memref<128x128xf32, #tpu.memory_space<vmem>> -> memref<1x32xf32, #tpu.memory_space<vmem>>
      %dma_start3A_363 = tpu.memref_squeeze %dma_start3A_362 : memref<1x32xf32, #tpu.memory_space<vmem>> -> memref<32xf32, #tpu.memory_space<vmem>>
      %dma_start3A_364 = arith.constant 0 : i32
      %dma_start3A_365 = tpu.memref_slice %arg6[%squeeze3A_318, %dma_start3A_364] : memref<100000x32xf32, #tpu.memory_space<hbm>> -> memref<1x32xf32, #tpu.memory_space<hbm>>
      %dma_start3A_366 = tpu.memref_squeeze %dma_start3A_365 : memref<1x32xf32, #tpu.memory_space<hbm>> -> memref<32xf32, #tpu.memory_space<hbm>>
      %dma_start3A_367 = arith.constant 32 : i32
      %dma_start3A_368 = tpu.memref_slice %arg14[%add3A_324, %dma_start3A_367] : memref<128x128xf32, #tpu.memory_space<vmem>> -> memref<1x32xf32, #tpu.memory_space<vmem>>
      %dma_start3A_369 = tpu.memref_squeeze %dma_start3A_368 : memref<1x32xf32, #tpu.memory_space<vmem>> -> memref<32xf32, #tpu.memory_space<vmem>>
      %dma_start3A_370 = arith.constant 0 : i32
      %dma_start3A_371 = tpu.memref_slice %arg6[%squeeze3A_318, %dma_start3A_370] : memref<100000x32xf32, #tpu.memory_space<hbm>> -> memref<1x32xf32, #tpu.memory_space<hbm>>
      %dma_start3A_372 = tpu.memref_squeeze %dma_start3A_371 : memref<1x32xf32, #tpu.memory_space<hbm>> -> memref<32xf32, #tpu.memory_space<hbm>>
      tpu.enqueue_dma source(%dma_start3A_372 : memref<32xf32, #tpu.memory_space<hbm>>) target(%dma_start3A_369 : memref<32xf32, #tpu.memory_space<vmem>>) target_semaphore(%arg16 : memref<!tpu.dma_semaphore, #tpu.memory_space<semaphore_mem>>)
      %slice3A_373 = vector.extract_strided_slice %get3A_20 {offsets = [6], sizes = [1], strides = [1]} : vector<16xi32> to vector<1xi32>
      %squeeze3A_374 = vector.extract %slice3A_373[0] : i32 from vector<1xi32>
      %slice3A_375 = vector.extract_strided_slice %get3A_24 {offsets = [6], sizes = [1], strides = [1]} : vector<16xi32> to vector<1xi32>
      %squeeze3A_376 = vector.extract %slice3A_375[0] : i32 from vector<1xi32>
      %slice3A_377 = vector.extract_strided_slice %add3A_27 {offsets = [6], sizes = [1], strides = [1]} : vector<16xi32> to vector<1xi32>
      %squeeze3A_378 = vector.extract %slice3A_377[0] : i32 from vector<1xi32>
      %mul3A_379 = arith.constant 4 : i32
      %mul3A_380 = arith.muli %scan3A_16, %mul3A_379 : i32
      %add3A_381 = arith.constant 1 : i32
      %add3A_382 = arith.addi %mul3A_380, %add3A_381 : i32
      %dma_start3A_383 = arith.constant 64 : i32
      %dma_start3A_384 = tpu.memref_slice %arg11[%add3A_382, %dma_start3A_383] : memref<128x128xf32, #tpu.memory_space<vmem>> -> memref<1x32xf32, #tpu.memory_space<vmem>>
      %dma_start3A_385 = tpu.memref_squeeze %dma_start3A_384 : memref<1x32xf32, #tpu.memory_space<vmem>> -> memref<32xf32, #tpu.memory_space<vmem>>
      %dma_start3A_386 = arith.constant 0 : i32
      %dma_start3A_387 = tpu.memref_slice %arg2[%squeeze3A_374, %dma_start3A_386] : memref<1100000x32xf32, #tpu.memory_space<hbm>> -> memref<1x32xf32, #tpu.memory_space<hbm>>
      %dma_start3A_388 = tpu.memref_squeeze %dma_start3A_387 : memref<1x32xf32, #tpu.memory_space<hbm>> -> memref<32xf32, #tpu.memory_space<hbm>>
      %dma_start3A_389 = arith.constant 64 : i32
      %dma_start3A_390 = tpu.memref_slice %arg11[%add3A_382, %dma_start3A_389] : memref<128x128xf32, #tpu.memory_space<vmem>> -> memref<1x32xf32, #tpu.memory_space<vmem>>
      %dma_start3A_391 = tpu.memref_squeeze %dma_start3A_390 : memref<1x32xf32, #tpu.memory_space<vmem>> -> memref<32xf32, #tpu.memory_space<vmem>>
      %dma_start3A_392 = arith.constant 0 : i32
      %dma_start3A_393 = tpu.memref_slice %arg2[%squeeze3A_374, %dma_start3A_392] : memref<1100000x32xf32, #tpu.memory_space<hbm>> -> memref<1x32xf32, #tpu.memory_space<hbm>>
      %dma_start3A_394 = tpu.memref_squeeze %dma_start3A_393 : memref<1x32xf32, #tpu.memory_space<hbm>> -> memref<32xf32, #tpu.memory_space<hbm>>
      tpu.enqueue_dma source(%dma_start3A_394 : memref<32xf32, #tpu.memory_space<hbm>>) target(%dma_start3A_391 : memref<32xf32, #tpu.memory_space<vmem>>) target_semaphore(%arg16 : memref<!tpu.dma_semaphore, #tpu.memory_space<semaphore_mem>>)
      %dma_start3A_395 = arith.constant 64 : i32
      %dma_start3A_396 = tpu.memref_slice %arg12[%add3A_382, %dma_start3A_395] : memref<128x128xf32, #tpu.memory_space<vmem>> -> memref<1x32xf32, #tpu.memory_space<vmem>>
      %dma_start3A_397 = tpu.memref_squeeze %dma_start3A_396 : memref<1x32xf32, #tpu.memory_space<vmem>> -> memref<32xf32, #tpu.memory_space<vmem>>
      %dma_start3A_398 = arith.constant 0 : i32
      %dma_start3A_399 = tpu.memref_slice %arg5[%squeeze3A_374, %dma_start3A_398] : memref<1000000x32xf32, #tpu.memory_space<hbm>> -> memref<1x32xf32, #tpu.memory_space<hbm>>
      %dma_start3A_400 = tpu.memref_squeeze %dma_start3A_399 : memref<1x32xf32, #tpu.memory_space<hbm>> -> memref<32xf32, #tpu.memory_space<hbm>>
      %dma_start3A_401 = arith.constant 64 : i32
      %dma_start3A_402 = tpu.memref_slice %arg12[%add3A_382, %dma_start3A_401] : memref<128x128xf32, #tpu.memory_space<vmem>> -> memref<1x32xf32, #tpu.memory_space<vmem>>
      %dma_start3A_403 = tpu.memref_squeeze %dma_start3A_402 : memref<1x32xf32, #tpu.memory_space<vmem>> -> memref<32xf32, #tpu.memory_space<vmem>>
      %dma_start3A_404 = arith.constant 0 : i32
      %dma_start3A_405 = tpu.memref_slice %arg5[%squeeze3A_374, %dma_start3A_404] : memref<1000000x32xf32, #tpu.memory_space<hbm>> -> memref<1x32xf32, #tpu.memory_space<hbm>>
      %dma_start3A_406 = tpu.memref_squeeze %dma_start3A_405 : memref<1x32xf32, #tpu.memory_space<hbm>> -> memref<32xf32, #tpu.memory_space<hbm>>
      tpu.enqueue_dma source(%dma_start3A_406 : memref<32xf32, #tpu.memory_space<hbm>>) target(%dma_start3A_403 : memref<32xf32, #tpu.memory_space<vmem>>) target_semaphore(%arg16 : memref<!tpu.dma_semaphore, #tpu.memory_space<semaphore_mem>>)
      %dma_start3A_407 = arith.constant 64 : i32
      %dma_start3A_408 = tpu.memref_slice %arg13[%add3A_382, %dma_start3A_407] : memref<128x128xf32, #tpu.memory_space<vmem>> -> memref<1x32xf32, #tpu.memory_space<vmem>>
      %dma_start3A_409 = tpu.memref_squeeze %dma_start3A_408 : memref<1x32xf32, #tpu.memory_space<vmem>> -> memref<32xf32, #tpu.memory_space<vmem>>
      %dma_start3A_410 = arith.constant 0 : i32
      %dma_start3A_411 = tpu.memref_slice %arg2[%squeeze3A_378, %dma_start3A_410] : memref<1100000x32xf32, #tpu.memory_space<hbm>> -> memref<1x32xf32, #tpu.memory_space<hbm>>
      %dma_start3A_412 = tpu.memref_squeeze %dma_start3A_411 : memref<1x32xf32, #tpu.memory_space<hbm>> -> memref<32xf32, #tpu.memory_space<hbm>>
      %dma_start3A_413 = arith.constant 64 : i32
      %dma_start3A_414 = tpu.memref_slice %arg13[%add3A_382, %dma_start3A_413] : memref<128x128xf32, #tpu.memory_space<vmem>> -> memref<1x32xf32, #tpu.memory_space<vmem>>
      %dma_start3A_415 = tpu.memref_squeeze %dma_start3A_414 : memref<1x32xf32, #tpu.memory_space<vmem>> -> memref<32xf32, #tpu.memory_space<vmem>>
      %dma_start3A_416 = arith.constant 0 : i32
      %dma_start3A_417 = tpu.memref_slice %arg2[%squeeze3A_378, %dma_start3A_416] : memref<1100000x32xf32, #tpu.memory_space<hbm>> -> memref<1x32xf32, #tpu.memory_space<hbm>>
      %dma_start3A_418 = tpu.memref_squeeze %dma_start3A_417 : memref<1x32xf32, #tpu.memory_space<hbm>> -> memref<32xf32, #tpu.memory_space<hbm>>
      tpu.enqueue_dma source(%dma_start3A_418 : memref<32xf32, #tpu.memory_space<hbm>>) target(%dma_start3A_415 : memref<32xf32, #tpu.memory_space<vmem>>) target_semaphore(%arg16 : memref<!tpu.dma_semaphore, #tpu.memory_space<semaphore_mem>>)
      %dma_start3A_419 = arith.constant 64 : i32
      %dma_start3A_420 = tpu.memref_slice %arg14[%add3A_382, %dma_start3A_419] : memref<128x128xf32, #tpu.memory_space<vmem>> -> memref<1x32xf32, #tpu.memory_space<vmem>>
      %dma_start3A_421 = tpu.memref_squeeze %dma_start3A_420 : memref<1x32xf32, #tpu.memory_space<vmem>> -> memref<32xf32, #tpu.memory_space<vmem>>
      %dma_start3A_422 = arith.constant 0 : i32
      %dma_start3A_423 = tpu.memref_slice %arg6[%squeeze3A_376, %dma_start3A_422] : memref<100000x32xf32, #tpu.memory_space<hbm>> -> memref<1x32xf32, #tpu.memory_space<hbm>>
      %dma_start3A_424 = tpu.memref_squeeze %dma_start3A_423 : memref<1x32xf32, #tpu.memory_space<hbm>> -> memref<32xf32, #tpu.memory_space<hbm>>
      %dma_start3A_425 = arith.constant 64 : i32
      %dma_start3A_426 = tpu.memref_slice %arg14[%add3A_382, %dma_start3A_425] : memref<128x128xf32, #tpu.memory_space<vmem>> -> memref<1x32xf32, #tpu.memory_space<vmem>>
      %dma_start3A_427 = tpu.memref_squeeze %dma_start3A_426 : memref<1x32xf32, #tpu.memory_space<vmem>> -> memref<32xf32, #tpu.memory_space<vmem>>
      %dma_start3A_428 = arith.constant 0 : i32
      %dma_start3A_429 = tpu.memref_slice %arg6[%squeeze3A_376, %dma_start3A_428] : memref<100000x32xf32, #tpu.memory_space<hbm>> -> memref<1x32xf32, #tpu.memory_space<hbm>>
      %dma_start3A_430 = tpu.memref_squeeze %dma_start3A_429 : memref<1x32xf32, #tpu.memory_space<hbm>> -> memref<32xf32, #tpu.memory_space<hbm>>
      tpu.enqueue_dma source(%dma_start3A_430 : memref<32xf32, #tpu.memory_space<hbm>>) target(%dma_start3A_427 : memref<32xf32, #tpu.memory_space<vmem>>) target_semaphore(%arg16 : memref<!tpu.dma_semaphore, #tpu.memory_space<semaphore_mem>>)
      %slice3A_431 = vector.extract_strided_slice %get3A_20 {offsets = [7], sizes = [1], strides = [1]} : vector<16xi32> to vector<1xi32>
      %squeeze3A_432 = vector.extract %slice3A_431[0] : i32 from vector<1xi32>
      %slice3A_433 = vector.extract_strided_slice %get3A_24 {offsets = [7], sizes = [1], strides = [1]} : vector<16xi32> to vector<1xi32>
      %squeeze3A_434 = vector.extract %slice3A_433[0] : i32 from vector<1xi32>
      %slice3A_435 = vector.extract_strided_slice %add3A_27 {offsets = [7], sizes = [1], strides = [1]} : vector<16xi32> to vector<1xi32>
      %squeeze3A_436 = vector.extract %slice3A_435[0] : i32 from vector<1xi32>
      %mul3A_437 = arith.constant 4 : i32
      %mul3A_438 = arith.muli %scan3A_16, %mul3A_437 : i32
      %add3A_439 = arith.constant 1 : i32
      %add3A_440 = arith.addi %mul3A_438, %add3A_439 : i32
      %dma_start3A_441 = arith.constant 96 : i32
      %dma_start3A_442 = tpu.memref_slice %arg11[%add3A_440, %dma_start3A_441] : memref<128x128xf32, #tpu.memory_space<vmem>> -> memref<1x32xf32, #tpu.memory_space<vmem>>
      %dma_start3A_443 = tpu.memref_squeeze %dma_start3A_442 : memref<1x32xf32, #tpu.memory_space<vmem>> -> memref<32xf32, #tpu.memory_space<vmem>>
      %dma_start3A_444 = arith.constant 0 : i32
      %dma_start3A_445 = tpu.memref_slice %arg2[%squeeze3A_432, %dma_start3A_444] : memref<1100000x32xf32, #tpu.memory_space<hbm>> -> memref<1x32xf32, #tpu.memory_space<hbm>>
      %dma_start3A_446 = tpu.memref_squeeze %dma_start3A_445 : memref<1x32xf32, #tpu.memory_space<hbm>> -> memref<32xf32, #tpu.memory_space<hbm>>
      %dma_start3A_447 = arith.constant 96 : i32
      %dma_start3A_448 = tpu.memref_slice %arg11[%add3A_440, %dma_start3A_447] : memref<128x128xf32, #tpu.memory_space<vmem>> -> memref<1x32xf32, #tpu.memory_space<vmem>>
      %dma_start3A_449 = tpu.memref_squeeze %dma_start3A_448 : memref<1x32xf32, #tpu.memory_space<vmem>> -> memref<32xf32, #tpu.memory_space<vmem>>
      %dma_start3A_450 = arith.constant 0 : i32
      %dma_start3A_451 = tpu.memref_slice %arg2[%squeeze3A_432, %dma_start3A_450] : memref<1100000x32xf32, #tpu.memory_space<hbm>> -> memref<1x32xf32, #tpu.memory_space<hbm>>
      %dma_start3A_452 = tpu.memref_squeeze %dma_start3A_451 : memref<1x32xf32, #tpu.memory_space<hbm>> -> memref<32xf32, #tpu.memory_space<hbm>>
      tpu.enqueue_dma source(%dma_start3A_452 : memref<32xf32, #tpu.memory_space<hbm>>) target(%dma_start3A_449 : memref<32xf32, #tpu.memory_space<vmem>>) target_semaphore(%arg16 : memref<!tpu.dma_semaphore, #tpu.memory_space<semaphore_mem>>)
      %dma_start3A_453 = arith.constant 96 : i32
      %dma_start3A_454 = tpu.memref_slice %arg12[%add3A_440, %dma_start3A_453] : memref<128x128xf32, #tpu.memory_space<vmem>> -> memref<1x32xf32, #tpu.memory_space<vmem>>
      %dma_start3A_455 = tpu.memref_squeeze %dma_start3A_454 : memref<1x32xf32, #tpu.memory_space<vmem>> -> memref<32xf32, #tpu.memory_space<vmem>>
      %dma_start3A_456 = arith.constant 0 : i32
      %dma_start3A_457 = tpu.memref_slice %arg5[%squeeze3A_432, %dma_start3A_456] : memref<1000000x32xf32, #tpu.memory_space<hbm>> -> memref<1x32xf32, #tpu.memory_space<hbm>>
      %dma_start3A_458 = tpu.memref_squeeze %dma_start3A_457 : memref<1x32xf32, #tpu.memory_space<hbm>> -> memref<32xf32, #tpu.memory_space<hbm>>
      %dma_start3A_459 = arith.constant 96 : i32
      %dma_start3A_460 = tpu.memref_slice %arg12[%add3A_440, %dma_start3A_459] : memref<128x128xf32, #tpu.memory_space<vmem>> -> memref<1x32xf32, #tpu.memory_space<vmem>>
      %dma_start3A_461 = tpu.memref_squeeze %dma_start3A_460 : memref<1x32xf32, #tpu.memory_space<vmem>> -> memref<32xf32, #tpu.memory_space<vmem>>
      %dma_start3A_462 = arith.constant 0 : i32
      %dma_start3A_463 = tpu.memref_slice %arg5[%squeeze3A_432, %dma_start3A_462] : memref<1000000x32xf32, #tpu.memory_space<hbm>> -> memref<1x32xf32, #tpu.memory_space<hbm>>
      %dma_start3A_464 = tpu.memref_squeeze %dma_start3A_463 : memref<1x32xf32, #tpu.memory_space<hbm>> -> memref<32xf32, #tpu.memory_space<hbm>>
      tpu.enqueue_dma source(%dma_start3A_464 : memref<32xf32, #tpu.memory_space<hbm>>) target(%dma_start3A_461 : memref<32xf32, #tpu.memory_space<vmem>>) target_semaphore(%arg16 : memref<!tpu.dma_semaphore, #tpu.memory_space<semaphore_mem>>)
      %dma_start3A_465 = arith.constant 96 : i32
      %dma_start3A_466 = tpu.memref_slice %arg13[%add3A_440, %dma_start3A_465] : memref<128x128xf32, #tpu.memory_space<vmem>> -> memref<1x32xf32, #tpu.memory_space<vmem>>
      %dma_start3A_467 = tpu.memref_squeeze %dma_start3A_466 : memref<1x32xf32, #tpu.memory_space<vmem>> -> memref<32xf32, #tpu.memory_space<vmem>>
      %dma_start3A_468 = arith.constant 0 : i32
      %dma_start3A_469 = tpu.memref_slice %arg2[%squeeze3A_436, %dma_start3A_468] : memref<1100000x32xf32, #tpu.memory_space<hbm>> -> memref<1x32xf32, #tpu.memory_space<hbm>>
      %dma_start3A_470 = tpu.memref_squeeze %dma_start3A_469 : memref<1x32xf32, #tpu.memory_space<hbm>> -> memref<32xf32, #tpu.memory_space<hbm>>
      %dma_start3A_471 = arith.constant 96 : i32
      %dma_start3A_472 = tpu.memref_slice %arg13[%add3A_440, %dma_start3A_471] : memref<128x128xf32, #tpu.memory_space<vmem>> -> memref<1x32xf32, #tpu.memory_space<vmem>>
      %dma_start3A_473 = tpu.memref_squeeze %dma_start3A_472 : memref<1x32xf32, #tpu.memory_space<vmem>> -> memref<32xf32, #tpu.memory_space<vmem>>
      %dma_start3A_474 = arith.constant 0 : i32
      %dma_start3A_475 = tpu.memref_slice %arg2[%squeeze3A_436, %dma_start3A_474] : memref<1100000x32xf32, #tpu.memory_space<hbm>> -> memref<1x32xf32, #tpu.memory_space<hbm>>
      %dma_start3A_476 = tpu.memref_squeeze %dma_start3A_475 : memref<1x32xf32, #tpu.memory_space<hbm>> -> memref<32xf32, #tpu.memory_space<hbm>>
      tpu.enqueue_dma source(%dma_start3A_476 : memref<32xf32, #tpu.memory_space<hbm>>) target(%dma_start3A_473 : memref<32xf32, #tpu.memory_space<vmem>>) target_semaphore(%arg16 : memref<!tpu.dma_semaphore, #tpu.memory_space<semaphore_mem>>)
      %dma_start3A_477 = arith.constant 96 : i32
      %dma_start3A_478 = tpu.memref_slice %arg14[%add3A_440, %dma_start3A_477] : memref<128x128xf32, #tpu.memory_space<vmem>> -> memref<1x32xf32, #tpu.memory_space<vmem>>
      %dma_start3A_479 = tpu.memref_squeeze %dma_start3A_478 : memref<1x32xf32, #tpu.memory_space<vmem>> -> memref<32xf32, #tpu.memory_space<vmem>>
      %dma_start3A_480 = arith.constant 0 : i32
      %dma_start3A_481 = tpu.memref_slice %arg6[%squeeze3A_434, %dma_start3A_480] : memref<100000x32xf32, #tpu.memory_space<hbm>> -> memref<1x32xf32, #tpu.memory_space<hbm>>
      %dma_start3A_482 = tpu.memref_squeeze %dma_start3A_481 : memref<1x32xf32, #tpu.memory_space<hbm>> -> memref<32xf32, #tpu.memory_space<hbm>>
      %dma_start3A_483 = arith.constant 96 : i32
      %dma_start3A_484 = tpu.memref_slice %arg14[%add3A_440, %dma_start3A_483] : memref<128x128xf32, #tpu.memory_space<vmem>> -> memref<1x32xf32, #tpu.memory_space<vmem>>
      %dma_start3A_485 = tpu.memref_squeeze %dma_start3A_484 : memref<1x32xf32, #tpu.memory_space<vmem>> -> memref<32xf32, #tpu.memory_space<vmem>>
      %dma_start3A_486 = arith.constant 0 : i32
      %dma_start3A_487 = tpu.memref_slice %arg6[%squeeze3A_434, %dma_start3A_486] : memref<100000x32xf32, #tpu.memory_space<hbm>> -> memref<1x32xf32, #tpu.memory_space<hbm>>
      %dma_start3A_488 = tpu.memref_squeeze %dma_start3A_487 : memref<1x32xf32, #tpu.memory_space<hbm>> -> memref<32xf32, #tpu.memory_space<hbm>>
      tpu.enqueue_dma source(%dma_start3A_488 : memref<32xf32, #tpu.memory_space<hbm>>) target(%dma_start3A_485 : memref<32xf32, #tpu.memory_space<vmem>>) target_semaphore(%arg16 : memref<!tpu.dma_semaphore, #tpu.memory_space<semaphore_mem>>)
      %slice3A_489 = vector.extract_strided_slice %get3A_20 {offsets = [8], sizes = [1], strides = [1]} : vector<16xi32> to vector<1xi32>
      %squeeze3A_490 = vector.extract %slice3A_489[0] : i32 from vector<1xi32>
      %slice3A_491 = vector.extract_strided_slice %get3A_24 {offsets = [8], sizes = [1], strides = [1]} : vector<16xi32> to vector<1xi32>
      %squeeze3A_492 = vector.extract %slice3A_491[0] : i32 from vector<1xi32>
      %slice3A_493 = vector.extract_strided_slice %add3A_27 {offsets = [8], sizes = [1], strides = [1]} : vector<16xi32> to vector<1xi32>
      %squeeze3A_494 = vector.extract %slice3A_493[0] : i32 from vector<1xi32>
      %mul3A_495 = arith.constant 4 : i32
      %mul3A_496 = arith.muli %scan3A_16, %mul3A_495 : i32
      %add3A_497 = arith.constant 2 : i32
      %add3A_498 = arith.addi %mul3A_496, %add3A_497 : i32
      %dma_start3A_499 = arith.constant 0 : i32
      %dma_start3A_500 = tpu.memref_slice %arg11[%add3A_498, %dma_start3A_499] : memref<128x128xf32, #tpu.memory_space<vmem>> -> memref<1x32xf32, #tpu.memory_space<vmem>>
      %dma_start3A_501 = tpu.memref_squeeze %dma_start3A_500 : memref<1x32xf32, #tpu.memory_space<vmem>> -> memref<32xf32, #tpu.memory_space<vmem>>
      %dma_start3A_502 = arith.constant 0 : i32
      %dma_start3A_503 = tpu.memref_slice %arg2[%squeeze3A_490, %dma_start3A_502] : memref<1100000x32xf32, #tpu.memory_space<hbm>> -> memref<1x32xf32, #tpu.memory_space<hbm>>
      %dma_start3A_504 = tpu.memref_squeeze %dma_start3A_503 : memref<1x32xf32, #tpu.memory_space<hbm>> -> memref<32xf32, #tpu.memory_space<hbm>>
      %dma_start3A_505 = arith.constant 0 : i32
      %dma_start3A_506 = tpu.memref_slice %arg11[%add3A_498, %dma_start3A_505] : memref<128x128xf32, #tpu.memory_space<vmem>> -> memref<1x32xf32, #tpu.memory_space<vmem>>
      %dma_start3A_507 = tpu.memref_squeeze %dma_start3A_506 : memref<1x32xf32, #tpu.memory_space<vmem>> -> memref<32xf32, #tpu.memory_space<vmem>>
      %dma_start3A_508 = arith.constant 0 : i32
      %dma_start3A_509 = tpu.memref_slice %arg2[%squeeze3A_490, %dma_start3A_508] : memref<1100000x32xf32, #tpu.memory_space<hbm>> -> memref<1x32xf32, #tpu.memory_space<hbm>>
      %dma_start3A_510 = tpu.memref_squeeze %dma_start3A_509 : memref<1x32xf32, #tpu.memory_space<hbm>> -> memref<32xf32, #tpu.memory_space<hbm>>
      tpu.enqueue_dma source(%dma_start3A_510 : memref<32xf32, #tpu.memory_space<hbm>>) target(%dma_start3A_507 : memref<32xf32, #tpu.memory_space<vmem>>) target_semaphore(%arg16 : memref<!tpu.dma_semaphore, #tpu.memory_space<semaphore_mem>>)
      %dma_start3A_511 = arith.constant 0 : i32
      %dma_start3A_512 = tpu.memref_slice %arg12[%add3A_498, %dma_start3A_511] : memref<128x128xf32, #tpu.memory_space<vmem>> -> memref<1x32xf32, #tpu.memory_space<vmem>>
      %dma_start3A_513 = tpu.memref_squeeze %dma_start3A_512 : memref<1x32xf32, #tpu.memory_space<vmem>> -> memref<32xf32, #tpu.memory_space<vmem>>
      %dma_start3A_514 = arith.constant 0 : i32
      %dma_start3A_515 = tpu.memref_slice %arg5[%squeeze3A_490, %dma_start3A_514] : memref<1000000x32xf32, #tpu.memory_space<hbm>> -> memref<1x32xf32, #tpu.memory_space<hbm>>
      %dma_start3A_516 = tpu.memref_squeeze %dma_start3A_515 : memref<1x32xf32, #tpu.memory_space<hbm>> -> memref<32xf32, #tpu.memory_space<hbm>>
      %dma_start3A_517 = arith.constant 0 : i32
      %dma_start3A_518 = tpu.memref_slice %arg12[%add3A_498, %dma_start3A_517] : memref<128x128xf32, #tpu.memory_space<vmem>> -> memref<1x32xf32, #tpu.memory_space<vmem>>
      %dma_start3A_519 = tpu.memref_squeeze %dma_start3A_518 : memref<1x32xf32, #tpu.memory_space<vmem>> -> memref<32xf32, #tpu.memory_space<vmem>>
      %dma_start3A_520 = arith.constant 0 : i32
      %dma_start3A_521 = tpu.memref_slice %arg5[%squeeze3A_490, %dma_start3A_520] : memref<1000000x32xf32, #tpu.memory_space<hbm>> -> memref<1x32xf32, #tpu.memory_space<hbm>>
      %dma_start3A_522 = tpu.memref_squeeze %dma_start3A_521 : memref<1x32xf32, #tpu.memory_space<hbm>> -> memref<32xf32, #tpu.memory_space<hbm>>
      tpu.enqueue_dma source(%dma_start3A_522 : memref<32xf32, #tpu.memory_space<hbm>>) target(%dma_start3A_519 : memref<32xf32, #tpu.memory_space<vmem>>) target_semaphore(%arg16 : memref<!tpu.dma_semaphore, #tpu.memory_space<semaphore_mem>>)
      %dma_start3A_523 = arith.constant 0 : i32
      %dma_start3A_524 = tpu.memref_slice %arg13[%add3A_498, %dma_start3A_523] : memref<128x128xf32, #tpu.memory_space<vmem>> -> memref<1x32xf32, #tpu.memory_space<vmem>>
      %dma_start3A_525 = tpu.memref_squeeze %dma_start3A_524 : memref<1x32xf32, #tpu.memory_space<vmem>> -> memref<32xf32, #tpu.memory_space<vmem>>
      %dma_start3A_526 = arith.constant 0 : i32
      %dma_start3A_527 = tpu.memref_slice %arg2[%squeeze3A_494, %dma_start3A_526] : memref<1100000x32xf32, #tpu.memory_space<hbm>> -> memref<1x32xf32, #tpu.memory_space<hbm>>
      %dma_start3A_528 = tpu.memref_squeeze %dma_start3A_527 : memref<1x32xf32, #tpu.memory_space<hbm>> -> memref<32xf32, #tpu.memory_space<hbm>>
      %dma_start3A_529 = arith.constant 0 : i32
      %dma_start3A_530 = tpu.memref_slice %arg13[%add3A_498, %dma_start3A_529] : memref<128x128xf32, #tpu.memory_space<vmem>> -> memref<1x32xf32, #tpu.memory_space<vmem>>
      %dma_start3A_531 = tpu.memref_squeeze %dma_start3A_530 : memref<1x32xf32, #tpu.memory_space<vmem>> -> memref<32xf32, #tpu.memory_space<vmem>>
      %dma_start3A_532 = arith.constant 0 : i32
      %dma_start3A_533 = tpu.memref_slice %arg2[%squeeze3A_494, %dma_start3A_532] : memref<1100000x32xf32, #tpu.memory_space<hbm>> -> memref<1x32xf32, #tpu.memory_space<hbm>>
      %dma_start3A_534 = tpu.memref_squeeze %dma_start3A_533 : memref<1x32xf32, #tpu.memory_space<hbm>> -> memref<32xf32, #tpu.memory_space<hbm>>
      tpu.enqueue_dma source(%dma_start3A_534 : memref<32xf32, #tpu.memory_space<hbm>>) target(%dma_start3A_531 : memref<32xf32, #tpu.memory_space<vmem>>) target_semaphore(%arg16 : memref<!tpu.dma_semaphore, #tpu.memory_space<semaphore_mem>>)
      %dma_start3A_535 = arith.constant 0 : i32
      %dma_start3A_536 = tpu.memref_slice %arg14[%add3A_498, %dma_start3A_535] : memref<128x128xf32, #tpu.memory_space<vmem>> -> memref<1x32xf32, #tpu.memory_space<vmem>>
      %dma_start3A_537 = tpu.memref_squeeze %dma_start3A_536 : memref<1x32xf32, #tpu.memory_space<vmem>> -> memref<32xf32, #tpu.memory_space<vmem>>
      %dma_start3A_538 = arith.constant 0 : i32
      %dma_start3A_539 = tpu.memref_slice %arg6[%squeeze3A_492, %dma_start3A_538] : memref<100000x32xf32, #tpu.memory_space<hbm>> -> memref<1x32xf32, #tpu.memory_space<hbm>>
      %dma_start3A_540 = tpu.memref_squeeze %dma_start3A_539 : memref<1x32xf32, #tpu.memory_space<hbm>> -> memref<32xf32, #tpu.memory_space<hbm>>
      %dma_start3A_541 = arith.constant 0 : i32
      %dma_start3A_542 = tpu.memref_slice %arg14[%add3A_498, %dma_start3A_541] : memref<128x128xf32, #tpu.memory_space<vmem>> -> memref<1x32xf32, #tpu.memory_space<vmem>>
      %dma_start3A_543 = tpu.memref_squeeze %dma_start3A_542 : memref<1x32xf32, #tpu.memory_space<vmem>> -> memref<32xf32, #tpu.memory_space<vmem>>
      %dma_start3A_544 = arith.constant 0 : i32
      %dma_start3A_545 = tpu.memref_slice %arg6[%squeeze3A_492, %dma_start3A_544] : memref<100000x32xf32, #tpu.memory_space<hbm>> -> memref<1x32xf32, #tpu.memory_space<hbm>>
      %dma_start3A_546 = tpu.memref_squeeze %dma_start3A_545 : memref<1x32xf32, #tpu.memory_space<hbm>> -> memref<32xf32, #tpu.memory_space<hbm>>
      tpu.enqueue_dma source(%dma_start3A_546 : memref<32xf32, #tpu.memory_space<hbm>>) target(%dma_start3A_543 : memref<32xf32, #tpu.memory_space<vmem>>) target_semaphore(%arg16 : memref<!tpu.dma_semaphore, #tpu.memory_space<semaphore_mem>>)
      %slice3A_547 = vector.extract_strided_slice %get3A_20 {offsets = [9], sizes = [1], strides = [1]} : vector<16xi32> to vector<1xi32>
      %squeeze3A_548 = vector.extract %slice3A_547[0] : i32 from vector<1xi32>
      %slice3A_549 = vector.extract_strided_slice %get3A_24 {offsets = [9], sizes = [1], strides = [1]} : vector<16xi32> to vector<1xi32>
      %squeeze3A_550 = vector.extract %slice3A_549[0] : i32 from vector<1xi32>
      %slice3A_551 = vector.extract_strided_slice %add3A_27 {offsets = [9], sizes = [1], strides = [1]} : vector<16xi32> to vector<1xi32>
      %squeeze3A_552 = vector.extract %slice3A_551[0] : i32 from vector<1xi32>
      %mul3A_553 = arith.constant 4 : i32
      %mul3A_554 = arith.muli %scan3A_16, %mul3A_553 : i32
      %add3A_555 = arith.constant 2 : i32
      %add3A_556 = arith.addi %mul3A_554, %add3A_555 : i32
      %dma_start3A_557 = arith.constant 32 : i32
      %dma_start3A_558 = tpu.memref_slice %arg11[%add3A_556, %dma_start3A_557] : memref<128x128xf32, #tpu.memory_space<vmem>> -> memref<1x32xf32, #tpu.memory_space<vmem>>
      %dma_start3A_559 = tpu.memref_squeeze %dma_start3A_558 : memref<1x32xf32, #tpu.memory_space<vmem>> -> memref<32xf32, #tpu.memory_space<vmem>>
      %dma_start3A_560 = arith.constant 0 : i32
      %dma_start3A_561 = tpu.memref_slice %arg2[%squeeze3A_548, %dma_start3A_560] : memref<1100000x32xf32, #tpu.memory_space<hbm>> -> memref<1x32xf32, #tpu.memory_space<hbm>>
      %dma_start3A_562 = tpu.memref_squeeze %dma_start3A_561 : memref<1x32xf32, #tpu.memory_space<hbm>> -> memref<32xf32, #tpu.memory_space<hbm>>
      %dma_start3A_563 = arith.constant 32 : i32
      %dma_start3A_564 = tpu.memref_slice %arg11[%add3A_556, %dma_start3A_563] : memref<128x128xf32, #tpu.memory_space<vmem>> -> memref<1x32xf32, #tpu.memory_space<vmem>>
      %dma_start3A_565 = tpu.memref_squeeze %dma_start3A_564 : memref<1x32xf32, #tpu.memory_space<vmem>> -> memref<32xf32, #tpu.memory_space<vmem>>
      %dma_start3A_566 = arith.constant 0 : i32
      %dma_start3A_567 = tpu.memref_slice %arg2[%squeeze3A_548, %dma_start3A_566] : memref<1100000x32xf32, #tpu.memory_space<hbm>> -> memref<1x32xf32, #tpu.memory_space<hbm>>
      %dma_start3A_568 = tpu.memref_squeeze %dma_start3A_567 : memref<1x32xf32, #tpu.memory_space<hbm>> -> memref<32xf32, #tpu.memory_space<hbm>>
      tpu.enqueue_dma source(%dma_start3A_568 : memref<32xf32, #tpu.memory_space<hbm>>) target(%dma_start3A_565 : memref<32xf32, #tpu.memory_space<vmem>>) target_semaphore(%arg16 : memref<!tpu.dma_semaphore, #tpu.memory_space<semaphore_mem>>)
      %dma_start3A_569 = arith.constant 32 : i32
      %dma_start3A_570 = tpu.memref_slice %arg12[%add3A_556, %dma_start3A_569] : memref<128x128xf32, #tpu.memory_space<vmem>> -> memref<1x32xf32, #tpu.memory_space<vmem>>
      %dma_start3A_571 = tpu.memref_squeeze %dma_start3A_570 : memref<1x32xf32, #tpu.memory_space<vmem>> -> memref<32xf32, #tpu.memory_space<vmem>>
      %dma_start3A_572 = arith.constant 0 : i32
      %dma_start3A_573 = tpu.memref_slice %arg5[%squeeze3A_548, %dma_start3A_572] : memref<1000000x32xf32, #tpu.memory_space<hbm>> -> memref<1x32xf32, #tpu.memory_space<hbm>>
      %dma_start3A_574 = tpu.memref_squeeze %dma_start3A_573 : memref<1x32xf32, #tpu.memory_space<hbm>> -> memref<32xf32, #tpu.memory_space<hbm>>
      %dma_start3A_575 = arith.constant 32 : i32
      %dma_start3A_576 = tpu.memref_slice %arg12[%add3A_556, %dma_start3A_575] : memref<128x128xf32, #tpu.memory_space<vmem>> -> memref<1x32xf32, #tpu.memory_space<vmem>>
      %dma_start3A_577 = tpu.memref_squeeze %dma_start3A_576 : memref<1x32xf32, #tpu.memory_space<vmem>> -> memref<32xf32, #tpu.memory_space<vmem>>
      %dma_start3A_578 = arith.constant 0 : i32
      %dma_start3A_579 = tpu.memref_slice %arg5[%squeeze3A_548, %dma_start3A_578] : memref<1000000x32xf32, #tpu.memory_space<hbm>> -> memref<1x32xf32, #tpu.memory_space<hbm>>
      %dma_start3A_580 = tpu.memref_squeeze %dma_start3A_579 : memref<1x32xf32, #tpu.memory_space<hbm>> -> memref<32xf32, #tpu.memory_space<hbm>>
      tpu.enqueue_dma source(%dma_start3A_580 : memref<32xf32, #tpu.memory_space<hbm>>) target(%dma_start3A_577 : memref<32xf32, #tpu.memory_space<vmem>>) target_semaphore(%arg16 : memref<!tpu.dma_semaphore, #tpu.memory_space<semaphore_mem>>)
      %dma_start3A_581 = arith.constant 32 : i32
      %dma_start3A_582 = tpu.memref_slice %arg13[%add3A_556, %dma_start3A_581] : memref<128x128xf32, #tpu.memory_space<vmem>> -> memref<1x32xf32, #tpu.memory_space<vmem>>
      %dma_start3A_583 = tpu.memref_squeeze %dma_start3A_582 : memref<1x32xf32, #tpu.memory_space<vmem>> -> memref<32xf32, #tpu.memory_space<vmem>>
      %dma_start3A_584 = arith.constant 0 : i32
      %dma_start3A_585 = tpu.memref_slice %arg2[%squeeze3A_552, %dma_start3A_584] : memref<1100000x32xf32, #tpu.memory_space<hbm>> -> memref<1x32xf32, #tpu.memory_space<hbm>>
      %dma_start3A_586 = tpu.memref_squeeze %dma_start3A_585 : memref<1x32xf32, #tpu.memory_space<hbm>> -> memref<32xf32, #tpu.memory_space<hbm>>
      %dma_start3A_587 = arith.constant 32 : i32
      %dma_start3A_588 = tpu.memref_slice %arg13[%add3A_556, %dma_start3A_587] : memref<128x128xf32, #tpu.memory_space<vmem>> -> memref<1x32xf32, #tpu.memory_space<vmem>>
      %dma_start3A_589 = tpu.memref_squeeze %dma_start3A_588 : memref<1x32xf32, #tpu.memory_space<vmem>> -> memref<32xf32, #tpu.memory_space<vmem>>
      %dma_start3A_590 = arith.constant 0 : i32
      %dma_start3A_591 = tpu.memref_slice %arg2[%squeeze3A_552, %dma_start3A_590] : memref<1100000x32xf32, #tpu.memory_space<hbm>> -> memref<1x32xf32, #tpu.memory_space<hbm>>
      %dma_start3A_592 = tpu.memref_squeeze %dma_start3A_591 : memref<1x32xf32, #tpu.memory_space<hbm>> -> memref<32xf32, #tpu.memory_space<hbm>>
      tpu.enqueue_dma source(%dma_start3A_592 : memref<32xf32, #tpu.memory_space<hbm>>) target(%dma_start3A_589 : memref<32xf32, #tpu.memory_space<vmem>>) target_semaphore(%arg16 : memref<!tpu.dma_semaphore, #tpu.memory_space<semaphore_mem>>)
      %dma_start3A_593 = arith.constant 32 : i32
      %dma_start3A_594 = tpu.memref_slice %arg14[%add3A_556, %dma_start3A_593] : memref<128x128xf32, #tpu.memory_space<vmem>> -> memref<1x32xf32, #tpu.memory_space<vmem>>
      %dma_start3A_595 = tpu.memref_squeeze %dma_start3A_594 : memref<1x32xf32, #tpu.memory_space<vmem>> -> memref<32xf32, #tpu.memory_space<vmem>>
      %dma_start3A_596 = arith.constant 0 : i32
      %dma_start3A_597 = tpu.memref_slice %arg6[%squeeze3A_550, %dma_start3A_596] : memref<100000x32xf32, #tpu.memory_space<hbm>> -> memref<1x32xf32, #tpu.memory_space<hbm>>
      %dma_start3A_598 = tpu.memref_squeeze %dma_start3A_597 : memref<1x32xf32, #tpu.memory_space<hbm>> -> memref<32xf32, #tpu.memory_space<hbm>>
      %dma_start3A_599 = arith.constant 32 : i32
      %dma_start3A_600 = tpu.memref_slice %arg14[%add3A_556, %dma_start3A_599] : memref<128x128xf32, #tpu.memory_space<vmem>> -> memref<1x32xf32, #tpu.memory_space<vmem>>
      %dma_start3A_601 = tpu.memref_squeeze %dma_start3A_600 : memref<1x32xf32, #tpu.memory_space<vmem>> -> memref<32xf32, #tpu.memory_space<vmem>>
      %dma_start3A_602 = arith.constant 0 : i32
      %dma_start3A_603 = tpu.memref_slice %arg6[%squeeze3A_550, %dma_start3A_602] : memref<100000x32xf32, #tpu.memory_space<hbm>> -> memref<1x32xf32, #tpu.memory_space<hbm>>
      %dma_start3A_604 = tpu.memref_squeeze %dma_start3A_603 : memref<1x32xf32, #tpu.memory_space<hbm>> -> memref<32xf32, #tpu.memory_space<hbm>>
      tpu.enqueue_dma source(%dma_start3A_604 : memref<32xf32, #tpu.memory_space<hbm>>) target(%dma_start3A_601 : memref<32xf32, #tpu.memory_space<vmem>>) target_semaphore(%arg16 : memref<!tpu.dma_semaphore, #tpu.memory_space<semaphore_mem>>)
      %slice3A_605 = vector.extract_strided_slice %get3A_20 {offsets = [10], sizes = [1], strides = [1]} : vector<16xi32> to vector<1xi32>
      %squeeze3A_606 = vector.extract %slice3A_605[0] : i32 from vector<1xi32>
      %slice3A_607 = vector.extract_strided_slice %get3A_24 {offsets = [10], sizes = [1], strides = [1]} : vector<16xi32> to vector<1xi32>
      %squeeze3A_608 = vector.extract %slice3A_607[0] : i32 from vector<1xi32>
      %slice3A_609 = vector.extract_strided_slice %add3A_27 {offsets = [10], sizes = [1], strides = [1]} : vector<16xi32> to vector<1xi32>
      %squeeze3A_610 = vector.extract %slice3A_609[0] : i32 from vector<1xi32>
      %mul3A_611 = arith.constant 4 : i32
      %mul3A_612 = arith.muli %scan3A_16, %mul3A_611 : i32
      %add3A_613 = arith.constant 2 : i32
      %add3A_614 = arith.addi %mul3A_612, %add3A_613 : i32
      %dma_start3A_615 = arith.constant 64 : i32
      %dma_start3A_616 = tpu.memref_slice %arg11[%add3A_614, %dma_start3A_615] : memref<128x128xf32, #tpu.memory_space<vmem>> -> memref<1x32xf32, #tpu.memory_space<vmem>>
      %dma_start3A_617 = tpu.memref_squeeze %dma_start3A_616 : memref<1x32xf32, #tpu.memory_space<vmem>> -> memref<32xf32, #tpu.memory_space<vmem>>
      %dma_start3A_618 = arith.constant 0 : i32
      %dma_start3A_619 = tpu.memref_slice %arg2[%squeeze3A_606, %dma_start3A_618] : memref<1100000x32xf32, #tpu.memory_space<hbm>> -> memref<1x32xf32, #tpu.memory_space<hbm>>
      %dma_start3A_620 = tpu.memref_squeeze %dma_start3A_619 : memref<1x32xf32, #tpu.memory_space<hbm>> -> memref<32xf32, #tpu.memory_space<hbm>>
      %dma_start3A_621 = arith.constant 64 : i32
      %dma_start3A_622 = tpu.memref_slice %arg11[%add3A_614, %dma_start3A_621] : memref<128x128xf32, #tpu.memory_space<vmem>> -> memref<1x32xf32, #tpu.memory_space<vmem>>
      %dma_start3A_623 = tpu.memref_squeeze %dma_start3A_622 : memref<1x32xf32, #tpu.memory_space<vmem>> -> memref<32xf32, #tpu.memory_space<vmem>>
      %dma_start3A_624 = arith.constant 0 : i32
      %dma_start3A_625 = tpu.memref_slice %arg2[%squeeze3A_606, %dma_start3A_624] : memref<1100000x32xf32, #tpu.memory_space<hbm>> -> memref<1x32xf32, #tpu.memory_space<hbm>>
      %dma_start3A_626 = tpu.memref_squeeze %dma_start3A_625 : memref<1x32xf32, #tpu.memory_space<hbm>> -> memref<32xf32, #tpu.memory_space<hbm>>
      tpu.enqueue_dma source(%dma_start3A_626 : memref<32xf32, #tpu.memory_space<hbm>>) target(%dma_start3A_623 : memref<32xf32, #tpu.memory_space<vmem>>) target_semaphore(%arg16 : memref<!tpu.dma_semaphore, #tpu.memory_space<semaphore_mem>>)
      %dma_start3A_627 = arith.constant 64 : i32
      %dma_start3A_628 = tpu.memref_slice %arg12[%add3A_614, %dma_start3A_627] : memref<128x128xf32, #tpu.memory_space<vmem>> -> memref<1x32xf32, #tpu.memory_space<vmem>>
      %dma_start3A_629 = tpu.memref_squeeze %dma_start3A_628 : memref<1x32xf32, #tpu.memory_space<vmem>> -> memref<32xf32, #tpu.memory_space<vmem>>
      %dma_start3A_630 = arith.constant 0 : i32
      %dma_start3A_631 = tpu.memref_slice %arg5[%squeeze3A_606, %dma_start3A_630] : memref<1000000x32xf32, #tpu.memory_space<hbm>> -> memref<1x32xf32, #tpu.memory_space<hbm>>
      %dma_start3A_632 = tpu.memref_squeeze %dma_start3A_631 : memref<1x32xf32, #tpu.memory_space<hbm>> -> memref<32xf32, #tpu.memory_space<hbm>>
      %dma_start3A_633 = arith.constant 64 : i32
      %dma_start3A_634 = tpu.memref_slice %arg12[%add3A_614, %dma_start3A_633] : memref<128x128xf32, #tpu.memory_space<vmem>> -> memref<1x32xf32, #tpu.memory_space<vmem>>
      %dma_start3A_635 = tpu.memref_squeeze %dma_start3A_634 : memref<1x32xf32, #tpu.memory_space<vmem>> -> memref<32xf32, #tpu.memory_space<vmem>>
      %dma_start3A_636 = arith.constant 0 : i32
      %dma_start3A_637 = tpu.memref_slice %arg5[%squeeze3A_606, %dma_start3A_636] : memref<1000000x32xf32, #tpu.memory_space<hbm>> -> memref<1x32xf32, #tpu.memory_space<hbm>>
      %dma_start3A_638 = tpu.memref_squeeze %dma_start3A_637 : memref<1x32xf32, #tpu.memory_space<hbm>> -> memref<32xf32, #tpu.memory_space<hbm>>
      tpu.enqueue_dma source(%dma_start3A_638 : memref<32xf32, #tpu.memory_space<hbm>>) target(%dma_start3A_635 : memref<32xf32, #tpu.memory_space<vmem>>) target_semaphore(%arg16 : memref<!tpu.dma_semaphore, #tpu.memory_space<semaphore_mem>>)
      %dma_start3A_639 = arith.constant 64 : i32
      %dma_start3A_640 = tpu.memref_slice %arg13[%add3A_614, %dma_start3A_639] : memref<128x128xf32, #tpu.memory_space<vmem>> -> memref<1x32xf32, #tpu.memory_space<vmem>>
      %dma_start3A_641 = tpu.memref_squeeze %dma_start3A_640 : memref<1x32xf32, #tpu.memory_space<vmem>> -> memref<32xf32, #tpu.memory_space<vmem>>
      %dma_start3A_642 = arith.constant 0 : i32
      %dma_start3A_643 = tpu.memref_slice %arg2[%squeeze3A_610, %dma_start3A_642] : memref<1100000x32xf32, #tpu.memory_space<hbm>> -> memref<1x32xf32, #tpu.memory_space<hbm>>
      %dma_start3A_644 = tpu.memref_squeeze %dma_start3A_643 : memref<1x32xf32, #tpu.memory_space<hbm>> -> memref<32xf32, #tpu.memory_space<hbm>>
      %dma_start3A_645 = arith.constant 64 : i32
      %dma_start3A_646 = tpu.memref_slice %arg13[%add3A_614, %dma_start3A_645] : memref<128x128xf32, #tpu.memory_space<vmem>> -> memref<1x32xf32, #tpu.memory_space<vmem>>
      %dma_start3A_647 = tpu.memref_squeeze %dma_start3A_646 : memref<1x32xf32, #tpu.memory_space<vmem>> -> memref<32xf32, #tpu.memory_space<vmem>>
      %dma_start3A_648 = arith.constant 0 : i32
      %dma_start3A_649 = tpu.memref_slice %arg2[%squeeze3A_610, %dma_start3A_648] : memref<1100000x32xf32, #tpu.memory_space<hbm>> -> memref<1x32xf32, #tpu.memory_space<hbm>>
      %dma_start3A_650 = tpu.memref_squeeze %dma_start3A_649 : memref<1x32xf32, #tpu.memory_space<hbm>> -> memref<32xf32, #tpu.memory_space<hbm>>
      tpu.enqueue_dma source(%dma_start3A_650 : memref<32xf32, #tpu.memory_space<hbm>>) target(%dma_start3A_647 : memref<32xf32, #tpu.memory_space<vmem>>) target_semaphore(%arg16 : memref<!tpu.dma_semaphore, #tpu.memory_space<semaphore_mem>>)
      %dma_start3A_651 = arith.constant 64 : i32
      %dma_start3A_652 = tpu.memref_slice %arg14[%add3A_614, %dma_start3A_651] : memref<128x128xf32, #tpu.memory_space<vmem>> -> memref<1x32xf32, #tpu.memory_space<vmem>>
      %dma_start3A_653 = tpu.memref_squeeze %dma_start3A_652 : memref<1x32xf32, #tpu.memory_space<vmem>> -> memref<32xf32, #tpu.memory_space<vmem>>
      %dma_start3A_654 = arith.constant 0 : i32
      %dma_start3A_655 = tpu.memref_slice %arg6[%squeeze3A_608, %dma_start3A_654] : memref<100000x32xf32, #tpu.memory_space<hbm>> -> memref<1x32xf32, #tpu.memory_space<hbm>>
      %dma_start3A_656 = tpu.memref_squeeze %dma_start3A_655 : memref<1x32xf32, #tpu.memory_space<hbm>> -> memref<32xf32, #tpu.memory_space<hbm>>
      %dma_start3A_657 = arith.constant 64 : i32
      %dma_start3A_658 = tpu.memref_slice %arg14[%add3A_614, %dma_start3A_657] : memref<128x128xf32, #tpu.memory_space<vmem>> -> memref<1x32xf32, #tpu.memory_space<vmem>>
      %dma_start3A_659 = tpu.memref_squeeze %dma_start3A_658 : memref<1x32xf32, #tpu.memory_space<vmem>> -> memref<32xf32, #tpu.memory_space<vmem>>
      %dma_start3A_660 = arith.constant 0 : i32
      %dma_start3A_661 = tpu.memref_slice %arg6[%squeeze3A_608, %dma_start3A_660] : memref<100000x32xf32, #tpu.memory_space<hbm>> -> memref<1x32xf32, #tpu.memory_space<hbm>>
      %dma_start3A_662 = tpu.memref_squeeze %dma_start3A_661 : memref<1x32xf32, #tpu.memory_space<hbm>> -> memref<32xf32, #tpu.memory_space<hbm>>
      tpu.enqueue_dma source(%dma_start3A_662 : memref<32xf32, #tpu.memory_space<hbm>>) target(%dma_start3A_659 : memref<32xf32, #tpu.memory_space<vmem>>) target_semaphore(%arg16 : memref<!tpu.dma_semaphore, #tpu.memory_space<semaphore_mem>>)
      %slice3A_663 = vector.extract_strided_slice %get3A_20 {offsets = [11], sizes = [1], strides = [1]} : vector<16xi32> to vector<1xi32>
      %squeeze3A_664 = vector.extract %slice3A_663[0] : i32 from vector<1xi32>
      %slice3A_665 = vector.extract_strided_slice %get3A_24 {offsets = [11], sizes = [1], strides = [1]} : vector<16xi32> to vector<1xi32>
      %squeeze3A_666 = vector.extract %slice3A_665[0] : i32 from vector<1xi32>
      %slice3A_667 = vector.extract_strided_slice %add3A_27 {offsets = [11], sizes = [1], strides = [1]} : vector<16xi32> to vector<1xi32>
      %squeeze3A_668 = vector.extract %slice3A_667[0] : i32 from vector<1xi32>
      %mul3A_669 = arith.constant 4 : i32
      %mul3A_670 = arith.muli %scan3A_16, %mul3A_669 : i32
      %add3A_671 = arith.constant 2 : i32
      %add3A_672 = arith.addi %mul3A_670, %add3A_671 : i32
      %dma_start3A_673 = arith.constant 96 : i32
      %dma_start3A_674 = tpu.memref_slice %arg11[%add3A_672, %dma_start3A_673] : memref<128x128xf32, #tpu.memory_space<vmem>> -> memref<1x32xf32, #tpu.memory_space<vmem>>
      %dma_start3A_675 = tpu.memref_squeeze %dma_start3A_674 : memref<1x32xf32, #tpu.memory_space<vmem>> -> memref<32xf32, #tpu.memory_space<vmem>>
      %dma_start3A_676 = arith.constant 0 : i32
      %dma_start3A_677 = tpu.memref_slice %arg2[%squeeze3A_664, %dma_start3A_676] : memref<1100000x32xf32, #tpu.memory_space<hbm>> -> memref<1x32xf32, #tpu.memory_space<hbm>>
      %dma_start3A_678 = tpu.memref_squeeze %dma_start3A_677 : memref<1x32xf32, #tpu.memory_space<hbm>> -> memref<32xf32, #tpu.memory_space<hbm>>
      %dma_start3A_679 = arith.constant 96 : i32
      %dma_start3A_680 = tpu.memref_slice %arg11[%add3A_672, %dma_start3A_679] : memref<128x128xf32, #tpu.memory_space<vmem>> -> memref<1x32xf32, #tpu.memory_space<vmem>>
      %dma_start3A_681 = tpu.memref_squeeze %dma_start3A_680 : memref<1x32xf32, #tpu.memory_space<vmem>> -> memref<32xf32, #tpu.memory_space<vmem>>
      %dma_start3A_682 = arith.constant 0 : i32
      %dma_start3A_683 = tpu.memref_slice %arg2[%squeeze3A_664, %dma_start3A_682] : memref<1100000x32xf32, #tpu.memory_space<hbm>> -> memref<1x32xf32, #tpu.memory_space<hbm>>
      %dma_start3A_684 = tpu.memref_squeeze %dma_start3A_683 : memref<1x32xf32, #tpu.memory_space<hbm>> -> memref<32xf32, #tpu.memory_space<hbm>>
      tpu.enqueue_dma source(%dma_start3A_684 : memref<32xf32, #tpu.memory_space<hbm>>) target(%dma_start3A_681 : memref<32xf32, #tpu.memory_space<vmem>>) target_semaphore(%arg16 : memref<!tpu.dma_semaphore, #tpu.memory_space<semaphore_mem>>)
      %dma_start3A_685 = arith.constant 96 : i32
      %dma_start3A_686 = tpu.memref_slice %arg12[%add3A_672, %dma_start3A_685] : memref<128x128xf32, #tpu.memory_space<vmem>> -> memref<1x32xf32, #tpu.memory_space<vmem>>
      %dma_start3A_687 = tpu.memref_squeeze %dma_start3A_686 : memref<1x32xf32, #tpu.memory_space<vmem>> -> memref<32xf32, #tpu.memory_space<vmem>>
      %dma_start3A_688 = arith.constant 0 : i32
      %dma_start3A_689 = tpu.memref_slice %arg5[%squeeze3A_664, %dma_start3A_688] : memref<1000000x32xf32, #tpu.memory_space<hbm>> -> memref<1x32xf32, #tpu.memory_space<hbm>>
      %dma_start3A_690 = tpu.memref_squeeze %dma_start3A_689 : memref<1x32xf32, #tpu.memory_space<hbm>> -> memref<32xf32, #tpu.memory_space<hbm>>
      %dma_start3A_691 = arith.constant 96 : i32
      %dma_start3A_692 = tpu.memref_slice %arg12[%add3A_672, %dma_start3A_691] : memref<128x128xf32, #tpu.memory_space<vmem>> -> memref<1x32xf32, #tpu.memory_space<vmem>>
      %dma_start3A_693 = tpu.memref_squeeze %dma_start3A_692 : memref<1x32xf32, #tpu.memory_space<vmem>> -> memref<32xf32, #tpu.memory_space<vmem>>
      %dma_start3A_694 = arith.constant 0 : i32
      %dma_start3A_695 = tpu.memref_slice %arg5[%squeeze3A_664, %dma_start3A_694] : memref<1000000x32xf32, #tpu.memory_space<hbm>> -> memref<1x32xf32, #tpu.memory_space<hbm>>
      %dma_start3A_696 = tpu.memref_squeeze %dma_start3A_695 : memref<1x32xf32, #tpu.memory_space<hbm>> -> memref<32xf32, #tpu.memory_space<hbm>>
      tpu.enqueue_dma source(%dma_start3A_696 : memref<32xf32, #tpu.memory_space<hbm>>) target(%dma_start3A_693 : memref<32xf32, #tpu.memory_space<vmem>>) target_semaphore(%arg16 : memref<!tpu.dma_semaphore, #tpu.memory_space<semaphore_mem>>)
      %dma_start3A_697 = arith.constant 96 : i32
      %dma_start3A_698 = tpu.memref_slice %arg13[%add3A_672, %dma_start3A_697] : memref<128x128xf32, #tpu.memory_space<vmem>> -> memref<1x32xf32, #tpu.memory_space<vmem>>
      %dma_start3A_699 = tpu.memref_squeeze %dma_start3A_698 : memref<1x32xf32, #tpu.memory_space<vmem>> -> memref<32xf32, #tpu.memory_space<vmem>>
      %dma_start3A_700 = arith.constant 0 : i32
      %dma_start3A_701 = tpu.memref_slice %arg2[%squeeze3A_668, %dma_start3A_700] : memref<1100000x32xf32, #tpu.memory_space<hbm>> -> memref<1x32xf32, #tpu.memory_space<hbm>>
      %dma_start3A_702 = tpu.memref_squeeze %dma_start3A_701 : memref<1x32xf32, #tpu.memory_space<hbm>> -> memref<32xf32, #tpu.memory_space<hbm>>
      %dma_start3A_703 = arith.constant 96 : i32
      %dma_start3A_704 = tpu.memref_slice %arg13[%add3A_672, %dma_start3A_703] : memref<128x128xf32, #tpu.memory_space<vmem>> -> memref<1x32xf32, #tpu.memory_space<vmem>>
      %dma_start3A_705 = tpu.memref_squeeze %dma_start3A_704 : memref<1x32xf32, #tpu.memory_space<vmem>> -> memref<32xf32, #tpu.memory_space<vmem>>
      %dma_start3A_706 = arith.constant 0 : i32
      %dma_start3A_707 = tpu.memref_slice %arg2[%squeeze3A_668, %dma_start3A_706] : memref<1100000x32xf32, #tpu.memory_space<hbm>> -> memref<1x32xf32, #tpu.memory_space<hbm>>
      %dma_start3A_708 = tpu.memref_squeeze %dma_start3A_707 : memref<1x32xf32, #tpu.memory_space<hbm>> -> memref<32xf32, #tpu.memory_space<hbm>>
      tpu.enqueue_dma source(%dma_start3A_708 : memref<32xf32, #tpu.memory_space<hbm>>) target(%dma_start3A_705 : memref<32xf32, #tpu.memory_space<vmem>>) target_semaphore(%arg16 : memref<!tpu.dma_semaphore, #tpu.memory_space<semaphore_mem>>)
      %dma_start3A_709 = arith.constant 96 : i32
      %dma_start3A_710 = tpu.memref_slice %arg14[%add3A_672, %dma_start3A_709] : memref<128x128xf32, #tpu.memory_space<vmem>> -> memref<1x32xf32, #tpu.memory_space<vmem>>
      %dma_start3A_711 = tpu.memref_squeeze %dma_start3A_710 : memref<1x32xf32, #tpu.memory_space<vmem>> -> memref<32xf32, #tpu.memory_space<vmem>>
      %dma_start3A_712 = arith.constant 0 : i32
      %dma_start3A_713 = tpu.memref_slice %arg6[%squeeze3A_666, %dma_start3A_712] : memref<100000x32xf32, #tpu.memory_space<hbm>> -> memref<1x32xf32, #tpu.memory_space<hbm>>
      %dma_start3A_714 = tpu.memref_squeeze %dma_start3A_713 : memref<1x32xf32, #tpu.memory_space<hbm>> -> memref<32xf32, #tpu.memory_space<hbm>>
      %dma_start3A_715 = arith.constant 96 : i32
      %dma_start3A_716 = tpu.memref_slice %arg14[%add3A_672, %dma_start3A_715] : memref<128x128xf32, #tpu.memory_space<vmem>> -> memref<1x32xf32, #tpu.memory_space<vmem>>
      %dma_start3A_717 = tpu.memref_squeeze %dma_start3A_716 : memref<1x32xf32, #tpu.memory_space<vmem>> -> memref<32xf32, #tpu.memory_space<vmem>>
      %dma_start3A_718 = arith.constant 0 : i32
      %dma_start3A_719 = tpu.memref_slice %arg6[%squeeze3A_666, %dma_start3A_718] : memref<100000x32xf32, #tpu.memory_space<hbm>> -> memref<1x32xf32, #tpu.memory_space<hbm>>
      %dma_start3A_720 = tpu.memref_squeeze %dma_start3A_719 : memref<1x32xf32, #tpu.memory_space<hbm>> -> memref<32xf32, #tpu.memory_space<hbm>>
      tpu.enqueue_dma source(%dma_start3A_720 : memref<32xf32, #tpu.memory_space<hbm>>) target(%dma_start3A_717 : memref<32xf32, #tpu.memory_space<vmem>>) target_semaphore(%arg16 : memref<!tpu.dma_semaphore, #tpu.memory_space<semaphore_mem>>)
      %slice3A_721 = vector.extract_strided_slice %get3A_20 {offsets = [12], sizes = [1], strides = [1]} : vector<16xi32> to vector<1xi32>
      %squeeze3A_722 = vector.extract %slice3A_721[0] : i32 from vector<1xi32>
      %slice3A_723 = vector.extract_strided_slice %get3A_24 {offsets = [12], sizes = [1], strides = [1]} : vector<16xi32> to vector<1xi32>
      %squeeze3A_724 = vector.extract %slice3A_723[0] : i32 from vector<1xi32>
      %slice3A_725 = vector.extract_strided_slice %add3A_27 {offsets = [12], sizes = [1], strides = [1]} : vector<16xi32> to vector<1xi32>
      %squeeze3A_726 = vector.extract %slice3A_725[0] : i32 from vector<1xi32>
      %mul3A_727 = arith.constant 4 : i32
      %mul3A_728 = arith.muli %scan3A_16, %mul3A_727 : i32
      %add3A_729 = arith.constant 3 : i32
      %add3A_730 = arith.addi %mul3A_728, %add3A_729 : i32
      %dma_start3A_731 = arith.constant 0 : i32
      %dma_start3A_732 = tpu.memref_slice %arg11[%add3A_730, %dma_start3A_731] : memref<128x128xf32, #tpu.memory_space<vmem>> -> memref<1x32xf32, #tpu.memory_space<vmem>>
      %dma_start3A_733 = tpu.memref_squeeze %dma_start3A_732 : memref<1x32xf32, #tpu.memory_space<vmem>> -> memref<32xf32, #tpu.memory_space<vmem>>
      %dma_start3A_734 = arith.constant 0 : i32
      %dma_start3A_735 = tpu.memref_slice %arg2[%squeeze3A_722, %dma_start3A_734] : memref<1100000x32xf32, #tpu.memory_space<hbm>> -> memref<1x32xf32, #tpu.memory_space<hbm>>
      %dma_start3A_736 = tpu.memref_squeeze %dma_start3A_735 : memref<1x32xf32, #tpu.memory_space<hbm>> -> memref<32xf32, #tpu.memory_space<hbm>>
      %dma_start3A_737 = arith.constant 0 : i32
      %dma_start3A_738 = tpu.memref_slice %arg11[%add3A_730, %dma_start3A_737] : memref<128x128xf32, #tpu.memory_space<vmem>> -> memref<1x32xf32, #tpu.memory_space<vmem>>
      %dma_start3A_739 = tpu.memref_squeeze %dma_start3A_738 : memref<1x32xf32, #tpu.memory_space<vmem>> -> memref<32xf32, #tpu.memory_space<vmem>>
      %dma_start3A_740 = arith.constant 0 : i32
      %dma_start3A_741 = tpu.memref_slice %arg2[%squeeze3A_722, %dma_start3A_740] : memref<1100000x32xf32, #tpu.memory_space<hbm>> -> memref<1x32xf32, #tpu.memory_space<hbm>>
      %dma_start3A_742 = tpu.memref_squeeze %dma_start3A_741 : memref<1x32xf32, #tpu.memory_space<hbm>> -> memref<32xf32, #tpu.memory_space<hbm>>
      tpu.enqueue_dma source(%dma_start3A_742 : memref<32xf32, #tpu.memory_space<hbm>>) target(%dma_start3A_739 : memref<32xf32, #tpu.memory_space<vmem>>) target_semaphore(%arg16 : memref<!tpu.dma_semaphore, #tpu.memory_space<semaphore_mem>>)
      %dma_start3A_743 = arith.constant 0 : i32
      %dma_start3A_744 = tpu.memref_slice %arg12[%add3A_730, %dma_start3A_743] : memref<128x128xf32, #tpu.memory_space<vmem>> -> memref<1x32xf32, #tpu.memory_space<vmem>>
      %dma_start3A_745 = tpu.memref_squeeze %dma_start3A_744 : memref<1x32xf32, #tpu.memory_space<vmem>> -> memref<32xf32, #tpu.memory_space<vmem>>
      %dma_start3A_746 = arith.constant 0 : i32
      %dma_start3A_747 = tpu.memref_slice %arg5[%squeeze3A_722, %dma_start3A_746] : memref<1000000x32xf32, #tpu.memory_space<hbm>> -> memref<1x32xf32, #tpu.memory_space<hbm>>
      %dma_start3A_748 = tpu.memref_squeeze %dma_start3A_747 : memref<1x32xf32, #tpu.memory_space<hbm>> -> memref<32xf32, #tpu.memory_space<hbm>>
      %dma_start3A_749 = arith.constant 0 : i32
      %dma_start3A_750 = tpu.memref_slice %arg12[%add3A_730, %dma_start3A_749] : memref<128x128xf32, #tpu.memory_space<vmem>> -> memref<1x32xf32, #tpu.memory_space<vmem>>
      %dma_start3A_751 = tpu.memref_squeeze %dma_start3A_750 : memref<1x32xf32, #tpu.memory_space<vmem>> -> memref<32xf32, #tpu.memory_space<vmem>>
      %dma_start3A_752 = arith.constant 0 : i32
      %dma_start3A_753 = tpu.memref_slice %arg5[%squeeze3A_722, %dma_start3A_752] : memref<1000000x32xf32, #tpu.memory_space<hbm>> -> memref<1x32xf32, #tpu.memory_space<hbm>>
      %dma_start3A_754 = tpu.memref_squeeze %dma_start3A_753 : memref<1x32xf32, #tpu.memory_space<hbm>> -> memref<32xf32, #tpu.memory_space<hbm>>
      tpu.enqueue_dma source(%dma_start3A_754 : memref<32xf32, #tpu.memory_space<hbm>>) target(%dma_start3A_751 : memref<32xf32, #tpu.memory_space<vmem>>) target_semaphore(%arg16 : memref<!tpu.dma_semaphore, #tpu.memory_space<semaphore_mem>>)
      %dma_start3A_755 = arith.constant 0 : i32
      %dma_start3A_756 = tpu.memref_slice %arg13[%add3A_730, %dma_start3A_755] : memref<128x128xf32, #tpu.memory_space<vmem>> -> memref<1x32xf32, #tpu.memory_space<vmem>>
      %dma_start3A_757 = tpu.memref_squeeze %dma_start3A_756 : memref<1x32xf32, #tpu.memory_space<vmem>> -> memref<32xf32, #tpu.memory_space<vmem>>
      %dma_start3A_758 = arith.constant 0 : i32
      %dma_start3A_759 = tpu.memref_slice %arg2[%squeeze3A_726, %dma_start3A_758] : memref<1100000x32xf32, #tpu.memory_space<hbm>> -> memref<1x32xf32, #tpu.memory_space<hbm>>
      %dma_start3A_760 = tpu.memref_squeeze %dma_start3A_759 : memref<1x32xf32, #tpu.memory_space<hbm>> -> memref<32xf32, #tpu.memory_space<hbm>>
      %dma_start3A_761 = arith.constant 0 : i32
      %dma_start3A_762 = tpu.memref_slice %arg13[%add3A_730, %dma_start3A_761] : memref<128x128xf32, #tpu.memory_space<vmem>> -> memref<1x32xf32, #tpu.memory_space<vmem>>
      %dma_start3A_763 = tpu.memref_squeeze %dma_start3A_762 : memref<1x32xf32, #tpu.memory_space<vmem>> -> memref<32xf32, #tpu.memory_space<vmem>>
      %dma_start3A_764 = arith.constant 0 : i32
      %dma_start3A_765 = tpu.memref_slice %arg2[%squeeze3A_726, %dma_start3A_764] : memref<1100000x32xf32, #tpu.memory_space<hbm>> -> memref<1x32xf32, #tpu.memory_space<hbm>>
      %dma_start3A_766 = tpu.memref_squeeze %dma_start3A_765 : memref<1x32xf32, #tpu.memory_space<hbm>> -> memref<32xf32, #tpu.memory_space<hbm>>
      tpu.enqueue_dma source(%dma_start3A_766 : memref<32xf32, #tpu.memory_space<hbm>>) target(%dma_start3A_763 : memref<32xf32, #tpu.memory_space<vmem>>) target_semaphore(%arg16 : memref<!tpu.dma_semaphore, #tpu.memory_space<semaphore_mem>>)
      %dma_start3A_767 = arith.constant 0 : i32
      %dma_start3A_768 = tpu.memref_slice %arg14[%add3A_730, %dma_start3A_767] : memref<128x128xf32, #tpu.memory_space<vmem>> -> memref<1x32xf32, #tpu.memory_space<vmem>>
      %dma_start3A_769 = tpu.memref_squeeze %dma_start3A_768 : memref<1x32xf32, #tpu.memory_space<vmem>> -> memref<32xf32, #tpu.memory_space<vmem>>
      %dma_start3A_770 = arith.constant 0 : i32
      %dma_start3A_771 = tpu.memref_slice %arg6[%squeeze3A_724, %dma_start3A_770] : memref<100000x32xf32, #tpu.memory_space<hbm>> -> memref<1x32xf32, #tpu.memory_space<hbm>>
      %dma_start3A_772 = tpu.memref_squeeze %dma_start3A_771 : memref<1x32xf32, #tpu.memory_space<hbm>> -> memref<32xf32, #tpu.memory_space<hbm>>
      %dma_start3A_773 = arith.constant 0 : i32
      %dma_start3A_774 = tpu.memref_slice %arg14[%add3A_730, %dma_start3A_773] : memref<128x128xf32, #tpu.memory_space<vmem>> -> memref<1x32xf32, #tpu.memory_space<vmem>>
      %dma_start3A_775 = tpu.memref_squeeze %dma_start3A_774 : memref<1x32xf32, #tpu.memory_space<vmem>> -> memref<32xf32, #tpu.memory_space<vmem>>
      %dma_start3A_776 = arith.constant 0 : i32
      %dma_start3A_777 = tpu.memref_slice %arg6[%squeeze3A_724, %dma_start3A_776] : memref<100000x32xf32, #tpu.memory_space<hbm>> -> memref<1x32xf32, #tpu.memory_space<hbm>>
      %dma_start3A_778 = tpu.memref_squeeze %dma_start3A_777 : memref<1x32xf32, #tpu.memory_space<hbm>> -> memref<32xf32, #tpu.memory_space<hbm>>
      tpu.enqueue_dma source(%dma_start3A_778 : memref<32xf32, #tpu.memory_space<hbm>>) target(%dma_start3A_775 : memref<32xf32, #tpu.memory_space<vmem>>) target_semaphore(%arg16 : memref<!tpu.dma_semaphore, #tpu.memory_space<semaphore_mem>>)
      %slice3A_779 = vector.extract_strided_slice %get3A_20 {offsets = [13], sizes = [1], strides = [1]} : vector<16xi32> to vector<1xi32>
      %squeeze3A_780 = vector.extract %slice3A_779[0] : i32 from vector<1xi32>
      %slice3A_781 = vector.extract_strided_slice %get3A_24 {offsets = [13], sizes = [1], strides = [1]} : vector<16xi32> to vector<1xi32>
      %squeeze3A_782 = vector.extract %slice3A_781[0] : i32 from vector<1xi32>
      %slice3A_783 = vector.extract_strided_slice %add3A_27 {offsets = [13], sizes = [1], strides = [1]} : vector<16xi32> to vector<1xi32>
      %squeeze3A_784 = vector.extract %slice3A_783[0] : i32 from vector<1xi32>
      %mul3A_785 = arith.constant 4 : i32
      %mul3A_786 = arith.muli %scan3A_16, %mul3A_785 : i32
      %add3A_787 = arith.constant 3 : i32
      %add3A_788 = arith.addi %mul3A_786, %add3A_787 : i32
      %dma_start3A_789 = arith.constant 32 : i32
      %dma_start3A_790 = tpu.memref_slice %arg11[%add3A_788, %dma_start3A_789] : memref<128x128xf32, #tpu.memory_space<vmem>> -> memref<1x32xf32, #tpu.memory_space<vmem>>
      %dma_start3A_791 = tpu.memref_squeeze %dma_start3A_790 : memref<1x32xf32, #tpu.memory_space<vmem>> -> memref<32xf32, #tpu.memory_space<vmem>>
      %dma_start3A_792 = arith.constant 0 : i32
      %dma_start3A_793 = tpu.memref_slice %arg2[%squeeze3A_780, %dma_start3A_792] : memref<1100000x32xf32, #tpu.memory_space<hbm>> -> memref<1x32xf32, #tpu.memory_space<hbm>>
      %dma_start3A_794 = tpu.memref_squeeze %dma_start3A_793 : memref<1x32xf32, #tpu.memory_space<hbm>> -> memref<32xf32, #tpu.memory_space<hbm>>
      %dma_start3A_795 = arith.constant 32 : i32
      %dma_start3A_796 = tpu.memref_slice %arg11[%add3A_788, %dma_start3A_795] : memref<128x128xf32, #tpu.memory_space<vmem>> -> memref<1x32xf32, #tpu.memory_space<vmem>>
      %dma_start3A_797 = tpu.memref_squeeze %dma_start3A_796 : memref<1x32xf32, #tpu.memory_space<vmem>> -> memref<32xf32, #tpu.memory_space<vmem>>
      %dma_start3A_798 = arith.constant 0 : i32
      %dma_start3A_799 = tpu.memref_slice %arg2[%squeeze3A_780, %dma_start3A_798] : memref<1100000x32xf32, #tpu.memory_space<hbm>> -> memref<1x32xf32, #tpu.memory_space<hbm>>
      %dma_start3A_800 = tpu.memref_squeeze %dma_start3A_799 : memref<1x32xf32, #tpu.memory_space<hbm>> -> memref<32xf32, #tpu.memory_space<hbm>>
      tpu.enqueue_dma source(%dma_start3A_800 : memref<32xf32, #tpu.memory_space<hbm>>) target(%dma_start3A_797 : memref<32xf32, #tpu.memory_space<vmem>>) target_semaphore(%arg16 : memref<!tpu.dma_semaphore, #tpu.memory_space<semaphore_mem>>)
      %dma_start3A_801 = arith.constant 32 : i32
      %dma_start3A_802 = tpu.memref_slice %arg12[%add3A_788, %dma_start3A_801] : memref<128x128xf32, #tpu.memory_space<vmem>> -> memref<1x32xf32, #tpu.memory_space<vmem>>
      %dma_start3A_803 = tpu.memref_squeeze %dma_start3A_802 : memref<1x32xf32, #tpu.memory_space<vmem>> -> memref<32xf32, #tpu.memory_space<vmem>>
      %dma_start3A_804 = arith.constant 0 : i32
      %dma_start3A_805 = tpu.memref_slice %arg5[%squeeze3A_780, %dma_start3A_804] : memref<1000000x32xf32, #tpu.memory_space<hbm>> -> memref<1x32xf32, #tpu.memory_space<hbm>>
      %dma_start3A_806 = tpu.memref_squeeze %dma_start3A_805 : memref<1x32xf32, #tpu.memory_space<hbm>> -> memref<32xf32, #tpu.memory_space<hbm>>
      %dma_start3A_807 = arith.constant 32 : i32
      %dma_start3A_808 = tpu.memref_slice %arg12[%add3A_788, %dma_start3A_807] : memref<128x128xf32, #tpu.memory_space<vmem>> -> memref<1x32xf32, #tpu.memory_space<vmem>>
      %dma_start3A_809 = tpu.memref_squeeze %dma_start3A_808 : memref<1x32xf32, #tpu.memory_space<vmem>> -> memref<32xf32, #tpu.memory_space<vmem>>
      %dma_start3A_810 = arith.constant 0 : i32
      %dma_start3A_811 = tpu.memref_slice %arg5[%squeeze3A_780, %dma_start3A_810] : memref<1000000x32xf32, #tpu.memory_space<hbm>> -> memref<1x32xf32, #tpu.memory_space<hbm>>
      %dma_start3A_812 = tpu.memref_squeeze %dma_start3A_811 : memref<1x32xf32, #tpu.memory_space<hbm>> -> memref<32xf32, #tpu.memory_space<hbm>>
      tpu.enqueue_dma source(%dma_start3A_812 : memref<32xf32, #tpu.memory_space<hbm>>) target(%dma_start3A_809 : memref<32xf32, #tpu.memory_space<vmem>>) target_semaphore(%arg16 : memref<!tpu.dma_semaphore, #tpu.memory_space<semaphore_mem>>)
      %dma_start3A_813 = arith.constant 32 : i32
      %dma_start3A_814 = tpu.memref_slice %arg13[%add3A_788, %dma_start3A_813] : memref<128x128xf32, #tpu.memory_space<vmem>> -> memref<1x32xf32, #tpu.memory_space<vmem>>
      %dma_start3A_815 = tpu.memref_squeeze %dma_start3A_814 : memref<1x32xf32, #tpu.memory_space<vmem>> -> memref<32xf32, #tpu.memory_space<vmem>>
      %dma_start3A_816 = arith.constant 0 : i32
      %dma_start3A_817 = tpu.memref_slice %arg2[%squeeze3A_784, %dma_start3A_816] : memref<1100000x32xf32, #tpu.memory_space<hbm>> -> memref<1x32xf32, #tpu.memory_space<hbm>>
      %dma_start3A_818 = tpu.memref_squeeze %dma_start3A_817 : memref<1x32xf32, #tpu.memory_space<hbm>> -> memref<32xf32, #tpu.memory_space<hbm>>
      %dma_start3A_819 = arith.constant 32 : i32
      %dma_start3A_820 = tpu.memref_slice %arg13[%add3A_788, %dma_start3A_819] : memref<128x128xf32, #tpu.memory_space<vmem>> -> memref<1x32xf32, #tpu.memory_space<vmem>>
      %dma_start3A_821 = tpu.memref_squeeze %dma_start3A_820 : memref<1x32xf32, #tpu.memory_space<vmem>> -> memref<32xf32, #tpu.memory_space<vmem>>
      %dma_start3A_822 = arith.constant 0 : i32
      %dma_start3A_823 = tpu.memref_slice %arg2[%squeeze3A_784, %dma_start3A_822] : memref<1100000x32xf32, #tpu.memory_space<hbm>> -> memref<1x32xf32, #tpu.memory_space<hbm>>
      %dma_start3A_824 = tpu.memref_squeeze %dma_start3A_823 : memref<1x32xf32, #tpu.memory_space<hbm>> -> memref<32xf32, #tpu.memory_space<hbm>>
      tpu.enqueue_dma source(%dma_start3A_824 : memref<32xf32, #tpu.memory_space<hbm>>) target(%dma_start3A_821 : memref<32xf32, #tpu.memory_space<vmem>>) target_semaphore(%arg16 : memref<!tpu.dma_semaphore, #tpu.memory_space<semaphore_mem>>)
      %dma_start3A_825 = arith.constant 32 : i32
      %dma_start3A_826 = tpu.memref_slice %arg14[%add3A_788, %dma_start3A_825] : memref<128x128xf32, #tpu.memory_space<vmem>> -> memref<1x32xf32, #tpu.memory_space<vmem>>
      %dma_start3A_827 = tpu.memref_squeeze %dma_start3A_826 : memref<1x32xf32, #tpu.memory_space<vmem>> -> memref<32xf32, #tpu.memory_space<vmem>>
      %dma_start3A_828 = arith.constant 0 : i32
      %dma_start3A_829 = tpu.memref_slice %arg6[%squeeze3A_782, %dma_start3A_828] : memref<100000x32xf32, #tpu.memory_space<hbm>> -> memref<1x32xf32, #tpu.memory_space<hbm>>
      %dma_start3A_830 = tpu.memref_squeeze %dma_start3A_829 : memref<1x32xf32, #tpu.memory_space<hbm>> -> memref<32xf32, #tpu.memory_space<hbm>>
      %dma_start3A_831 = arith.constant 32 : i32
      %dma_start3A_832 = tpu.memref_slice %arg14[%add3A_788, %dma_start3A_831] : memref<128x128xf32, #tpu.memory_space<vmem>> -> memref<1x32xf32, #tpu.memory_space<vmem>>
      %dma_start3A_833 = tpu.memref_squeeze %dma_start3A_832 : memref<1x32xf32, #tpu.memory_space<vmem>> -> memref<32xf32, #tpu.memory_space<vmem>>
      %dma_start3A_834 = arith.constant 0 : i32
      %dma_start3A_835 = tpu.memref_slice %arg6[%squeeze3A_782, %dma_start3A_834] : memref<100000x32xf32, #tpu.memory_space<hbm>> -> memref<1x32xf32, #tpu.memory_space<hbm>>
      %dma_start3A_836 = tpu.memref_squeeze %dma_start3A_835 : memref<1x32xf32, #tpu.memory_space<hbm>> -> memref<32xf32, #tpu.memory_space<hbm>>
      tpu.enqueue_dma source(%dma_start3A_836 : memref<32xf32, #tpu.memory_space<hbm>>) target(%dma_start3A_833 : memref<32xf32, #tpu.memory_space<vmem>>) target_semaphore(%arg16 : memref<!tpu.dma_semaphore, #tpu.memory_space<semaphore_mem>>)
      %slice3A_837 = vector.extract_strided_slice %get3A_20 {offsets = [14], sizes = [1], strides = [1]} : vector<16xi32> to vector<1xi32>
      %squeeze3A_838 = vector.extract %slice3A_837[0] : i32 from vector<1xi32>
      %slice3A_839 = vector.extract_strided_slice %get3A_24 {offsets = [14], sizes = [1], strides = [1]} : vector<16xi32> to vector<1xi32>
      %squeeze3A_840 = vector.extract %slice3A_839[0] : i32 from vector<1xi32>
      %slice3A_841 = vector.extract_strided_slice %add3A_27 {offsets = [14], sizes = [1], strides = [1]} : vector<16xi32> to vector<1xi32>
      %squeeze3A_842 = vector.extract %slice3A_841[0] : i32 from vector<1xi32>
      %mul3A_843 = arith.constant 4 : i32
      %mul3A_844 = arith.muli %scan3A_16, %mul3A_843 : i32
      %add3A_845 = arith.constant 3 : i32
      %add3A_846 = arith.addi %mul3A_844, %add3A_845 : i32
      %dma_start3A_847 = arith.constant 64 : i32
      %dma_start3A_848 = tpu.memref_slice %arg11[%add3A_846, %dma_start3A_847] : memref<128x128xf32, #tpu.memory_space<vmem>> -> memref<1x32xf32, #tpu.memory_space<vmem>>
      %dma_start3A_849 = tpu.memref_squeeze %dma_start3A_848 : memref<1x32xf32, #tpu.memory_space<vmem>> -> memref<32xf32, #tpu.memory_space<vmem>>
      %dma_start3A_850 = arith.constant 0 : i32
      %dma_start3A_851 = tpu.memref_slice %arg2[%squeeze3A_838, %dma_start3A_850] : memref<1100000x32xf32, #tpu.memory_space<hbm>> -> memref<1x32xf32, #tpu.memory_space<hbm>>
      %dma_start3A_852 = tpu.memref_squeeze %dma_start3A_851 : memref<1x32xf32, #tpu.memory_space<hbm>> -> memref<32xf32, #tpu.memory_space<hbm>>
      %dma_start3A_853 = arith.constant 64 : i32
      %dma_start3A_854 = tpu.memref_slice %arg11[%add3A_846, %dma_start3A_853] : memref<128x128xf32, #tpu.memory_space<vmem>> -> memref<1x32xf32, #tpu.memory_space<vmem>>
      %dma_start3A_855 = tpu.memref_squeeze %dma_start3A_854 : memref<1x32xf32, #tpu.memory_space<vmem>> -> memref<32xf32, #tpu.memory_space<vmem>>
      %dma_start3A_856 = arith.constant 0 : i32
      %dma_start3A_857 = tpu.memref_slice %arg2[%squeeze3A_838, %dma_start3A_856] : memref<1100000x32xf32, #tpu.memory_space<hbm>> -> memref<1x32xf32, #tpu.memory_space<hbm>>
      %dma_start3A_858 = tpu.memref_squeeze %dma_start3A_857 : memref<1x32xf32, #tpu.memory_space<hbm>> -> memref<32xf32, #tpu.memory_space<hbm>>
      tpu.enqueue_dma source(%dma_start3A_858 : memref<32xf32, #tpu.memory_space<hbm>>) target(%dma_start3A_855 : memref<32xf32, #tpu.memory_space<vmem>>) target_semaphore(%arg16 : memref<!tpu.dma_semaphore, #tpu.memory_space<semaphore_mem>>)
      %dma_start3A_859 = arith.constant 64 : i32
      %dma_start3A_860 = tpu.memref_slice %arg12[%add3A_846, %dma_start3A_859] : memref<128x128xf32, #tpu.memory_space<vmem>> -> memref<1x32xf32, #tpu.memory_space<vmem>>
      %dma_start3A_861 = tpu.memref_squeeze %dma_start3A_860 : memref<1x32xf32, #tpu.memory_space<vmem>> -> memref<32xf32, #tpu.memory_space<vmem>>
      %dma_start3A_862 = arith.constant 0 : i32
      %dma_start3A_863 = tpu.memref_slice %arg5[%squeeze3A_838, %dma_start3A_862] : memref<1000000x32xf32, #tpu.memory_space<hbm>> -> memref<1x32xf32, #tpu.memory_space<hbm>>
      %dma_start3A_864 = tpu.memref_squeeze %dma_start3A_863 : memref<1x32xf32, #tpu.memory_space<hbm>> -> memref<32xf32, #tpu.memory_space<hbm>>
      %dma_start3A_865 = arith.constant 64 : i32
      %dma_start3A_866 = tpu.memref_slice %arg12[%add3A_846, %dma_start3A_865] : memref<128x128xf32, #tpu.memory_space<vmem>> -> memref<1x32xf32, #tpu.memory_space<vmem>>
      %dma_start3A_867 = tpu.memref_squeeze %dma_start3A_866 : memref<1x32xf32, #tpu.memory_space<vmem>> -> memref<32xf32, #tpu.memory_space<vmem>>
      %dma_start3A_868 = arith.constant 0 : i32
      %dma_start3A_869 = tpu.memref_slice %arg5[%squeeze3A_838, %dma_start3A_868] : memref<1000000x32xf32, #tpu.memory_space<hbm>> -> memref<1x32xf32, #tpu.memory_space<hbm>>
      %dma_start3A_870 = tpu.memref_squeeze %dma_start3A_869 : memref<1x32xf32, #tpu.memory_space<hbm>> -> memref<32xf32, #tpu.memory_space<hbm>>
      tpu.enqueue_dma source(%dma_start3A_870 : memref<32xf32, #tpu.memory_space<hbm>>) target(%dma_start3A_867 : memref<32xf32, #tpu.memory_space<vmem>>) target_semaphore(%arg16 : memref<!tpu.dma_semaphore, #tpu.memory_space<semaphore_mem>>)
      %dma_start3A_871 = arith.constant 64 : i32
      %dma_start3A_872 = tpu.memref_slice %arg13[%add3A_846, %dma_start3A_871] : memref<128x128xf32, #tpu.memory_space<vmem>> -> memref<1x32xf32, #tpu.memory_space<vmem>>
      %dma_start3A_873 = tpu.memref_squeeze %dma_start3A_872 : memref<1x32xf32, #tpu.memory_space<vmem>> -> memref<32xf32, #tpu.memory_space<vmem>>
      %dma_start3A_874 = arith.constant 0 : i32
      %dma_start3A_875 = tpu.memref_slice %arg2[%squeeze3A_842, %dma_start3A_874] : memref<1100000x32xf32, #tpu.memory_space<hbm>> -> memref<1x32xf32, #tpu.memory_space<hbm>>
      %dma_start3A_876 = tpu.memref_squeeze %dma_start3A_875 : memref<1x32xf32, #tpu.memory_space<hbm>> -> memref<32xf32, #tpu.memory_space<hbm>>
      %dma_start3A_877 = arith.constant 64 : i32
      %dma_start3A_878 = tpu.memref_slice %arg13[%add3A_846, %dma_start3A_877] : memref<128x128xf32, #tpu.memory_space<vmem>> -> memref<1x32xf32, #tpu.memory_space<vmem>>
      %dma_start3A_879 = tpu.memref_squeeze %dma_start3A_878 : memref<1x32xf32, #tpu.memory_space<vmem>> -> memref<32xf32, #tpu.memory_space<vmem>>
      %dma_start3A_880 = arith.constant 0 : i32
      %dma_start3A_881 = tpu.memref_slice %arg2[%squeeze3A_842, %dma_start3A_880] : memref<1100000x32xf32, #tpu.memory_space<hbm>> -> memref<1x32xf32, #tpu.memory_space<hbm>>
      %dma_start3A_882 = tpu.memref_squeeze %dma_start3A_881 : memref<1x32xf32, #tpu.memory_space<hbm>> -> memref<32xf32, #tpu.memory_space<hbm>>
      tpu.enqueue_dma source(%dma_start3A_882 : memref<32xf32, #tpu.memory_space<hbm>>) target(%dma_start3A_879 : memref<32xf32, #tpu.memory_space<vmem>>) target_semaphore(%arg16 : memref<!tpu.dma_semaphore, #tpu.memory_space<semaphore_mem>>)
      %dma_start3A_883 = arith.constant 64 : i32
      %dma_start3A_884 = tpu.memref_slice %arg14[%add3A_846, %dma_start3A_883] : memref<128x128xf32, #tpu.memory_space<vmem>> -> memref<1x32xf32, #tpu.memory_space<vmem>>
      %dma_start3A_885 = tpu.memref_squeeze %dma_start3A_884 : memref<1x32xf32, #tpu.memory_space<vmem>> -> memref<32xf32, #tpu.memory_space<vmem>>
      %dma_start3A_886 = arith.constant 0 : i32
      %dma_start3A_887 = tpu.memref_slice %arg6[%squeeze3A_840, %dma_start3A_886] : memref<100000x32xf32, #tpu.memory_space<hbm>> -> memref<1x32xf32, #tpu.memory_space<hbm>>
      %dma_start3A_888 = tpu.memref_squeeze %dma_start3A_887 : memref<1x32xf32, #tpu.memory_space<hbm>> -> memref<32xf32, #tpu.memory_space<hbm>>
      %dma_start3A_889 = arith.constant 64 : i32
      %dma_start3A_890 = tpu.memref_slice %arg14[%add3A_846, %dma_start3A_889] : memref<128x128xf32, #tpu.memory_space<vmem>> -> memref<1x32xf32, #tpu.memory_space<vmem>>
      %dma_start3A_891 = tpu.memref_squeeze %dma_start3A_890 : memref<1x32xf32, #tpu.memory_space<vmem>> -> memref<32xf32, #tpu.memory_space<vmem>>
      %dma_start3A_892 = arith.constant 0 : i32
      %dma_start3A_893 = tpu.memref_slice %arg6[%squeeze3A_840, %dma_start3A_892] : memref<100000x32xf32, #tpu.memory_space<hbm>> -> memref<1x32xf32, #tpu.memory_space<hbm>>
      %dma_start3A_894 = tpu.memref_squeeze %dma_start3A_893 : memref<1x32xf32, #tpu.memory_space<hbm>> -> memref<32xf32, #tpu.memory_space<hbm>>
      tpu.enqueue_dma source(%dma_start3A_894 : memref<32xf32, #tpu.memory_space<hbm>>) target(%dma_start3A_891 : memref<32xf32, #tpu.memory_space<vmem>>) target_semaphore(%arg16 : memref<!tpu.dma_semaphore, #tpu.memory_space<semaphore_mem>>)
      %slice3A_895 = vector.extract_strided_slice %get3A_20 {offsets = [15], sizes = [1], strides = [1]} : vector<16xi32> to vector<1xi32>
      %squeeze3A_896 = vector.extract %slice3A_895[0] : i32 from vector<1xi32>
      %slice3A_897 = vector.extract_strided_slice %get3A_24 {offsets = [15], sizes = [1], strides = [1]} : vector<16xi32> to vector<1xi32>
      %squeeze3A_898 = vector.extract %slice3A_897[0] : i32 from vector<1xi32>
      %slice3A_899 = vector.extract_strided_slice %add3A_27 {offsets = [15], sizes = [1], strides = [1]} : vector<16xi32> to vector<1xi32>
      %squeeze3A_900 = vector.extract %slice3A_899[0] : i32 from vector<1xi32>
      %mul3A_901 = arith.constant 4 : i32
      %mul3A_902 = arith.muli %scan3A_16, %mul3A_901 : i32
      %add3A_903 = arith.constant 3 : i32
      %add3A_904 = arith.addi %mul3A_902, %add3A_903 : i32
      %dma_start3A_905 = arith.constant 96 : i32
      %dma_start3A_906 = tpu.memref_slice %arg11[%add3A_904, %dma_start3A_905] : memref<128x128xf32, #tpu.memory_space<vmem>> -> memref<1x32xf32, #tpu.memory_space<vmem>>
      %dma_start3A_907 = tpu.memref_squeeze %dma_start3A_906 : memref<1x32xf32, #tpu.memory_space<vmem>> -> memref<32xf32, #tpu.memory_space<vmem>>
      %dma_start3A_908 = arith.constant 0 : i32
      %dma_start3A_909 = tpu.memref_slice %arg2[%squeeze3A_896, %dma_start3A_908] : memref<1100000x32xf32, #tpu.memory_space<hbm>> -> memref<1x32xf32, #tpu.memory_space<hbm>>
      %dma_start3A_910 = tpu.memref_squeeze %dma_start3A_909 : memref<1x32xf32, #tpu.memory_space<hbm>> -> memref<32xf32, #tpu.memory_space<hbm>>
      %dma_start3A_911 = arith.constant 96 : i32
      %dma_start3A_912 = tpu.memref_slice %arg11[%add3A_904, %dma_start3A_911] : memref<128x128xf32, #tpu.memory_space<vmem>> -> memref<1x32xf32, #tpu.memory_space<vmem>>
      %dma_start3A_913 = tpu.memref_squeeze %dma_start3A_912 : memref<1x32xf32, #tpu.memory_space<vmem>> -> memref<32xf32, #tpu.memory_space<vmem>>
      %dma_start3A_914 = arith.constant 0 : i32
      %dma_start3A_915 = tpu.memref_slice %arg2[%squeeze3A_896, %dma_start3A_914] : memref<1100000x32xf32, #tpu.memory_space<hbm>> -> memref<1x32xf32, #tpu.memory_space<hbm>>
      %dma_start3A_916 = tpu.memref_squeeze %dma_start3A_915 : memref<1x32xf32, #tpu.memory_space<hbm>> -> memref<32xf32, #tpu.memory_space<hbm>>
      tpu.enqueue_dma source(%dma_start3A_916 : memref<32xf32, #tpu.memory_space<hbm>>) target(%dma_start3A_913 : memref<32xf32, #tpu.memory_space<vmem>>) target_semaphore(%arg16 : memref<!tpu.dma_semaphore, #tpu.memory_space<semaphore_mem>>)
      %dma_start3A_917 = arith.constant 96 : i32
      %dma_start3A_918 = tpu.memref_slice %arg12[%add3A_904, %dma_start3A_917] : memref<128x128xf32, #tpu.memory_space<vmem>> -> memref<1x32xf32, #tpu.memory_space<vmem>>
      %dma_start3A_919 = tpu.memref_squeeze %dma_start3A_918 : memref<1x32xf32, #tpu.memory_space<vmem>> -> memref<32xf32, #tpu.memory_space<vmem>>
      %dma_start3A_920 = arith.constant 0 : i32
      %dma_start3A_921 = tpu.memref_slice %arg5[%squeeze3A_896, %dma_start3A_920] : memref<1000000x32xf32, #tpu.memory_space<hbm>> -> memref<1x32xf32, #tpu.memory_space<hbm>>
      %dma_start3A_922 = tpu.memref_squeeze %dma_start3A_921 : memref<1x32xf32, #tpu.memory_space<hbm>> -> memref<32xf32, #tpu.memory_space<hbm>>
      %dma_start3A_923 = arith.constant 96 : i32
      %dma_start3A_924 = tpu.memref_slice %arg12[%add3A_904, %dma_start3A_923] : memref<128x128xf32, #tpu.memory_space<vmem>> -> memref<1x32xf32, #tpu.memory_space<vmem>>
      %dma_start3A_925 = tpu.memref_squeeze %dma_start3A_924 : memref<1x32xf32, #tpu.memory_space<vmem>> -> memref<32xf32, #tpu.memory_space<vmem>>
      %dma_start3A_926 = arith.constant 0 : i32
      %dma_start3A_927 = tpu.memref_slice %arg5[%squeeze3A_896, %dma_start3A_926] : memref<1000000x32xf32, #tpu.memory_space<hbm>> -> memref<1x32xf32, #tpu.memory_space<hbm>>
      %dma_start3A_928 = tpu.memref_squeeze %dma_start3A_927 : memref<1x32xf32, #tpu.memory_space<hbm>> -> memref<32xf32, #tpu.memory_space<hbm>>
      tpu.enqueue_dma source(%dma_start3A_928 : memref<32xf32, #tpu.memory_space<hbm>>) target(%dma_start3A_925 : memref<32xf32, #tpu.memory_space<vmem>>) target_semaphore(%arg16 : memref<!tpu.dma_semaphore, #tpu.memory_space<semaphore_mem>>)
      %dma_start3A_929 = arith.constant 96 : i32
      %dma_start3A_930 = tpu.memref_slice %arg13[%add3A_904, %dma_start3A_929] : memref<128x128xf32, #tpu.memory_space<vmem>> -> memref<1x32xf32, #tpu.memory_space<vmem>>
      %dma_start3A_931 = tpu.memref_squeeze %dma_start3A_930 : memref<1x32xf32, #tpu.memory_space<vmem>> -> memref<32xf32, #tpu.memory_space<vmem>>
      %dma_start3A_932 = arith.constant 0 : i32
      %dma_start3A_933 = tpu.memref_slice %arg2[%squeeze3A_900, %dma_start3A_932] : memref<1100000x32xf32, #tpu.memory_space<hbm>> -> memref<1x32xf32, #tpu.memory_space<hbm>>
      %dma_start3A_934 = tpu.memref_squeeze %dma_start3A_933 : memref<1x32xf32, #tpu.memory_space<hbm>> -> memref<32xf32, #tpu.memory_space<hbm>>
      %dma_start3A_935 = arith.constant 96 : i32
      %dma_start3A_936 = tpu.memref_slice %arg13[%add3A_904, %dma_start3A_935] : memref<128x128xf32, #tpu.memory_space<vmem>> -> memref<1x32xf32, #tpu.memory_space<vmem>>
      %dma_start3A_937 = tpu.memref_squeeze %dma_start3A_936 : memref<1x32xf32, #tpu.memory_space<vmem>> -> memref<32xf32, #tpu.memory_space<vmem>>
      %dma_start3A_938 = arith.constant 0 : i32
      %dma_start3A_939 = tpu.memref_slice %arg2[%squeeze3A_900, %dma_start3A_938] : memref<1100000x32xf32, #tpu.memory_space<hbm>> -> memref<1x32xf32, #tpu.memory_space<hbm>>
      %dma_start3A_940 = tpu.memref_squeeze %dma_start3A_939 : memref<1x32xf32, #tpu.memory_space<hbm>> -> memref<32xf32, #tpu.memory_space<hbm>>
      tpu.enqueue_dma source(%dma_start3A_940 : memref<32xf32, #tpu.memory_space<hbm>>) target(%dma_start3A_937 : memref<32xf32, #tpu.memory_space<vmem>>) target_semaphore(%arg16 : memref<!tpu.dma_semaphore, #tpu.memory_space<semaphore_mem>>)
      %dma_start3A_941 = arith.constant 96 : i32
      %dma_start3A_942 = tpu.memref_slice %arg14[%add3A_904, %dma_start3A_941] : memref<128x128xf32, #tpu.memory_space<vmem>> -> memref<1x32xf32, #tpu.memory_space<vmem>>
      %dma_start3A_943 = tpu.memref_squeeze %dma_start3A_942 : memref<1x32xf32, #tpu.memory_space<vmem>> -> memref<32xf32, #tpu.memory_space<vmem>>
      %dma_start3A_944 = arith.constant 0 : i32
      %dma_start3A_945 = tpu.memref_slice %arg6[%squeeze3A_898, %dma_start3A_944] : memref<100000x32xf32, #tpu.memory_space<hbm>> -> memref<1x32xf32, #tpu.memory_space<hbm>>
      %dma_start3A_946 = tpu.memref_squeeze %dma_start3A_945 : memref<1x32xf32, #tpu.memory_space<hbm>> -> memref<32xf32, #tpu.memory_space<hbm>>
      %dma_start3A_947 = arith.constant 96 : i32
      %dma_start3A_948 = tpu.memref_slice %arg14[%add3A_904, %dma_start3A_947] : memref<128x128xf32, #tpu.memory_space<vmem>> -> memref<1x32xf32, #tpu.memory_space<vmem>>
      %dma_start3A_949 = tpu.memref_squeeze %dma_start3A_948 : memref<1x32xf32, #tpu.memory_space<vmem>> -> memref<32xf32, #tpu.memory_space<vmem>>
      %dma_start3A_950 = arith.constant 0 : i32
      %dma_start3A_951 = tpu.memref_slice %arg6[%squeeze3A_898, %dma_start3A_950] : memref<100000x32xf32, #tpu.memory_space<hbm>> -> memref<1x32xf32, #tpu.memory_space<hbm>>
      %dma_start3A_952 = tpu.memref_squeeze %dma_start3A_951 : memref<1x32xf32, #tpu.memory_space<hbm>> -> memref<32xf32, #tpu.memory_space<hbm>>
      tpu.enqueue_dma source(%dma_start3A_952 : memref<32xf32, #tpu.memory_space<hbm>>) target(%dma_start3A_949 : memref<32xf32, #tpu.memory_space<vmem>>) target_semaphore(%arg16 : memref<!tpu.dma_semaphore, #tpu.memory_space<semaphore_mem>>)
      %scan3A_953 = arith.constant 0 : i32
      scf.yield %scan3A_953 : i32
    }
    %scan3A_8 = arith.constant 32 : i32
    tpu.wait_dma2 semaphore(%arg16 : memref<!tpu.dma_semaphore, #tpu.memory_space<semaphore_mem>>) src(%arg7 : memref<128x128xf32, #tpu.memory_space<hbm>>) dst(%arg11 : memref<128x128xf32, #tpu.memory_space<vmem>>)
    tpu.wait_dma2 semaphore(%arg16 : memref<!tpu.dma_semaphore, #tpu.memory_space<semaphore_mem>>) src(%arg7 : memref<128x128xf32, #tpu.memory_space<hbm>>) dst(%arg12 : memref<128x128xf32, #tpu.memory_space<vmem>>)
    tpu.wait_dma2 semaphore(%arg16 : memref<!tpu.dma_semaphore, #tpu.memory_space<semaphore_mem>>) src(%arg7 : memref<128x128xf32, #tpu.memory_space<hbm>>) dst(%arg13 : memref<128x128xf32, #tpu.memory_space<vmem>>)
    tpu.wait_dma2 semaphore(%arg16 : memref<!tpu.dma_semaphore, #tpu.memory_space<semaphore_mem>>) src(%arg7 : memref<128x128xf32, #tpu.memory_space<hbm>>) dst(%arg14 : memref<128x128xf32, #tpu.memory_space<vmem>>)
    %iota3A = tpu.iota {dimensions = array<i32: 0>} : vector<16xi32>
    %scan3A_9 = arith.constant 0 : i32
    %scan3A_10 = arith.constant 0 : i32
    %scan3A_11 = arith.constant 32 : i32
    %scan3A_12 = arith.addi %scan3A_10, %scan3A_11 : i32
    %scan3A_13 = arith.constant 1 : i32
    %scan3A_14 = scf.for %scan3A_16 = %scan3A_10 to %scan3A_12 step %scan3A_13 iter_args(%scan3A_17 = %scan3A_9) -> (i32)  : i32 {
      %broadcast_in_dim3A = arith.constant 0.000000e+00 : f32
      %broadcast_in_dim3A_18 = vector.broadcast %broadcast_in_dim3A : f32 to vector<16xf32>
      %mul3A_19 = arith.constant 4 : i32
      %mul3A_20 = arith.muli %scan3A_16, %mul3A_19 : i32
      %add3A_21 = arith.constant 0 : i32
      %add3A_22 = arith.addi %mul3A_20, %add3A_21 : i32
      %get3A = arith.index_cast %add3A_22 : i32 to index
      %get3A_23 = arith.constant 0 : index
      %get3A_24 = tpu.vector_load %arg11[%get3A, %get3A_23] {strides = array<i32>} : memref<128x128xf32, #tpu.memory_space<vmem>>, vector<16xf32>,
      %get3A_25 = arith.index_cast %add3A_22 : i32 to index
      %get3A_26 = arith.constant 0 : index
      %get3A_27 = tpu.vector_load %arg13[%get3A_25, %get3A_26] {strides = array<i32>} : memref<128x128xf32, #tpu.memory_space<vmem>>, vector<16xf32>,
      %mul3A_28 = arith.mulf %get3A_24, %get3A_27 : vector<16xf32>
      %get3A_29 = arith.index_cast %add3A_22 : i32 to index
      %get3A_30 = arith.constant 16 : index
      %get3A_31 = tpu.vector_load %arg11[%get3A_29, %get3A_30] {strides = array<i32>} : memref<128x128xf32, #tpu.memory_space<vmem>>, vector<16xf32>,
      %get3A_32 = arith.index_cast %add3A_22 : i32 to index
      %get3A_33 = arith.constant 16 : index
      %get3A_34 = tpu.vector_load %arg13[%get3A_32, %get3A_33] {strides = array<i32>} : memref<128x128xf32, #tpu.memory_space<vmem>>, vector<16xf32>,
      %mul3A_35 = arith.mulf %get3A_31, %get3A_34 : vector<16xf32>
      %add3A_36 = arith.addf %mul3A_28, %mul3A_35 : vector<16xf32>
      %get3A_37 = arith.index_cast %add3A_22 : i32 to index
      %get3A_38 = arith.constant 0 : index
      %get3A_39 = tpu.vector_load %arg12[%get3A_37, %get3A_38] {strides = array<i32>} : memref<128x128xf32, #tpu.memory_space<vmem>>, vector<16xf32>,
      %get3A_40 = arith.index_cast %add3A_22 : i32 to index
      %get3A_41 = arith.constant 0 : index
      %get3A_42 = tpu.vector_load %arg14[%get3A_40, %get3A_41] {strides = array<i32>} : memref<128x128xf32, #tpu.memory_space<vmem>>, vector<16xf32>,
      %mul3A_43 = arith.mulf %get3A_39, %get3A_42 : vector<16xf32>
      %add3A_44 = arith.addf %add3A_36, %mul3A_43 : vector<16xf32>
      %get3A_45 = arith.index_cast %add3A_22 : i32 to index
      %get3A_46 = arith.constant 16 : index
      %get3A_47 = tpu.vector_load %arg12[%get3A_45, %get3A_46] {strides = array<i32>} : memref<128x128xf32, #tpu.memory_space<vmem>>, vector<16xf32>,
      %get3A_48 = arith.index_cast %add3A_22 : i32 to index
      %get3A_49 = arith.constant 16 : index
      %get3A_50 = tpu.vector_load %arg14[%get3A_48, %get3A_49] {strides = array<i32>} : memref<128x128xf32, #tpu.memory_space<vmem>>, vector<16xf32>,
      %mul3A_51 = arith.mulf %get3A_47, %get3A_50 : vector<16xf32>
      %add3A_52 = arith.addf %add3A_44, %mul3A_51 : vector<16xf32>
      %eq3A = arith.constant 0 : i32
      %eq3A_53 = vector.broadcast %eq3A : i32 to vector<16xi32>
      %eq3A_54 = arith.cmpi eq, %iota3A, %eq3A_53 : vector<16xi32>
      %reduce_sum3A = arith.constant true
      %reduce_sum3A_55 = vector.broadcast %reduce_sum3A : i1 to vector<16xi1>
      %reduce_sum3A_56 = tpu.scan <sum>, %add3A_52 masked %reduce_sum3A_55 : vector<16xf32>, vector<16xi1> -> vector<16xf32>
      %reduce_sum3A_57 = vector.extract %reduce_sum3A_56[15] : f32 from vector<16xf32>
      %broadcast_in_dim3A_58 = vector.broadcast %reduce_sum3A_57 : f32 to vector<16xf32>
      %select_n3A = arith.select %eq3A_54, %broadcast_in_dim3A_58, %broadcast_in_dim3A_18 : vector<16xi1>, vector<16xf32>
      %mul3A_59 = arith.constant 4 : i32
      %mul3A_60 = arith.muli %scan3A_16, %mul3A_59 : i32
      %add3A_61 = arith.constant 0 : i32
      %add3A_62 = arith.addi %mul3A_60, %add3A_61 : i32
      %get3A_63 = arith.index_cast %add3A_62 : i32 to index
      %get3A_64 = arith.constant 32 : index
      %get3A_65 = tpu.vector_load %arg11[%get3A_63, %get3A_64] {strides = array<i32>} : memref<128x128xf32, #tpu.memory_space<vmem>>, vector<16xf32>,
      %get3A_66 = arith.index_cast %add3A_62 : i32 to index
      %get3A_67 = arith.constant 32 : index
      %get3A_68 = tpu.vector_load %arg13[%get3A_66, %get3A_67] {strides = array<i32>} : memref<128x128xf32, #tpu.memory_space<vmem>>, vector<16xf32>,
      %mul3A_69 = arith.mulf %get3A_65, %get3A_68 : vector<16xf32>
      %get3A_70 = arith.index_cast %add3A_62 : i32 to index
      %get3A_71 = arith.constant 48 : index
      %get3A_72 = tpu.vector_load %arg11[%get3A_70, %get3A_71] {strides = array<i32>} : memref<128x128xf32, #tpu.memory_space<vmem>>, vector<16xf32>,
      %get3A_73 = arith.index_cast %add3A_62 : i32 to index
      %get3A_74 = arith.constant 48 : index
      %get3A_75 = tpu.vector_load %arg13[%get3A_73, %get3A_74] {strides = array<i32>} : memref<128x128xf32, #tpu.memory_space<vmem>>, vector<16xf32>,
      %mul3A_76 = arith.mulf %get3A_72, %get3A_75 : vector<16xf32>
      %add3A_77 = arith.addf %mul3A_69, %mul3A_76 : vector<16xf32>
      %get3A_78 = arith.index_cast %add3A_62 : i32 to index
      %get3A_79 = arith.constant 32 : index
      %get3A_80 = tpu.vector_load %arg12[%get3A_78, %get3A_79] {strides = array<i32>} : memref<128x128xf32, #tpu.memory_space<vmem>>, vector<16xf32>,
      %get3A_81 = arith.index_cast %add3A_62 : i32 to index
      %get3A_82 = arith.constant 32 : index
      %get3A_83 = tpu.vector_load %arg14[%get3A_81, %get3A_82] {strides = array<i32>} : memref<128x128xf32, #tpu.memory_space<vmem>>, vector<16xf32>,
      %mul3A_84 = arith.mulf %get3A_80, %get3A_83 : vector<16xf32>
      %add3A_85 = arith.addf %add3A_77, %mul3A_84 : vector<16xf32>
      %get3A_86 = arith.index_cast %add3A_62 : i32 to index
      %get3A_87 = arith.constant 48 : index
      %get3A_88 = tpu.vector_load %arg12[%get3A_86, %get3A_87] {strides = array<i32>} : memref<128x128xf32, #tpu.memory_space<vmem>>, vector<16xf32>,
      %get3A_89 = arith.index_cast %add3A_62 : i32 to index
      %get3A_90 = arith.constant 48 : index
      %get3A_91 = tpu.vector_load %arg14[%get3A_89, %get3A_90] {strides = array<i32>} : memref<128x128xf32, #tpu.memory_space<vmem>>, vector<16xf32>,
      %mul3A_92 = arith.mulf %get3A_88, %get3A_91 : vector<16xf32>
      %add3A_93 = arith.addf %add3A_85, %mul3A_92 : vector<16xf32>
      %eq3A_94 = arith.constant 1 : i32
      %eq3A_95 = vector.broadcast %eq3A_94 : i32 to vector<16xi32>
      %eq3A_96 = arith.cmpi eq, %iota3A, %eq3A_95 : vector<16xi32>
      %reduce_sum3A_97 = arith.constant true
      %reduce_sum3A_98 = vector.broadcast %reduce_sum3A_97 : i1 to vector<16xi1>
      %reduce_sum3A_99 = tpu.scan <sum>, %add3A_93 masked %reduce_sum3A_98 : vector<16xf32>, vector<16xi1> -> vector<16xf32>
      %reduce_sum3A_100 = vector.extract %reduce_sum3A_99[15] : f32 from vector<16xf32>
      %broadcast_in_dim3A_101 = vector.broadcast %reduce_sum3A_100 : f32 to vector<16xf32>
      %select_n3A_102 = arith.select %eq3A_96, %broadcast_in_dim3A_101, %select_n3A : vector<16xi1>, vector<16xf32>
      %mul3A_103 = arith.constant 4 : i32
      %mul3A_104 = arith.muli %scan3A_16, %mul3A_103 : i32
      %add3A_105 = arith.constant 0 : i32
      %add3A_106 = arith.addi %mul3A_104, %add3A_105 : i32
      %get3A_107 = arith.index_cast %add3A_106 : i32 to index
      %get3A_108 = arith.constant 64 : index
      %get3A_109 = tpu.vector_load %arg11[%get3A_107, %get3A_108] {strides = array<i32>} : memref<128x128xf32, #tpu.memory_space<vmem>>, vector<16xf32>,
      %get3A_110 = arith.index_cast %add3A_106 : i32 to index
      %get3A_111 = arith.constant 64 : index
      %get3A_112 = tpu.vector_load %arg13[%get3A_110, %get3A_111] {strides = array<i32>} : memref<128x128xf32, #tpu.memory_space<vmem>>, vector<16xf32>,
      %mul3A_113 = arith.mulf %get3A_109, %get3A_112 : vector<16xf32>
      %get3A_114 = arith.index_cast %add3A_106 : i32 to index
      %get3A_115 = arith.constant 80 : index
      %get3A_116 = tpu.vector_load %arg11[%get3A_114, %get3A_115] {strides = array<i32>} : memref<128x128xf32, #tpu.memory_space<vmem>>, vector<16xf32>,
      %get3A_117 = arith.index_cast %add3A_106 : i32 to index
      %get3A_118 = arith.constant 80 : index
      %get3A_119 = tpu.vector_load %arg13[%get3A_117, %get3A_118] {strides = array<i32>} : memref<128x128xf32, #tpu.memory_space<vmem>>, vector<16xf32>,
      %mul3A_120 = arith.mulf %get3A_116, %get3A_119 : vector<16xf32>
      %add3A_121 = arith.addf %mul3A_113, %mul3A_120 : vector<16xf32>
      %get3A_122 = arith.index_cast %add3A_106 : i32 to index
      %get3A_123 = arith.constant 64 : index
      %get3A_124 = tpu.vector_load %arg12[%get3A_122, %get3A_123] {strides = array<i32>} : memref<128x128xf32, #tpu.memory_space<vmem>>, vector<16xf32>,
      %get3A_125 = arith.index_cast %add3A_106 : i32 to index
      %get3A_126 = arith.constant 64 : index
      %get3A_127 = tpu.vector_load %arg14[%get3A_125, %get3A_126] {strides = array<i32>} : memref<128x128xf32, #tpu.memory_space<vmem>>, vector<16xf32>,
      %mul3A_128 = arith.mulf %get3A_124, %get3A_127 : vector<16xf32>
      %add3A_129 = arith.addf %add3A_121, %mul3A_128 : vector<16xf32>
      %get3A_130 = arith.index_cast %add3A_106 : i32 to index
      %get3A_131 = arith.constant 80 : index
      %get3A_132 = tpu.vector_load %arg12[%get3A_130, %get3A_131] {strides = array<i32>} : memref<128x128xf32, #tpu.memory_space<vmem>>, vector<16xf32>,
      %get3A_133 = arith.index_cast %add3A_106 : i32 to index
      %get3A_134 = arith.constant 80 : index
      %get3A_135 = tpu.vector_load %arg14[%get3A_133, %get3A_134] {strides = array<i32>} : memref<128x128xf32, #tpu.memory_space<vmem>>, vector<16xf32>,
      %mul3A_136 = arith.mulf %get3A_132, %get3A_135 : vector<16xf32>
      %add3A_137 = arith.addf %add3A_129, %mul3A_136 : vector<16xf32>
      %eq3A_138 = arith.constant 2 : i32
      %eq3A_139 = vector.broadcast %eq3A_138 : i32 to vector<16xi32>
      %eq3A_140 = arith.cmpi eq, %iota3A, %eq3A_139 : vector<16xi32>
      %reduce_sum3A_141 = arith.constant true
      %reduce_sum3A_142 = vector.broadcast %reduce_sum3A_141 : i1 to vector<16xi1>
      %reduce_sum3A_143 = tpu.scan <sum>, %add3A_137 masked %reduce_sum3A_142 : vector<16xf32>, vector<16xi1> -> vector<16xf32>
      %reduce_sum3A_144 = vector.extract %reduce_sum3A_143[15] : f32 from vector<16xf32>
      %broadcast_in_dim3A_145 = vector.broadcast %reduce_sum3A_144 : f32 to vector<16xf32>
      %select_n3A_146 = arith.select %eq3A_140, %broadcast_in_dim3A_145, %select_n3A_102 : vector<16xi1>, vector<16xf32>
      %mul3A_147 = arith.constant 4 : i32
      %mul3A_148 = arith.muli %scan3A_16, %mul3A_147 : i32
      %add3A_149 = arith.constant 0 : i32
      %add3A_150 = arith.addi %mul3A_148, %add3A_149 : i32
      %get3A_151 = arith.index_cast %add3A_150 : i32 to index
      %get3A_152 = arith.constant 96 : index
      %get3A_153 = tpu.vector_load %arg11[%get3A_151, %get3A_152] {strides = array<i32>} : memref<128x128xf32, #tpu.memory_space<vmem>>, vector<16xf32>,
      %get3A_154 = arith.index_cast %add3A_150 : i32 to index
      %get3A_155 = arith.constant 96 : index
      %get3A_156 = tpu.vector_load %arg13[%get3A_154, %get3A_155] {strides = array<i32>} : memref<128x128xf32, #tpu.memory_space<vmem>>, vector<16xf32>,
      %mul3A_157 = arith.mulf %get3A_153, %get3A_156 : vector<16xf32>
      %get3A_158 = arith.index_cast %add3A_150 : i32 to index
      %get3A_159 = arith.constant 112 : index
      %get3A_160 = tpu.vector_load %arg11[%get3A_158, %get3A_159] {strides = array<i32>} : memref<128x128xf32, #tpu.memory_space<vmem>>, vector<16xf32>,
      %get3A_161 = arith.index_cast %add3A_150 : i32 to index
      %get3A_162 = arith.constant 112 : index
      %get3A_163 = tpu.vector_load %arg13[%get3A_161, %get3A_162] {strides = array<i32>} : memref<128x128xf32, #tpu.memory_space<vmem>>, vector<16xf32>,
      %mul3A_164 = arith.mulf %get3A_160, %get3A_163 : vector<16xf32>
      %add3A_165 = arith.addf %mul3A_157, %mul3A_164 : vector<16xf32>
      %get3A_166 = arith.index_cast %add3A_150 : i32 to index
      %get3A_167 = arith.constant 96 : index
      %get3A_168 = tpu.vector_load %arg12[%get3A_166, %get3A_167] {strides = array<i32>} : memref<128x128xf32, #tpu.memory_space<vmem>>, vector<16xf32>,
      %get3A_169 = arith.index_cast %add3A_150 : i32 to index
      %get3A_170 = arith.constant 96 : index
      %get3A_171 = tpu.vector_load %arg14[%get3A_169, %get3A_170] {strides = array<i32>} : memref<128x128xf32, #tpu.memory_space<vmem>>, vector<16xf32>,
      %mul3A_172 = arith.mulf %get3A_168, %get3A_171 : vector<16xf32>
      %add3A_173 = arith.addf %add3A_165, %mul3A_172 : vector<16xf32>
      %get3A_174 = arith.index_cast %add3A_150 : i32 to index
      %get3A_175 = arith.constant 112 : index
      %get3A_176 = tpu.vector_load %arg12[%get3A_174, %get3A_175] {strides = array<i32>} : memref<128x128xf32, #tpu.memory_space<vmem>>, vector<16xf32>,
      %get3A_177 = arith.index_cast %add3A_150 : i32 to index
      %get3A_178 = arith.constant 112 : index
      %get3A_179 = tpu.vector_load %arg14[%get3A_177, %get3A_178] {strides = array<i32>} : memref<128x128xf32, #tpu.memory_space<vmem>>, vector<16xf32>,
      %mul3A_180 = arith.mulf %get3A_176, %get3A_179 : vector<16xf32>
      %add3A_181 = arith.addf %add3A_173, %mul3A_180 : vector<16xf32>
      %eq3A_182 = arith.constant 3 : i32
      %eq3A_183 = vector.broadcast %eq3A_182 : i32 to vector<16xi32>
      %eq3A_184 = arith.cmpi eq, %iota3A, %eq3A_183 : vector<16xi32>
      %reduce_sum3A_185 = arith.constant true
      %reduce_sum3A_186 = vector.broadcast %reduce_sum3A_185 : i1 to vector<16xi1>
      %reduce_sum3A_187 = tpu.scan <sum>, %add3A_181 masked %reduce_sum3A_186 : vector<16xf32>, vector<16xi1> -> vector<16xf32>
      %reduce_sum3A_188 = vector.extract %reduce_sum3A_187[15] : f32 from vector<16xf32>
      %broadcast_in_dim3A_189 = vector.broadcast %reduce_sum3A_188 : f32 to vector<16xf32>
      %select_n3A_190 = arith.select %eq3A_184, %broadcast_in_dim3A_189, %select_n3A_146 : vector<16xi1>, vector<16xf32>
      %mul3A_191 = arith.constant 4 : i32
      %mul3A_192 = arith.muli %scan3A_16, %mul3A_191 : i32
      %add3A_193 = arith.constant 1 : i32
      %add3A_194 = arith.addi %mul3A_192, %add3A_193 : i32
      %get3A_195 = arith.index_cast %add3A_194 : i32 to index
      %get3A_196 = arith.constant 0 : index
      %get3A_197 = tpu.vector_load %arg11[%get3A_195, %get3A_196] {strides = array<i32>} : memref<128x128xf32, #tpu.memory_space<vmem>>, vector<16xf32>,
      %get3A_198 = arith.index_cast %add3A_194 : i32 to index
      %get3A_199 = arith.constant 0 : index
      %get3A_200 = tpu.vector_load %arg13[%get3A_198, %get3A_199] {strides = array<i32>} : memref<128x128xf32, #tpu.memory_space<vmem>>, vector<16xf32>,
      %mul3A_201 = arith.mulf %get3A_197, %get3A_200 : vector<16xf32>
      %get3A_202 = arith.index_cast %add3A_194 : i32 to index
      %get3A_203 = arith.constant 16 : index
      %get3A_204 = tpu.vector_load %arg11[%get3A_202, %get3A_203] {strides = array<i32>} : memref<128x128xf32, #tpu.memory_space<vmem>>, vector<16xf32>,
      %get3A_205 = arith.index_cast %add3A_194 : i32 to index
      %get3A_206 = arith.constant 16 : index
      %get3A_207 = tpu.vector_load %arg13[%get3A_205, %get3A_206] {strides = array<i32>} : memref<128x128xf32, #tpu.memory_space<vmem>>, vector<16xf32>,
      %mul3A_208 = arith.mulf %get3A_204, %get3A_207 : vector<16xf32>
      %add3A_209 = arith.addf %mul3A_201, %mul3A_208 : vector<16xf32>
      %get3A_210 = arith.index_cast %add3A_194 : i32 to index
      %get3A_211 = arith.constant 0 : index
      %get3A_212 = tpu.vector_load %arg12[%get3A_210, %get3A_211] {strides = array<i32>} : memref<128x128xf32, #tpu.memory_space<vmem>>, vector<16xf32>,
      %get3A_213 = arith.index_cast %add3A_194 : i32 to index
      %get3A_214 = arith.constant 0 : index
      %get3A_215 = tpu.vector_load %arg14[%get3A_213, %get3A_214] {strides = array<i32>} : memref<128x128xf32, #tpu.memory_space<vmem>>, vector<16xf32>,
      %mul3A_216 = arith.mulf %get3A_212, %get3A_215 : vector<16xf32>
      %add3A_217 = arith.addf %add3A_209, %mul3A_216 : vector<16xf32>
      %get3A_218 = arith.index_cast %add3A_194 : i32 to index
      %get3A_219 = arith.constant 16 : index
      %get3A_220 = tpu.vector_load %arg12[%get3A_218, %get3A_219] {strides = array<i32>} : memref<128x128xf32, #tpu.memory_space<vmem>>, vector<16xf32>,
      %get3A_221 = arith.index_cast %add3A_194 : i32 to index
      %get3A_222 = arith.constant 16 : index
      %get3A_223 = tpu.vector_load %arg14[%get3A_221, %get3A_222] {strides = array<i32>} : memref<128x128xf32, #tpu.memory_space<vmem>>, vector<16xf32>,
      %mul3A_224 = arith.mulf %get3A_220, %get3A_223 : vector<16xf32>
      %add3A_225 = arith.addf %add3A_217, %mul3A_224 : vector<16xf32>
      %eq3A_226 = arith.constant 4 : i32
      %eq3A_227 = vector.broadcast %eq3A_226 : i32 to vector<16xi32>
      %eq3A_228 = arith.cmpi eq, %iota3A, %eq3A_227 : vector<16xi32>
      %reduce_sum3A_229 = arith.constant true
      %reduce_sum3A_230 = vector.broadcast %reduce_sum3A_229 : i1 to vector<16xi1>
      %reduce_sum3A_231 = tpu.scan <sum>, %add3A_225 masked %reduce_sum3A_230 : vector<16xf32>, vector<16xi1> -> vector<16xf32>
      %reduce_sum3A_232 = vector.extract %reduce_sum3A_231[15] : f32 from vector<16xf32>
      %broadcast_in_dim3A_233 = vector.broadcast %reduce_sum3A_232 : f32 to vector<16xf32>
      %select_n3A_234 = arith.select %eq3A_228, %broadcast_in_dim3A_233, %select_n3A_190 : vector<16xi1>, vector<16xf32>
      %mul3A_235 = arith.constant 4 : i32
      %mul3A_236 = arith.muli %scan3A_16, %mul3A_235 : i32
      %add3A_237 = arith.constant 1 : i32
      %add3A_238 = arith.addi %mul3A_236, %add3A_237 : i32
      %get3A_239 = arith.index_cast %add3A_238 : i32 to index
      %get3A_240 = arith.constant 32 : index
      %get3A_241 = tpu.vector_load %arg11[%get3A_239, %get3A_240] {strides = array<i32>} : memref<128x128xf32, #tpu.memory_space<vmem>>, vector<16xf32>,
      %get3A_242 = arith.index_cast %add3A_238 : i32 to index
      %get3A_243 = arith.constant 32 : index
      %get3A_244 = tpu.vector_load %arg13[%get3A_242, %get3A_243] {strides = array<i32>} : memref<128x128xf32, #tpu.memory_space<vmem>>, vector<16xf32>,
      %mul3A_245 = arith.mulf %get3A_241, %get3A_244 : vector<16xf32>
      %get3A_246 = arith.index_cast %add3A_238 : i32 to index
      %get3A_247 = arith.constant 48 : index
      %get3A_248 = tpu.vector_load %arg11[%get3A_246, %get3A_247] {strides = array<i32>} : memref<128x128xf32, #tpu.memory_space<vmem>>, vector<16xf32>,
      %get3A_249 = arith.index_cast %add3A_238 : i32 to index
      %get3A_250 = arith.constant 48 : index
      %get3A_251 = tpu.vector_load %arg13[%get3A_249, %get3A_250] {strides = array<i32>} : memref<128x128xf32, #tpu.memory_space<vmem>>, vector<16xf32>,
      %mul3A_252 = arith.mulf %get3A_248, %get3A_251 : vector<16xf32>
      %add3A_253 = arith.addf %mul3A_245, %mul3A_252 : vector<16xf32>
      %get3A_254 = arith.index_cast %add3A_238 : i32 to index
      %get3A_255 = arith.constant 32 : index
      %get3A_256 = tpu.vector_load %arg12[%get3A_254, %get3A_255] {strides = array<i32>} : memref<128x128xf32, #tpu.memory_space<vmem>>, vector<16xf32>,
      %get3A_257 = arith.index_cast %add3A_238 : i32 to index
      %get3A_258 = arith.constant 32 : index
      %get3A_259 = tpu.vector_load %arg14[%get3A_257, %get3A_258] {strides = array<i32>} : memref<128x128xf32, #tpu.memory_space<vmem>>, vector<16xf32>,
      %mul3A_260 = arith.mulf %get3A_256, %get3A_259 : vector<16xf32>
      %add3A_261 = arith.addf %add3A_253, %mul3A_260 : vector<16xf32>
      %get3A_262 = arith.index_cast %add3A_238 : i32 to index
      %get3A_263 = arith.constant 48 : index
      %get3A_264 = tpu.vector_load %arg12[%get3A_262, %get3A_263] {strides = array<i32>} : memref<128x128xf32, #tpu.memory_space<vmem>>, vector<16xf32>,
      %get3A_265 = arith.index_cast %add3A_238 : i32 to index
      %get3A_266 = arith.constant 48 : index
      %get3A_267 = tpu.vector_load %arg14[%get3A_265, %get3A_266] {strides = array<i32>} : memref<128x128xf32, #tpu.memory_space<vmem>>, vector<16xf32>,
      %mul3A_268 = arith.mulf %get3A_264, %get3A_267 : vector<16xf32>
      %add3A_269 = arith.addf %add3A_261, %mul3A_268 : vector<16xf32>
      %eq3A_270 = arith.constant 5 : i32
      %eq3A_271 = vector.broadcast %eq3A_270 : i32 to vector<16xi32>
      %eq3A_272 = arith.cmpi eq, %iota3A, %eq3A_271 : vector<16xi32>
      %reduce_sum3A_273 = arith.constant true
      %reduce_sum3A_274 = vector.broadcast %reduce_sum3A_273 : i1 to vector<16xi1>
      %reduce_sum3A_275 = tpu.scan <sum>, %add3A_269 masked %reduce_sum3A_274 : vector<16xf32>, vector<16xi1> -> vector<16xf32>
      %reduce_sum3A_276 = vector.extract %reduce_sum3A_275[15] : f32 from vector<16xf32>
      %broadcast_in_dim3A_277 = vector.broadcast %reduce_sum3A_276 : f32 to vector<16xf32>
      %select_n3A_278 = arith.select %eq3A_272, %broadcast_in_dim3A_277, %select_n3A_234 : vector<16xi1>, vector<16xf32>
      %mul3A_279 = arith.constant 4 : i32
      %mul3A_280 = arith.muli %scan3A_16, %mul3A_279 : i32
      %add3A_281 = arith.constant 1 : i32
      %add3A_282 = arith.addi %mul3A_280, %add3A_281 : i32
      %get3A_283 = arith.index_cast %add3A_282 : i32 to index
      %get3A_284 = arith.constant 64 : index
      %get3A_285 = tpu.vector_load %arg11[%get3A_283, %get3A_284] {strides = array<i32>} : memref<128x128xf32, #tpu.memory_space<vmem>>, vector<16xf32>,
      %get3A_286 = arith.index_cast %add3A_282 : i32 to index
      %get3A_287 = arith.constant 64 : index
      %get3A_288 = tpu.vector_load %arg13[%get3A_286, %get3A_287] {strides = array<i32>} : memref<128x128xf32, #tpu.memory_space<vmem>>, vector<16xf32>,
      %mul3A_289 = arith.mulf %get3A_285, %get3A_288 : vector<16xf32>
      %get3A_290 = arith.index_cast %add3A_282 : i32 to index
      %get3A_291 = arith.constant 80 : index
      %get3A_292 = tpu.vector_load %arg11[%get3A_290, %get3A_291] {strides = array<i32>} : memref<128x128xf32, #tpu.memory_space<vmem>>, vector<16xf32>,
      %get3A_293 = arith.index_cast %add3A_282 : i32 to index
      %get3A_294 = arith.constant 80 : index
      %get3A_295 = tpu.vector_load %arg13[%get3A_293, %get3A_294] {strides = array<i32>} : memref<128x128xf32, #tpu.memory_space<vmem>>, vector<16xf32>,
      %mul3A_296 = arith.mulf %get3A_292, %get3A_295 : vector<16xf32>
      %add3A_297 = arith.addf %mul3A_289, %mul3A_296 : vector<16xf32>
      %get3A_298 = arith.index_cast %add3A_282 : i32 to index
      %get3A_299 = arith.constant 64 : index
      %get3A_300 = tpu.vector_load %arg12[%get3A_298, %get3A_299] {strides = array<i32>} : memref<128x128xf32, #tpu.memory_space<vmem>>, vector<16xf32>,
      %get3A_301 = arith.index_cast %add3A_282 : i32 to index
      %get3A_302 = arith.constant 64 : index
      %get3A_303 = tpu.vector_load %arg14[%get3A_301, %get3A_302] {strides = array<i32>} : memref<128x128xf32, #tpu.memory_space<vmem>>, vector<16xf32>,
      %mul3A_304 = arith.mulf %get3A_300, %get3A_303 : vector<16xf32>
      %add3A_305 = arith.addf %add3A_297, %mul3A_304 : vector<16xf32>
      %get3A_306 = arith.index_cast %add3A_282 : i32 to index
      %get3A_307 = arith.constant 80 : index
      %get3A_308 = tpu.vector_load %arg12[%get3A_306, %get3A_307] {strides = array<i32>} : memref<128x128xf32, #tpu.memory_space<vmem>>, vector<16xf32>,
      %get3A_309 = arith.index_cast %add3A_282 : i32 to index
      %get3A_310 = arith.constant 80 : index
      %get3A_311 = tpu.vector_load %arg14[%get3A_309, %get3A_310] {strides = array<i32>} : memref<128x128xf32, #tpu.memory_space<vmem>>, vector<16xf32>,
      %mul3A_312 = arith.mulf %get3A_308, %get3A_311 : vector<16xf32>
      %add3A_313 = arith.addf %add3A_305, %mul3A_312 : vector<16xf32>
      %eq3A_314 = arith.constant 6 : i32
      %eq3A_315 = vector.broadcast %eq3A_314 : i32 to vector<16xi32>
      %eq3A_316 = arith.cmpi eq, %iota3A, %eq3A_315 : vector<16xi32>
      %reduce_sum3A_317 = arith.constant true
      %reduce_sum3A_318 = vector.broadcast %reduce_sum3A_317 : i1 to vector<16xi1>
      %reduce_sum3A_319 = tpu.scan <sum>, %add3A_313 masked %reduce_sum3A_318 : vector<16xf32>, vector<16xi1> -> vector<16xf32>
      %reduce_sum3A_320 = vector.extract %reduce_sum3A_319[15] : f32 from vector<16xf32>
      %broadcast_in_dim3A_321 = vector.broadcast %reduce_sum3A_320 : f32 to vector<16xf32>
      %select_n3A_322 = arith.select %eq3A_316, %broadcast_in_dim3A_321, %select_n3A_278 : vector<16xi1>, vector<16xf32>
      %mul3A_323 = arith.constant 4 : i32
      %mul3A_324 = arith.muli %scan3A_16, %mul3A_323 : i32
      %add3A_325 = arith.constant 1 : i32
      %add3A_326 = arith.addi %mul3A_324, %add3A_325 : i32
      %get3A_327 = arith.index_cast %add3A_326 : i32 to index
      %get3A_328 = arith.constant 96 : index
      %get3A_329 = tpu.vector_load %arg11[%get3A_327, %get3A_328] {strides = array<i32>} : memref<128x128xf32, #tpu.memory_space<vmem>>, vector<16xf32>,
      %get3A_330 = arith.index_cast %add3A_326 : i32 to index
      %get3A_331 = arith.constant 96 : index
      %get3A_332 = tpu.vector_load %arg13[%get3A_330, %get3A_331] {strides = array<i32>} : memref<128x128xf32, #tpu.memory_space<vmem>>, vector<16xf32>,
      %mul3A_333 = arith.mulf %get3A_329, %get3A_332 : vector<16xf32>
      %get3A_334 = arith.index_cast %add3A_326 : i32 to index
      %get3A_335 = arith.constant 112 : index
      %get3A_336 = tpu.vector_load %arg11[%get3A_334, %get3A_335] {strides = array<i32>} : memref<128x128xf32, #tpu.memory_space<vmem>>, vector<16xf32>,
      %get3A_337 = arith.index_cast %add3A_326 : i32 to index
      %get3A_338 = arith.constant 112 : index
      %get3A_339 = tpu.vector_load %arg13[%get3A_337, %get3A_338] {strides = array<i32>} : memref<128x128xf32, #tpu.memory_space<vmem>>, vector<16xf32>,
      %mul3A_340 = arith.mulf %get3A_336, %get3A_339 : vector<16xf32>
      %add3A_341 = arith.addf %mul3A_333, %mul3A_340 : vector<16xf32>
      %get3A_342 = arith.index_cast %add3A_326 : i32 to index
      %get3A_343 = arith.constant 96 : index
      %get3A_344 = tpu.vector_load %arg12[%get3A_342, %get3A_343] {strides = array<i32>} : memref<128x128xf32, #tpu.memory_space<vmem>>, vector<16xf32>,
      %get3A_345 = arith.index_cast %add3A_326 : i32 to index
      %get3A_346 = arith.constant 96 : index
      %get3A_347 = tpu.vector_load %arg14[%get3A_345, %get3A_346] {strides = array<i32>} : memref<128x128xf32, #tpu.memory_space<vmem>>, vector<16xf32>,
      %mul3A_348 = arith.mulf %get3A_344, %get3A_347 : vector<16xf32>
      %add3A_349 = arith.addf %add3A_341, %mul3A_348 : vector<16xf32>
      %get3A_350 = arith.index_cast %add3A_326 : i32 to index
      %get3A_351 = arith.constant 112 : index
      %get3A_352 = tpu.vector_load %arg12[%get3A_350, %get3A_351] {strides = array<i32>} : memref<128x128xf32, #tpu.memory_space<vmem>>, vector<16xf32>,
      %get3A_353 = arith.index_cast %add3A_326 : i32 to index
      %get3A_354 = arith.constant 112 : index
      %get3A_355 = tpu.vector_load %arg14[%get3A_353, %get3A_354] {strides = array<i32>} : memref<128x128xf32, #tpu.memory_space<vmem>>, vector<16xf32>,
      %mul3A_356 = arith.mulf %get3A_352, %get3A_355 : vector<16xf32>
      %add3A_357 = arith.addf %add3A_349, %mul3A_356 : vector<16xf32>
      %eq3A_358 = arith.constant 7 : i32
      %eq3A_359 = vector.broadcast %eq3A_358 : i32 to vector<16xi32>
      %eq3A_360 = arith.cmpi eq, %iota3A, %eq3A_359 : vector<16xi32>
      %reduce_sum3A_361 = arith.constant true
      %reduce_sum3A_362 = vector.broadcast %reduce_sum3A_361 : i1 to vector<16xi1>
      %reduce_sum3A_363 = tpu.scan <sum>, %add3A_357 masked %reduce_sum3A_362 : vector<16xf32>, vector<16xi1> -> vector<16xf32>
      %reduce_sum3A_364 = vector.extract %reduce_sum3A_363[15] : f32 from vector<16xf32>
      %broadcast_in_dim3A_365 = vector.broadcast %reduce_sum3A_364 : f32 to vector<16xf32>
      %select_n3A_366 = arith.select %eq3A_360, %broadcast_in_dim3A_365, %select_n3A_322 : vector<16xi1>, vector<16xf32>
      %mul3A_367 = arith.constant 4 : i32
      %mul3A_368 = arith.muli %scan3A_16, %mul3A_367 : i32
      %add3A_369 = arith.constant 2 : i32
      %add3A_370 = arith.addi %mul3A_368, %add3A_369 : i32
      %get3A_371 = arith.index_cast %add3A_370 : i32 to index
      %get3A_372 = arith.constant 0 : index
      %get3A_373 = tpu.vector_load %arg11[%get3A_371, %get3A_372] {strides = array<i32>} : memref<128x128xf32, #tpu.memory_space<vmem>>, vector<16xf32>,
      %get3A_374 = arith.index_cast %add3A_370 : i32 to index
      %get3A_375 = arith.constant 0 : index
      %get3A_376 = tpu.vector_load %arg13[%get3A_374, %get3A_375] {strides = array<i32>} : memref<128x128xf32, #tpu.memory_space<vmem>>, vector<16xf32>,
      %mul3A_377 = arith.mulf %get3A_373, %get3A_376 : vector<16xf32>
      %get3A_378 = arith.index_cast %add3A_370 : i32 to index
      %get3A_379 = arith.constant 16 : index
      %get3A_380 = tpu.vector_load %arg11[%get3A_378, %get3A_379] {strides = array<i32>} : memref<128x128xf32, #tpu.memory_space<vmem>>, vector<16xf32>,
      %get3A_381 = arith.index_cast %add3A_370 : i32 to index
      %get3A_382 = arith.constant 16 : index
      %get3A_383 = tpu.vector_load %arg13[%get3A_381, %get3A_382] {strides = array<i32>} : memref<128x128xf32, #tpu.memory_space<vmem>>, vector<16xf32>,
      %mul3A_384 = arith.mulf %get3A_380, %get3A_383 : vector<16xf32>
      %add3A_385 = arith.addf %mul3A_377, %mul3A_384 : vector<16xf32>
      %get3A_386 = arith.index_cast %add3A_370 : i32 to index
      %get3A_387 = arith.constant 0 : index
      %get3A_388 = tpu.vector_load %arg12[%get3A_386, %get3A_387] {strides = array<i32>} : memref<128x128xf32, #tpu.memory_space<vmem>>, vector<16xf32>,
      %get3A_389 = arith.index_cast %add3A_370 : i32 to index
      %get3A_390 = arith.constant 0 : index
      %get3A_391 = tpu.vector_load %arg14[%get3A_389, %get3A_390] {strides = array<i32>} : memref<128x128xf32, #tpu.memory_space<vmem>>, vector<16xf32>,
      %mul3A_392 = arith.mulf %get3A_388, %get3A_391 : vector<16xf32>
      %add3A_393 = arith.addf %add3A_385, %mul3A_392 : vector<16xf32>
      %get3A_394 = arith.index_cast %add3A_370 : i32 to index
      %get3A_395 = arith.constant 16 : index
      %get3A_396 = tpu.vector_load %arg12[%get3A_394, %get3A_395] {strides = array<i32>} : memref<128x128xf32, #tpu.memory_space<vmem>>, vector<16xf32>,
      %get3A_397 = arith.index_cast %add3A_370 : i32 to index
      %get3A_398 = arith.constant 16 : index
      %get3A_399 = tpu.vector_load %arg14[%get3A_397, %get3A_398] {strides = array<i32>} : memref<128x128xf32, #tpu.memory_space<vmem>>, vector<16xf32>,
      %mul3A_400 = arith.mulf %get3A_396, %get3A_399 : vector<16xf32>
      %add3A_401 = arith.addf %add3A_393, %mul3A_400 : vector<16xf32>
      %eq3A_402 = arith.constant 8 : i32
      %eq3A_403 = vector.broadcast %eq3A_402 : i32 to vector<16xi32>
      %eq3A_404 = arith.cmpi eq, %iota3A, %eq3A_403 : vector<16xi32>
      %reduce_sum3A_405 = arith.constant true
      %reduce_sum3A_406 = vector.broadcast %reduce_sum3A_405 : i1 to vector<16xi1>
      %reduce_sum3A_407 = tpu.scan <sum>, %add3A_401 masked %reduce_sum3A_406 : vector<16xf32>, vector<16xi1> -> vector<16xf32>
      %reduce_sum3A_408 = vector.extract %reduce_sum3A_407[15] : f32 from vector<16xf32>
      %broadcast_in_dim3A_409 = vector.broadcast %reduce_sum3A_408 : f32 to vector<16xf32>
      %select_n3A_410 = arith.select %eq3A_404, %broadcast_in_dim3A_409, %select_n3A_366 : vector<16xi1>, vector<16xf32>
      %mul3A_411 = arith.constant 4 : i32
      %mul3A_412 = arith.muli %scan3A_16, %mul3A_411 : i32
      %add3A_413 = arith.constant 2 : i32
      %add3A_414 = arith.addi %mul3A_412, %add3A_413 : i32
      %get3A_415 = arith.index_cast %add3A_414 : i32 to index
      %get3A_416 = arith.constant 32 : index
      %get3A_417 = tpu.vector_load %arg11[%get3A_415, %get3A_416] {strides = array<i32>} : memref<128x128xf32, #tpu.memory_space<vmem>>, vector<16xf32>,
      %get3A_418 = arith.index_cast %add3A_414 : i32 to index
      %get3A_419 = arith.constant 32 : index
      %get3A_420 = tpu.vector_load %arg13[%get3A_418, %get3A_419] {strides = array<i32>} : memref<128x128xf32, #tpu.memory_space<vmem>>, vector<16xf32>,
      %mul3A_421 = arith.mulf %get3A_417, %get3A_420 : vector<16xf32>
      %get3A_422 = arith.index_cast %add3A_414 : i32 to index
      %get3A_423 = arith.constant 48 : index
      %get3A_424 = tpu.vector_load %arg11[%get3A_422, %get3A_423] {strides = array<i32>} : memref<128x128xf32, #tpu.memory_space<vmem>>, vector<16xf32>,
      %get3A_425 = arith.index_cast %add3A_414 : i32 to index
      %get3A_426 = arith.constant 48 : index
      %get3A_427 = tpu.vector_load %arg13[%get3A_425, %get3A_426] {strides = array<i32>} : memref<128x128xf32, #tpu.memory_space<vmem>>, vector<16xf32>,
      %mul3A_428 = arith.mulf %get3A_424, %get3A_427 : vector<16xf32>
      %add3A_429 = arith.addf %mul3A_421, %mul3A_428 : vector<16xf32>
      %get3A_430 = arith.index_cast %add3A_414 : i32 to index
      %get3A_431 = arith.constant 32 : index
      %get3A_432 = tpu.vector_load %arg12[%get3A_430, %get3A_431] {strides = array<i32>} : memref<128x128xf32, #tpu.memory_space<vmem>>, vector<16xf32>,
      %get3A_433 = arith.index_cast %add3A_414 : i32 to index
      %get3A_434 = arith.constant 32 : index
      %get3A_435 = tpu.vector_load %arg14[%get3A_433, %get3A_434] {strides = array<i32>} : memref<128x128xf32, #tpu.memory_space<vmem>>, vector<16xf32>,
      %mul3A_436 = arith.mulf %get3A_432, %get3A_435 : vector<16xf32>
      %add3A_437 = arith.addf %add3A_429, %mul3A_436 : vector<16xf32>
      %get3A_438 = arith.index_cast %add3A_414 : i32 to index
      %get3A_439 = arith.constant 48 : index
      %get3A_440 = tpu.vector_load %arg12[%get3A_438, %get3A_439] {strides = array<i32>} : memref<128x128xf32, #tpu.memory_space<vmem>>, vector<16xf32>,
      %get3A_441 = arith.index_cast %add3A_414 : i32 to index
      %get3A_442 = arith.constant 48 : index
      %get3A_443 = tpu.vector_load %arg14[%get3A_441, %get3A_442] {strides = array<i32>} : memref<128x128xf32, #tpu.memory_space<vmem>>, vector<16xf32>,
      %mul3A_444 = arith.mulf %get3A_440, %get3A_443 : vector<16xf32>
      %add3A_445 = arith.addf %add3A_437, %mul3A_444 : vector<16xf32>
      %eq3A_446 = arith.constant 9 : i32
      %eq3A_447 = vector.broadcast %eq3A_446 : i32 to vector<16xi32>
      %eq3A_448 = arith.cmpi eq, %iota3A, %eq3A_447 : vector<16xi32>
      %reduce_sum3A_449 = arith.constant true
      %reduce_sum3A_450 = vector.broadcast %reduce_sum3A_449 : i1 to vector<16xi1>
      %reduce_sum3A_451 = tpu.scan <sum>, %add3A_445 masked %reduce_sum3A_450 : vector<16xf32>, vector<16xi1> -> vector<16xf32>
      %reduce_sum3A_452 = vector.extract %reduce_sum3A_451[15] : f32 from vector<16xf32>
      %broadcast_in_dim3A_453 = vector.broadcast %reduce_sum3A_452 : f32 to vector<16xf32>
      %select_n3A_454 = arith.select %eq3A_448, %broadcast_in_dim3A_453, %select_n3A_410 : vector<16xi1>, vector<16xf32>
      %mul3A_455 = arith.constant 4 : i32
      %mul3A_456 = arith.muli %scan3A_16, %mul3A_455 : i32
      %add3A_457 = arith.constant 2 : i32
      %add3A_458 = arith.addi %mul3A_456, %add3A_457 : i32
      %get3A_459 = arith.index_cast %add3A_458 : i32 to index
      %get3A_460 = arith.constant 64 : index
      %get3A_461 = tpu.vector_load %arg11[%get3A_459, %get3A_460] {strides = array<i32>} : memref<128x128xf32, #tpu.memory_space<vmem>>, vector<16xf32>,
      %get3A_462 = arith.index_cast %add3A_458 : i32 to index
      %get3A_463 = arith.constant 64 : index
      %get3A_464 = tpu.vector_load %arg13[%get3A_462, %get3A_463] {strides = array<i32>} : memref<128x128xf32, #tpu.memory_space<vmem>>, vector<16xf32>,
      %mul3A_465 = arith.mulf %get3A_461, %get3A_464 : vector<16xf32>
      %get3A_466 = arith.index_cast %add3A_458 : i32 to index
      %get3A_467 = arith.constant 80 : index
      %get3A_468 = tpu.vector_load %arg11[%get3A_466, %get3A_467] {strides = array<i32>} : memref<128x128xf32, #tpu.memory_space<vmem>>, vector<16xf32>,
      %get3A_469 = arith.index_cast %add3A_458 : i32 to index
      %get3A_470 = arith.constant 80 : index
      %get3A_471 = tpu.vector_load %arg13[%get3A_469, %get3A_470] {strides = array<i32>} : memref<128x128xf32, #tpu.memory_space<vmem>>, vector<16xf32>,
      %mul3A_472 = arith.mulf %get3A_468, %get3A_471 : vector<16xf32>
      %add3A_473 = arith.addf %mul3A_465, %mul3A_472 : vector<16xf32>
      %get3A_474 = arith.index_cast %add3A_458 : i32 to index
      %get3A_475 = arith.constant 64 : index
      %get3A_476 = tpu.vector_load %arg12[%get3A_474, %get3A_475] {strides = array<i32>} : memref<128x128xf32, #tpu.memory_space<vmem>>, vector<16xf32>,
      %get3A_477 = arith.index_cast %add3A_458 : i32 to index
      %get3A_478 = arith.constant 64 : index
      %get3A_479 = tpu.vector_load %arg14[%get3A_477, %get3A_478] {strides = array<i32>} : memref<128x128xf32, #tpu.memory_space<vmem>>, vector<16xf32>,
      %mul3A_480 = arith.mulf %get3A_476, %get3A_479 : vector<16xf32>
      %add3A_481 = arith.addf %add3A_473, %mul3A_480 : vector<16xf32>
      %get3A_482 = arith.index_cast %add3A_458 : i32 to index
      %get3A_483 = arith.constant 80 : index
      %get3A_484 = tpu.vector_load %arg12[%get3A_482, %get3A_483] {strides = array<i32>} : memref<128x128xf32, #tpu.memory_space<vmem>>, vector<16xf32>,
      %get3A_485 = arith.index_cast %add3A_458 : i32 to index
      %get3A_486 = arith.constant 80 : index
      %get3A_487 = tpu.vector_load %arg14[%get3A_485, %get3A_486] {strides = array<i32>} : memref<128x128xf32, #tpu.memory_space<vmem>>, vector<16xf32>,
      %mul3A_488 = arith.mulf %get3A_484, %get3A_487 : vector<16xf32>
      %add3A_489 = arith.addf %add3A_481, %mul3A_488 : vector<16xf32>
      %eq3A_490 = arith.constant 10 : i32
      %eq3A_491 = vector.broadcast %eq3A_490 : i32 to vector<16xi32>
      %eq3A_492 = arith.cmpi eq, %iota3A, %eq3A_491 : vector<16xi32>
      %reduce_sum3A_493 = arith.constant true
      %reduce_sum3A_494 = vector.broadcast %reduce_sum3A_493 : i1 to vector<16xi1>
      %reduce_sum3A_495 = tpu.scan <sum>, %add3A_489 masked %reduce_sum3A_494 : vector<16xf32>, vector<16xi1> -> vector<16xf32>
      %reduce_sum3A_496 = vector.extract %reduce_sum3A_495[15] : f32 from vector<16xf32>
      %broadcast_in_dim3A_497 = vector.broadcast %reduce_sum3A_496 : f32 to vector<16xf32>
      %select_n3A_498 = arith.select %eq3A_492, %broadcast_in_dim3A_497, %select_n3A_454 : vector<16xi1>, vector<16xf32>
      %mul3A_499 = arith.constant 4 : i32
      %mul3A_500 = arith.muli %scan3A_16, %mul3A_499 : i32
      %add3A_501 = arith.constant 2 : i32
      %add3A_502 = arith.addi %mul3A_500, %add3A_501 : i32
      %get3A_503 = arith.index_cast %add3A_502 : i32 to index
      %get3A_504 = arith.constant 96 : index
      %get3A_505 = tpu.vector_load %arg11[%get3A_503, %get3A_504] {strides = array<i32>} : memref<128x128xf32, #tpu.memory_space<vmem>>, vector<16xf32>,
      %get3A_506 = arith.index_cast %add3A_502 : i32 to index
      %get3A_507 = arith.constant 96 : index
      %get3A_508 = tpu.vector_load %arg13[%get3A_506, %get3A_507] {strides = array<i32>} : memref<128x128xf32, #tpu.memory_space<vmem>>, vector<16xf32>,
      %mul3A_509 = arith.mulf %get3A_505, %get3A_508 : vector<16xf32>
      %get3A_510 = arith.index_cast %add3A_502 : i32 to index
      %get3A_511 = arith.constant 112 : index
      %get3A_512 = tpu.vector_load %arg11[%get3A_510, %get3A_511] {strides = array<i32>} : memref<128x128xf32, #tpu.memory_space<vmem>>, vector<16xf32>,
      %get3A_513 = arith.index_cast %add3A_502 : i32 to index
      %get3A_514 = arith.constant 112 : index
      %get3A_515 = tpu.vector_load %arg13[%get3A_513, %get3A_514] {strides = array<i32>} : memref<128x128xf32, #tpu.memory_space<vmem>>, vector<16xf32>,
      %mul3A_516 = arith.mulf %get3A_512, %get3A_515 : vector<16xf32>
      %add3A_517 = arith.addf %mul3A_509, %mul3A_516 : vector<16xf32>
      %get3A_518 = arith.index_cast %add3A_502 : i32 to index
      %get3A_519 = arith.constant 96 : index
      %get3A_520 = tpu.vector_load %arg12[%get3A_518, %get3A_519] {strides = array<i32>} : memref<128x128xf32, #tpu.memory_space<vmem>>, vector<16xf32>,
      %get3A_521 = arith.index_cast %add3A_502 : i32 to index
      %get3A_522 = arith.constant 96 : index
      %get3A_523 = tpu.vector_load %arg14[%get3A_521, %get3A_522] {strides = array<i32>} : memref<128x128xf32, #tpu.memory_space<vmem>>, vector<16xf32>,
      %mul3A_524 = arith.mulf %get3A_520, %get3A_523 : vector<16xf32>
      %add3A_525 = arith.addf %add3A_517, %mul3A_524 : vector<16xf32>
      %get3A_526 = arith.index_cast %add3A_502 : i32 to index
      %get3A_527 = arith.constant 112 : index
      %get3A_528 = tpu.vector_load %arg12[%get3A_526, %get3A_527] {strides = array<i32>} : memref<128x128xf32, #tpu.memory_space<vmem>>, vector<16xf32>,
      %get3A_529 = arith.index_cast %add3A_502 : i32 to index
      %get3A_530 = arith.constant 112 : index
      %get3A_531 = tpu.vector_load %arg14[%get3A_529, %get3A_530] {strides = array<i32>} : memref<128x128xf32, #tpu.memory_space<vmem>>, vector<16xf32>,
      %mul3A_532 = arith.mulf %get3A_528, %get3A_531 : vector<16xf32>
      %add3A_533 = arith.addf %add3A_525, %mul3A_532 : vector<16xf32>
      %eq3A_534 = arith.constant 11 : i32
      %eq3A_535 = vector.broadcast %eq3A_534 : i32 to vector<16xi32>
      %eq3A_536 = arith.cmpi eq, %iota3A, %eq3A_535 : vector<16xi32>
      %reduce_sum3A_537 = arith.constant true
      %reduce_sum3A_538 = vector.broadcast %reduce_sum3A_537 : i1 to vector<16xi1>
      %reduce_sum3A_539 = tpu.scan <sum>, %add3A_533 masked %reduce_sum3A_538 : vector<16xf32>, vector<16xi1> -> vector<16xf32>
      %reduce_sum3A_540 = vector.extract %reduce_sum3A_539[15] : f32 from vector<16xf32>
      %broadcast_in_dim3A_541 = vector.broadcast %reduce_sum3A_540 : f32 to vector<16xf32>
      %select_n3A_542 = arith.select %eq3A_536, %broadcast_in_dim3A_541, %select_n3A_498 : vector<16xi1>, vector<16xf32>
      %mul3A_543 = arith.constant 4 : i32
      %mul3A_544 = arith.muli %scan3A_16, %mul3A_543 : i32
      %add3A_545 = arith.constant 3 : i32
      %add3A_546 = arith.addi %mul3A_544, %add3A_545 : i32
      %get3A_547 = arith.index_cast %add3A_546 : i32 to index
      %get3A_548 = arith.constant 0 : index
      %get3A_549 = tpu.vector_load %arg11[%get3A_547, %get3A_548] {strides = array<i32>} : memref<128x128xf32, #tpu.memory_space<vmem>>, vector<16xf32>,
      %get3A_550 = arith.index_cast %add3A_546 : i32 to index
      %get3A_551 = arith.constant 0 : index
      %get3A_552 = tpu.vector_load %arg13[%get3A_550, %get3A_551] {strides = array<i32>} : memref<128x128xf32, #tpu.memory_space<vmem>>, vector<16xf32>,
      %mul3A_553 = arith.mulf %get3A_549, %get3A_552 : vector<16xf32>
      %get3A_554 = arith.index_cast %add3A_546 : i32 to index
      %get3A_555 = arith.constant 16 : index
      %get3A_556 = tpu.vector_load %arg11[%get3A_554, %get3A_555] {strides = array<i32>} : memref<128x128xf32, #tpu.memory_space<vmem>>, vector<16xf32>,
      %get3A_557 = arith.index_cast %add3A_546 : i32 to index
      %get3A_558 = arith.constant 16 : index
      %get3A_559 = tpu.vector_load %arg13[%get3A_557, %get3A_558] {strides = array<i32>} : memref<128x128xf32, #tpu.memory_space<vmem>>, vector<16xf32>,
      %mul3A_560 = arith.mulf %get3A_556, %get3A_559 : vector<16xf32>
      %add3A_561 = arith.addf %mul3A_553, %mul3A_560 : vector<16xf32>
      %get3A_562 = arith.index_cast %add3A_546 : i32 to index
      %get3A_563 = arith.constant 0 : index
      %get3A_564 = tpu.vector_load %arg12[%get3A_562, %get3A_563] {strides = array<i32>} : memref<128x128xf32, #tpu.memory_space<vmem>>, vector<16xf32>,
      %get3A_565 = arith.index_cast %add3A_546 : i32 to index
      %get3A_566 = arith.constant 0 : index
      %get3A_567 = tpu.vector_load %arg14[%get3A_565, %get3A_566] {strides = array<i32>} : memref<128x128xf32, #tpu.memory_space<vmem>>, vector<16xf32>,
      %mul3A_568 = arith.mulf %get3A_564, %get3A_567 : vector<16xf32>
      %add3A_569 = arith.addf %add3A_561, %mul3A_568 : vector<16xf32>
      %get3A_570 = arith.index_cast %add3A_546 : i32 to index
      %get3A_571 = arith.constant 16 : index
      %get3A_572 = tpu.vector_load %arg12[%get3A_570, %get3A_571] {strides = array<i32>} : memref<128x128xf32, #tpu.memory_space<vmem>>, vector<16xf32>,
      %get3A_573 = arith.index_cast %add3A_546 : i32 to index
      %get3A_574 = arith.constant 16 : index
      %get3A_575 = tpu.vector_load %arg14[%get3A_573, %get3A_574] {strides = array<i32>} : memref<128x128xf32, #tpu.memory_space<vmem>>, vector<16xf32>,
      %mul3A_576 = arith.mulf %get3A_572, %get3A_575 : vector<16xf32>
      %add3A_577 = arith.addf %add3A_569, %mul3A_576 : vector<16xf32>
      %eq3A_578 = arith.constant 12 : i32
      %eq3A_579 = vector.broadcast %eq3A_578 : i32 to vector<16xi32>
      %eq3A_580 = arith.cmpi eq, %iota3A, %eq3A_579 : vector<16xi32>
      %reduce_sum3A_581 = arith.constant true
      %reduce_sum3A_582 = vector.broadcast %reduce_sum3A_581 : i1 to vector<16xi1>
      %reduce_sum3A_583 = tpu.scan <sum>, %add3A_577 masked %reduce_sum3A_582 : vector<16xf32>, vector<16xi1> -> vector<16xf32>
      %reduce_sum3A_584 = vector.extract %reduce_sum3A_583[15] : f32 from vector<16xf32>
      %broadcast_in_dim3A_585 = vector.broadcast %reduce_sum3A_584 : f32 to vector<16xf32>
      %select_n3A_586 = arith.select %eq3A_580, %broadcast_in_dim3A_585, %select_n3A_542 : vector<16xi1>, vector<16xf32>
      %mul3A_587 = arith.constant 4 : i32
      %mul3A_588 = arith.muli %scan3A_16, %mul3A_587 : i32
      %add3A_589 = arith.constant 3 : i32
      %add3A_590 = arith.addi %mul3A_588, %add3A_589 : i32
      %get3A_591 = arith.index_cast %add3A_590 : i32 to index
      %get3A_592 = arith.constant 32 : index
      %get3A_593 = tpu.vector_load %arg11[%get3A_591, %get3A_592] {strides = array<i32>} : memref<128x128xf32, #tpu.memory_space<vmem>>, vector<16xf32>,
      %get3A_594 = arith.index_cast %add3A_590 : i32 to index
      %get3A_595 = arith.constant 32 : index
      %get3A_596 = tpu.vector_load %arg13[%get3A_594, %get3A_595] {strides = array<i32>} : memref<128x128xf32, #tpu.memory_space<vmem>>, vector<16xf32>,
      %mul3A_597 = arith.mulf %get3A_593, %get3A_596 : vector<16xf32>
      %get3A_598 = arith.index_cast %add3A_590 : i32 to index
      %get3A_599 = arith.constant 48 : index
      %get3A_600 = tpu.vector_load %arg11[%get3A_598, %get3A_599] {strides = array<i32>} : memref<128x128xf32, #tpu.memory_space<vmem>>, vector<16xf32>,
      %get3A_601 = arith.index_cast %add3A_590 : i32 to index
      %get3A_602 = arith.constant 48 : index
      %get3A_603 = tpu.vector_load %arg13[%get3A_601, %get3A_602] {strides = array<i32>} : memref<128x128xf32, #tpu.memory_space<vmem>>, vector<16xf32>,
      %mul3A_604 = arith.mulf %get3A_600, %get3A_603 : vector<16xf32>
      %add3A_605 = arith.addf %mul3A_597, %mul3A_604 : vector<16xf32>
      %get3A_606 = arith.index_cast %add3A_590 : i32 to index
      %get3A_607 = arith.constant 32 : index
      %get3A_608 = tpu.vector_load %arg12[%get3A_606, %get3A_607] {strides = array<i32>} : memref<128x128xf32, #tpu.memory_space<vmem>>, vector<16xf32>,
      %get3A_609 = arith.index_cast %add3A_590 : i32 to index
      %get3A_610 = arith.constant 32 : index
      %get3A_611 = tpu.vector_load %arg14[%get3A_609, %get3A_610] {strides = array<i32>} : memref<128x128xf32, #tpu.memory_space<vmem>>, vector<16xf32>,
      %mul3A_612 = arith.mulf %get3A_608, %get3A_611 : vector<16xf32>
      %add3A_613 = arith.addf %add3A_605, %mul3A_612 : vector<16xf32>
      %get3A_614 = arith.index_cast %add3A_590 : i32 to index
      %get3A_615 = arith.constant 48 : index
      %get3A_616 = tpu.vector_load %arg12[%get3A_614, %get3A_615] {strides = array<i32>} : memref<128x128xf32, #tpu.memory_space<vmem>>, vector<16xf32>,
      %get3A_617 = arith.index_cast %add3A_590 : i32 to index
      %get3A_618 = arith.constant 48 : index
      %get3A_619 = tpu.vector_load %arg14[%get3A_617, %get3A_618] {strides = array<i32>} : memref<128x128xf32, #tpu.memory_space<vmem>>, vector<16xf32>,
      %mul3A_620 = arith.mulf %get3A_616, %get3A_619 : vector<16xf32>
      %add3A_621 = arith.addf %add3A_613, %mul3A_620 : vector<16xf32>
      %eq3A_622 = arith.constant 13 : i32
      %eq3A_623 = vector.broadcast %eq3A_622 : i32 to vector<16xi32>
      %eq3A_624 = arith.cmpi eq, %iota3A, %eq3A_623 : vector<16xi32>
      %reduce_sum3A_625 = arith.constant true
      %reduce_sum3A_626 = vector.broadcast %reduce_sum3A_625 : i1 to vector<16xi1>
      %reduce_sum3A_627 = tpu.scan <sum>, %add3A_621 masked %reduce_sum3A_626 : vector<16xf32>, vector<16xi1> -> vector<16xf32>
      %reduce_sum3A_628 = vector.extract %reduce_sum3A_627[15] : f32 from vector<16xf32>
      %broadcast_in_dim3A_629 = vector.broadcast %reduce_sum3A_628 : f32 to vector<16xf32>
      %select_n3A_630 = arith.select %eq3A_624, %broadcast_in_dim3A_629, %select_n3A_586 : vector<16xi1>, vector<16xf32>
      %mul3A_631 = arith.constant 4 : i32
      %mul3A_632 = arith.muli %scan3A_16, %mul3A_631 : i32
      %add3A_633 = arith.constant 3 : i32
      %add3A_634 = arith.addi %mul3A_632, %add3A_633 : i32
      %get3A_635 = arith.index_cast %add3A_634 : i32 to index
      %get3A_636 = arith.constant 64 : index
      %get3A_637 = tpu.vector_load %arg11[%get3A_635, %get3A_636] {strides = array<i32>} : memref<128x128xf32, #tpu.memory_space<vmem>>, vector<16xf32>,
      %get3A_638 = arith.index_cast %add3A_634 : i32 to index
      %get3A_639 = arith.constant 64 : index
      %get3A_640 = tpu.vector_load %arg13[%get3A_638, %get3A_639] {strides = array<i32>} : memref<128x128xf32, #tpu.memory_space<vmem>>, vector<16xf32>,
      %mul3A_641 = arith.mulf %get3A_637, %get3A_640 : vector<16xf32>
      %get3A_642 = arith.index_cast %add3A_634 : i32 to index
      %get3A_643 = arith.constant 80 : index
      %get3A_644 = tpu.vector_load %arg11[%get3A_642, %get3A_643] {strides = array<i32>} : memref<128x128xf32, #tpu.memory_space<vmem>>, vector<16xf32>,
      %get3A_645 = arith.index_cast %add3A_634 : i32 to index
      %get3A_646 = arith.constant 80 : index
      %get3A_647 = tpu.vector_load %arg13[%get3A_645, %get3A_646] {strides = array<i32>} : memref<128x128xf32, #tpu.memory_space<vmem>>, vector<16xf32>,
      %mul3A_648 = arith.mulf %get3A_644, %get3A_647 : vector<16xf32>
      %add3A_649 = arith.addf %mul3A_641, %mul3A_648 : vector<16xf32>
      %get3A_650 = arith.index_cast %add3A_634 : i32 to index
      %get3A_651 = arith.constant 64 : index
      %get3A_652 = tpu.vector_load %arg12[%get3A_650, %get3A_651] {strides = array<i32>} : memref<128x128xf32, #tpu.memory_space<vmem>>, vector<16xf32>,
      %get3A_653 = arith.index_cast %add3A_634 : i32 to index
      %get3A_654 = arith.constant 64 : index
      %get3A_655 = tpu.vector_load %arg14[%get3A_653, %get3A_654] {strides = array<i32>} : memref<128x128xf32, #tpu.memory_space<vmem>>, vector<16xf32>,
      %mul3A_656 = arith.mulf %get3A_652, %get3A_655 : vector<16xf32>
      %add3A_657 = arith.addf %add3A_649, %mul3A_656 : vector<16xf32>
      %get3A_658 = arith.index_cast %add3A_634 : i32 to index
      %get3A_659 = arith.constant 80 : index
      %get3A_660 = tpu.vector_load %arg12[%get3A_658, %get3A_659] {strides = array<i32>} : memref<128x128xf32, #tpu.memory_space<vmem>>, vector<16xf32>,
      %get3A_661 = arith.index_cast %add3A_634 : i32 to index
      %get3A_662 = arith.constant 80 : index
      %get3A_663 = tpu.vector_load %arg14[%get3A_661, %get3A_662] {strides = array<i32>} : memref<128x128xf32, #tpu.memory_space<vmem>>, vector<16xf32>,
      %mul3A_664 = arith.mulf %get3A_660, %get3A_663 : vector<16xf32>
      %add3A_665 = arith.addf %add3A_657, %mul3A_664 : vector<16xf32>
      %eq3A_666 = arith.constant 14 : i32
      %eq3A_667 = vector.broadcast %eq3A_666 : i32 to vector<16xi32>
      %eq3A_668 = arith.cmpi eq, %iota3A, %eq3A_667 : vector<16xi32>
      %reduce_sum3A_669 = arith.constant true
      %reduce_sum3A_670 = vector.broadcast %reduce_sum3A_669 : i1 to vector<16xi1>
      %reduce_sum3A_671 = tpu.scan <sum>, %add3A_665 masked %reduce_sum3A_670 : vector<16xf32>, vector<16xi1> -> vector<16xf32>
      %reduce_sum3A_672 = vector.extract %reduce_sum3A_671[15] : f32 from vector<16xf32>
      %broadcast_in_dim3A_673 = vector.broadcast %reduce_sum3A_672 : f32 to vector<16xf32>
      %select_n3A_674 = arith.select %eq3A_668, %broadcast_in_dim3A_673, %select_n3A_630 : vector<16xi1>, vector<16xf32>
      %mul3A_675 = arith.constant 4 : i32
      %mul3A_676 = arith.muli %scan3A_16, %mul3A_675 : i32
      %add3A_677 = arith.constant 3 : i32
      %add3A_678 = arith.addi %mul3A_676, %add3A_677 : i32
      %get3A_679 = arith.index_cast %add3A_678 : i32 to index
      %get3A_680 = arith.constant 96 : index
      %get3A_681 = tpu.vector_load %arg11[%get3A_679, %get3A_680] {strides = array<i32>} : memref<128x128xf32, #tpu.memory_space<vmem>>, vector<16xf32>,
      %get3A_682 = arith.index_cast %add3A_678 : i32 to index
      %get3A_683 = arith.constant 96 : index
      %get3A_684 = tpu.vector_load %arg13[%get3A_682, %get3A_683] {strides = array<i32>} : memref<128x128xf32, #tpu.memory_space<vmem>>, vector<16xf32>,
      %mul3A_685 = arith.mulf %get3A_681, %get3A_684 : vector<16xf32>
      %get3A_686 = arith.index_cast %add3A_678 : i32 to index
      %get3A_687 = arith.constant 112 : index
      %get3A_688 = tpu.vector_load %arg11[%get3A_686, %get3A_687] {strides = array<i32>} : memref<128x128xf32, #tpu.memory_space<vmem>>, vector<16xf32>,
      %get3A_689 = arith.index_cast %add3A_678 : i32 to index
      %get3A_690 = arith.constant 112 : index
      %get3A_691 = tpu.vector_load %arg13[%get3A_689, %get3A_690] {strides = array<i32>} : memref<128x128xf32, #tpu.memory_space<vmem>>, vector<16xf32>,
      %mul3A_692 = arith.mulf %get3A_688, %get3A_691 : vector<16xf32>
      %add3A_693 = arith.addf %mul3A_685, %mul3A_692 : vector<16xf32>
      %get3A_694 = arith.index_cast %add3A_678 : i32 to index
      %get3A_695 = arith.constant 96 : index
      %get3A_696 = tpu.vector_load %arg12[%get3A_694, %get3A_695] {strides = array<i32>} : memref<128x128xf32, #tpu.memory_space<vmem>>, vector<16xf32>,
      %get3A_697 = arith.index_cast %add3A_678 : i32 to index
      %get3A_698 = arith.constant 96 : index
      %get3A_699 = tpu.vector_load %arg14[%get3A_697, %get3A_698] {strides = array<i32>} : memref<128x128xf32, #tpu.memory_space<vmem>>, vector<16xf32>,
      %mul3A_700 = arith.mulf %get3A_696, %get3A_699 : vector<16xf32>
      %add3A_701 = arith.addf %add3A_693, %mul3A_700 : vector<16xf32>
      %get3A_702 = arith.index_cast %add3A_678 : i32 to index
      %get3A_703 = arith.constant 112 : index
      %get3A_704 = tpu.vector_load %arg12[%get3A_702, %get3A_703] {strides = array<i32>} : memref<128x128xf32, #tpu.memory_space<vmem>>, vector<16xf32>,
      %get3A_705 = arith.index_cast %add3A_678 : i32 to index
      %get3A_706 = arith.constant 112 : index
      %get3A_707 = tpu.vector_load %arg14[%get3A_705, %get3A_706] {strides = array<i32>} : memref<128x128xf32, #tpu.memory_space<vmem>>, vector<16xf32>,
      %mul3A_708 = arith.mulf %get3A_704, %get3A_707 : vector<16xf32>
      %add3A_709 = arith.addf %add3A_701, %mul3A_708 : vector<16xf32>
      %eq3A_710 = arith.constant 15 : i32
      %eq3A_711 = vector.broadcast %eq3A_710 : i32 to vector<16xi32>
      %eq3A_712 = arith.cmpi eq, %iota3A, %eq3A_711 : vector<16xi32>
      %reduce_sum3A_713 = arith.constant true
      %reduce_sum3A_714 = vector.broadcast %reduce_sum3A_713 : i1 to vector<16xi1>
      %reduce_sum3A_715 = tpu.scan <sum>, %add3A_709 masked %reduce_sum3A_714 : vector<16xf32>, vector<16xi1> -> vector<16xf32>
      %reduce_sum3A_716 = vector.extract %reduce_sum3A_715[15] : f32 from vector<16xf32>
      %broadcast_in_dim3A_717 = vector.broadcast %reduce_sum3A_716 : f32 to vector<16xf32>
      %select_n3A_718 = arith.select %eq3A_712, %broadcast_in_dim3A_717, %select_n3A_674 : vector<16xi1>, vector<16xf32>
      %mul3A_719 = arith.constant 16 : i32
      %mul3A_720 = arith.muli %scan3A_16, %mul3A_719 : i32
      %swap3A = arith.index_cast %mul3A_720 : i32 to index
      %swap3A_721 = tpu.vector_load %arg15[%swap3A] {strides = array<i32>} : memref<512xf32, #tpu.memory_space<vmem>>, vector<16xf32>,
      tpu.vector_store %arg15[%swap3A], %select_n3A_718 {strides = array<i32>} : memref<512xf32, #tpu.memory_space<vmem>>, vector<16xf32>,
      %scan3A_722 = arith.constant 0 : i32
      scf.yield %scan3A_722 : i32
    }
    %scan3A_15 = arith.constant 32 : i32
    "tpu.region"() ({
      %run_scoped3A = tpu.sem_alloc : memref<!tpu.dma_semaphore, #tpu.memory_space<semaphore_mem>>
      %dma_start3A = tpu.memref_slice %arg8[%mul3A_2] : memref<16384xf32, #tpu.memory_space<hbm>> -> memref<512xf32, #tpu.memory_space<hbm>>
      %dma_start3A_16 = tpu.memref_slice %arg8[%mul3A_2] : memref<16384xf32, #tpu.memory_space<hbm>> -> memref<512xf32, #tpu.memory_space<hbm>>
      tpu.enqueue_dma source(%arg15 : memref<512xf32, #tpu.memory_space<vmem>>) target(%dma_start3A_16 : memref<512xf32, #tpu.memory_space<hbm>>) target_semaphore(%run_scoped3A : memref<!tpu.dma_semaphore, #tpu.memory_space<semaphore_mem>>)
      %dma_wait3A = tpu.memref_slice %arg8[%mul3A_2] : memref<16384xf32, #tpu.memory_space<hbm>> -> memref<512xf32, #tpu.memory_space<hbm>>
      %dma_wait3A_17 = tpu.memref_slice %arg8[%mul3A_2] : memref<16384xf32, #tpu.memory_space<hbm>> -> memref<512xf32, #tpu.memory_space<hbm>>
      tpu.wait_dma2 semaphore(%run_scoped3A : memref<!tpu.dma_semaphore, #tpu.memory_space<semaphore_mem>>) src(%arg15 : memref<512xf32, #tpu.memory_space<vmem>>) dst(%dma_wait3A_17 : memref<512xf32, #tpu.memory_space<hbm>>)
      tpu.yield
    }) : () -> ()
    return
  }
}

</mosaic_0001>

<sc_bundles>
// kernel: _mf.3.cloned.1.call-start
scs
__scs_entry_jumppad:
0x0: {  	(pc) =	sbr.rel $0x88, $3  }
0x1: {  	(tag) =	ssettag $0x0;
	lr =	simm.s32 $0x1  }
0x2: {  	[smem:$0x3F9C] =	sst lr;
	_ =	strace $0xD0000000  }
0x3: {  	_ = 	snop  }
0x4: {  	_ = 	snop  }
0x5: {  	_ = 	snop  }
0x6: {  	_ = 	snop  }
0x7: {  	_ = 	snop  }
__scs_overlays_trampoline_lowered:
0x8: {  	[smem:$0x3FAB] =	sst s0  }
0x9: {  	[smem:$0x3FAC] =	sst s1  }
0xa: {  	[smem:$0x3FAD] =	sst s2  }
0xb: {  	[smem:$0x3FAE] =	sst s3  }
0xc: {  	[smem:$0x3FAF] =	sst s4  }
0xd: {  	[smem:$0x3FB0] =	sst s5  }
0xe: {  	[smem:$0x3FB1] =	sst s6  }
0xf: {  	[smem:$0x3FB2] =	sst s7  }
0x10: {  	[smem:$0x3FB3] =	sst s8  }
0x11: {  	[smem:$0x3FB4] =	sst s9;
	s0 =	simm.s32 @!p0 $0x0  }
0x12: {  	s1 =	sld [smem:$0x3F9A];
	s0 =	simm.s32 @p0 $0x1  }
0x13: {  	[smem:$0x3FB5] =	sst s0;
	s0 =	simm.s32 @!p1 $0x0  }
0x14: {  	s2 =	sld [smem:$0x3F99];
	s0 =	simm.s32 @p1 $0x1  }
0x15: {  	[smem:$0x3FB6] =	sst s0;
	s0 =	simm.s32 @!p2 $0x0  }
0x16: {  	s3 =	sld [smem:$0x3FDB];
	s0 =	simm.s32 @p2 $0x1  }
0x17: {  	s4 =	simm.s32 $0x1BF5;
	[smem:$0x3FB8] =	sst s0  }
0x18: {  	s0 =	sld [smem:$0x3F9B];
	_ =	swait.ge [sflag:s4], $0x0  }
0x19: {  	s7 =	sld [smem:$0x3F9C]  }
0x1a: {  	s8 =	sadd.s32 $0xFFFFE003, lr  }
0x1b: {  	s9 =	sadd.s32 $0xFFFFFEF7, lr;
	s5 =	simm.s32 $0xFFFFFFFF;
	p2 =	slt.u32 s8, $0xFFFFF086  }
0x1c: {  	p1 =	slt.u32 s9, $0xF7A;
	s5 =	simm.s32 @!p2 $0x0  }
0x1d: {  	s5 =	simm.s32 @p1 $0x1;
	p0 =	seq.s32 s7, s2  }
0x1e: {  	s7 =	smul.u32 @!p0 $0xF7A, s2;
	p2 =	seq.s32 @!p0 s5, $0x0  }
0x1f: {  	s9 =	smul.u32 $0xF7A, s1;
	s8 =	simm.s32 @!p0 $0x1BF5;
	p2 =	por !p2, p0  }
0x20: {  	[sflag:s8] =	ssyncset.s32 @!p0 $0xFFFFF086;
	s6 =	sadd.s32 @!p0 s3, s7;
	s7 =	simm.s32 @!p0 $0x108  }
0x21: {  	s3 =	sadd.s32 s3, s9;
	s6 =	sadd.s32 @!p0 $0x88, s6;
	s7 =	simm.s32 @p2 $0x1082  }
0x22: {  	[simem:s7], [sflag:s8] =	dma.local @!p0 [hbm:s6], $0xF7A  }
0x23: {  	s9 =	sor.u32 $0xD0000000, s2;
	s6 =	simm.s32 $0x108;
	_ =	swait.ge @!p0 [sflag:s8], $0x0  }
0x24: {  	s3 =	sadd.s32 $0x88, s3;
	s6 =	simm.s32 @!p1 $0x1082;
	[sflag:s4] =	ssyncset.s32 $0xFFFFF086  }
0x25: {  	[simem:s6], [sflag:s4] =	dma.local [hbm:s3], $0xF7A  }
0x26: {  	[smem:$0x3F9C] =	sst s1;
	(tag) =	ssettag s2;
	_ =	strace s9  }
0x27: {  	s1 =	sld [smem:$0x3FAC]  }
0x28: {  	s2 =	sld [smem:$0x3FAD]  }
0x29: {  	s4 =	sld [smem:$0x3FAF]  }
0x2a: {  	p0 =	seq.s32 s5, $0x0;
	s5 =	sld [smem:$0x3FB0]  }
0x2b: {  	s6 =	sld [smem:$0x3FB1]  }
0x2c: {  	s7 =	sld [smem:$0x3FB2]  }
0x2d: {  	s3 =	simm.s32 $0x108;
	s8 =	sld [smem:$0x3FB3]  }
0x2e: {  	s3 =	simm.s32 @!p0 $0x1082;
	s9 =	sld [smem:$0x3FB4]  }
0x2f: {  	lr =	sadd.s32 s0, s3;
	s0 =	sld [smem:$0x3FAB]  }
0x30: {  	s3 =	sld [smem:$0x3FAE]  }
0x31: {  	[smem:$0x3FB7] =	sst s10  }
0x32: {  	s10 =	sld [smem:$0x3FB5];
	_ =	sdelay $0x3  }
0x33: {  	p0 =	seq.s32 s10, $0x1;
	s10 =	sld [smem:$0x3FB7];
	_ =	sdelay $0x3  }
0x34: {  	[smem:$0x3FB7] =	sst s10  }
0x35: {  	s10 =	sld [smem:$0x3FB6];
	_ =	sdelay $0x3  }
0x36: {  	p1 =	seq.s32 s10, $0x1;
	s10 =	sld [smem:$0x3FB7];
	_ =	sdelay $0x3  }
0x37: {  	[smem:$0x3FB7] =	sst s10  }
0x38: {  	s10 =	sld [smem:$0x3FB8]  }
0x39: {  	_ = 	snop;
	(pc) =	sbr.ind lr, $3  }
0x3a: {  	_ = 	snop  }
0x3b: {  	_ = 	snop  }
0x3c: {  	p2 =	seq.s32 s10, $0x1;
	s10 =	sld [smem:$0x3FB7]  }
0x3d: {  	_ =	shalt  }
0x3e: {  	_ =	shalt  }
0x3f: {  	_ =	shalt  }
0x40: {  	_ =	shalt  }
0x41: {  	_ =	shalt  }
0x42: {  	_ =	shalt  }
0x43: {  	_ =	shalt  }
0x44: {  	_ =	shalt  }
0x45: {  	_ =	shalt  }
0x46: {  	_ =	shalt  }
0x47: {  	_ =	shalt  }
0x48: {  	_ =	shalt  }
0x49: {  	_ =	shalt  }
0x4a: {  	_ =	shalt  }
0x4b: {  	_ =	shalt  }
0x4c: {  	_ =	shalt  }
0x4d: {  	_ =	shalt  }
0x4e: {  	_ =	shalt  }
0x4f: {  	_ =	shalt  }
0x50: {  	_ =	shalt  }
0x51: {  	_ =	shalt  }
0x52: {  	_ =	shalt  }
0x53: {  	_ =	shalt  }
0x54: {  	_ =	shalt  }
0x55: {  	_ =	shalt  }
0x56: {  	_ =	shalt  }
0x57: {  	_ =	shalt  }
0x58: {  	_ =	shalt  }
0x59: {  	_ =	shalt  }
0x5a: {  	_ =	shalt  }
0x5b: {  	_ =	shalt  }
0x5c: {  	_ =	shalt  }
0x5d: {  	_ =	shalt  }
0x5e: {  	_ =	shalt  }
0x5f: {  	_ =	shalt  }
0x60: {  	_ =	shalt  }
0x61: {  	_ =	shalt  }
0x62: {  	_ =	shalt  }
0x63: {  	_ =	shalt  }
0x64: {  	_ =	shalt  }
0x65: {  	_ =	shalt  }
0x66: {  	_ =	shalt  }
0x67: {  	_ =	shalt  }
0x68: {  	_ =	shalt  }
0x69: {  	_ =	shalt  }
0x6a: {  	_ =	shalt  }
0x6b: {  	_ =	shalt  }
0x6c: {  	_ =	shalt  }
0x6d: {  	_ =	shalt  }
0x6e: {  	_ =	shalt  }
0x6f: {  	_ =	shalt  }
0x70: {  	_ =	shalt  }
0x71: {  	_ =	shalt  }
0x72: {  	_ =	shalt  }
0x73: {  	_ =	shalt  }
0x74: {  	_ =	shalt  }
0x75: {  	_ =	shalt  }
0x76: {  	_ =	shalt  }
0x77: {  	_ =	shalt  }
0x78: {  	_ =	shalt  }
0x79: {  	_ =	shalt  }
0x7a: {  	_ =	shalt  }
0x7b: {  	_ =	shalt  }
0x7c: {  	_ =	shalt  }
0x7d: {  	_ =	shalt  }
0x7e: {  	_ =	shalt  }
0x7f: {  	_ =	shalt  }
0x80: {  	_ =	shalt  }
0x81: {  	_ =	shalt  }
0x82: {  	_ =	shalt  }
0x83: {  	_ =	shalt  }
0x84: {  	_ =	shalt  }
0x85: {  	_ =	shalt  }
0x86: {  	_ =	shalt  }
0x87: {  	_ =	shalt  }
.Lfunc_end0:
.L_simem_size_0:
called_computation_lowered:
.L_overlay_start_0:
0x88: {  	s2 =	sld [smem:$0x3FD9]  }
0x89: {  	s3 =	sld [smem:$0x3FFE];
	_ =	sdelay $0x1  }
0x8a: {  	s1 =	srdreg.scid  }
0x8b: {  	s0 =	sand.u32 $0x1, s1  }
0x8c: {  	s17 =	sshll.u32 s0, $0xA;
	s2 =	sadd.s32 s3, s2  }
0x8d: {  	s2 =	sadd.s32 s2, s17  }
0x8e: {  	[smem:$0x3FC3] =	sst s2  }
0x8f: {  	_ = 	snop  }
0x90: {  	s2 =	sld [smem:$0x3FC8]  }
0x91: {  	s18 =	sld [smem:$0x3FC7]  }
0x92: {  	s4 =	sld [smem:$0x3FD0];
	(tm) =	ssettm $0x1  }
0x93: {  	s5 =	sld [smem:$0x3FFB];
	_ =	sdelay $0x3  }
0x94: {  	_ =	strace s5  }
0x95: {  	s5 =	sld [smem:$0x3FFC];
	_ =	sdelay $0x3  }
0x96: {  	_ =	strace s5  }
0x97: {  	s5 =	sld [smem:$0x3FFD];
	_ =	sdelay $0x3  }
0x98: {  	_ =	strace s5  }
0x99: {  	_ =	strace $0x8FFFFFFF  }
0x9a: {  	s19 =	sld [smem:$0x3FDB];
	_ =	sdelay $0x1  }
0x9b: {  	s6 =	simm.s32 $_scs_section_size  }
0x9c: {  	s7 =	simm.s32 $_size__tile_overlayer_lowered;
	s8 =	simm.s32 $_tile_overlayer_lowered  }
0x9d: {  	s22 =	simm.s32 $0x1BFF;
	s21 =	sshll.u32 s8, $0x1;
	s5 =	sadd.s32 s6, s19  }
0x9e: {  	s9 =	simm.s32 $0x0;
	s20 =	sshll.u32 s7, $0x1;
	s7 =	sadd.s32 s21, s5  }
0x9f: {  	[timem:s9], [sflag:s22] =	dma.local [hbm:s7], s20  }
0xa0: {  	_ =	swait.ge [sflag:s22], s20  }
0xa1: {  	s6 =	ssub.s32 $0x0, s20;
	[sflag:s22] =	ssyncset.done $0x0  }
0xa2: {  	[sflag:s22] =	ssyncadd.s32 s6;
	_ =	sdelay $0x1  }
0xa3: {  	s23 =	simm.s32 $0x1B8B  }
0xa4: {  	_ =	swait.ge [sflag:s23], $0x1  }
0xa5: {  	[sflag:s23] =	ssyncset.done $0x0  }
0xa6: {  	s25 =	simm.s32 $0x1B8E;
	s24 =	sld [smem:$0x3FFE];
	[sflag:s23] =	ssyncadd.s32 $0xFFFFFFFF  }
0xa7: {  	s26 =	simm.s32 $execute0_lowered;
	[smem:$0x3FD2] =	sst s25  }
0xa8: {  	s7 =	sshll.u32 s26, $0x1;
	_ =	strace $0x80000046;
	[dreg:$0x1] =	wrdreg $0xFFFFFFFF  }
0xa9: {  	s28 =	simm.s32 $_size_execute0_lowered;
	s5 =	sadd.s32 s5, s7;
	[dreg:$0x0] =	wrdreg $0x0  }
0xaa: {  	s7 =	sshll.u32 s28, $0x1;
	[dreg:$0x2] =	wrdreg s5  }
0xab: {  	[dreg:$0x3] =	wrdreg s7  }
0xac: {  	[dreg:$0x4] =	wrdreg $0xC0  }
0xad: {  	_ =	task [dreg:s9], $0x5FFFF  }
0xae: {  	[dreg:$0x1] =	wrdreg $0xFFFFFFFF  }
0xaf: {  	[dreg:$0x0] =	wrdreg $0x60  }
0xb0: {  	[dreg:$0x2] =	wrdreg s24  }
0xb1: {  	[dreg:$0x3] =	wrdreg s2  }
0xb2: {  	[dreg:$0x4] =	wrdreg s18  }
0xb3: {  	[dreg:$0x5] =	wrdreg s4  }
0xb4: {  	[dreg:$0x6] =	wrdreg $0x9  }
0xb5: {  	_ =	task.clear_ibuf [dreg:s9], $0x7FFFF;
	_ =	strace $0x90000046  }
0xb6: {  	s29 =	simm.s32 $0x9;
	_ =	strace $0x80000048  }
0xb7: {  	_ =	swait.ge [sflag:s29], $0x1  }
0xb8: {  	[sflag:s29] =	ssyncadd.s32 $0xFFFFFFFF  }
0xb9: {  	_ =	strace $0x90000048  }
0xba: {  	_ =	sfence  }
0xbb: {  	s30 =	sld [smem:$0x0];
	_ =	sdelay $0x2  }
0xbc: {  	s31 =	sshll.u32 s1, $0xD;
	s1 =	sshrl.u32 s1, $0x2  }
0xbd: {  	s3 =	sand.u32 $0x4000, s31;
	s1 =	sadd.s32 s1, s30  }
0xbe: {  	s0 =	sor.u32 s3, s0;
	s1 =	sshll.u32 s1, $0x11  }
0xbf: {  	s0 =	sor.u32 s1, s0  }
0xc0: {  	s0 =	sadd.s32 $0x8F2B, s0  }
0xc1: {  	[sflag:s0] =	ssyncadd.remote.s32 $0x1  }
0xc2: {  	_ =	sfence.sel $0xFFFF  }
0xc3: {  	[dreg:$0x0] =	wrdreg $0xFFFFFFFF;
	(pc) =	sbr.abs _section_cstart, $3  }
0xc4: {  	[dreg:$0x1] =	wrdreg $0xFFFFFFFF  }
0xc5: {  	_ =	task.clear_ibuf [dreg:s9], $0x2FFFF;
	_ =	strace $0x9FFFFFFF  }
0xc6: {  	(tm) =	ssettm $0x7FFFFFFF  }
0xc7: {  	_ =	shalt  }
tec
execute0_lowered:
.L_overlay_start_1:
0x0: {  	(tag) =	ssettag $0x1  }
0x1: {  	s0 =	rddreg [dreg:$0x0]  }
0x2: {  	s2 =	rddreg [dreg:$0x1]  }
0x3: {  	s6 =	rddreg [dreg:$0x2]  }
0x4: {  	s7 =	rddreg [dreg:$0x3]  }
0x5: {  	s1 =	simm.s32 $0x0;
	s4 =	srdreg.scid;
	s5 =	stileid.u32  }
0x6: {  	s11 =	simm.s32 $0x80;
	s12 =	simm.s32 $0x400;
	s4 =	sand.u32 $0x1, s4  }
0x7: {  	[smem:$0x7FF] =	sst s1;
	s5 =	sshll.u32 s5, $0x7;
	s9 =	sshll.u32 s4, $0x6  }
0x8: {  	s3 =	sadd.s32 $0x10C9200, s0;
	s13 =	sadd.s32 $0x186E00, s0;
	s9 =	sor.u32 s9, s5  }
0x9: {  	vm0 =	vmmov $0x1;
	vm1 =	vmmov $0x3;
	vm2 =	vmmov $0x7;
	_ =	strace $0x80000047;
	s8 =	ssub.s32 $0x2, s4;
	s2 =	sadd.s32 s2, s9  }
0xa: {  	vm3 =	vmmov $0xf;
	vm4 =	vmmov $0x1f;
	vm5 =	vmmov $0x3f;
	s10 =	sshrl.u32 s8, $0x1;
	s30 =	sadd.s32 s6, s9;
	[dreg:$0x8] =	wrdreg s2  }
0xb: {  	vm6 =	vmmov $0x7f;
	vm7 =	vmmov $0xff;
	vm8 =	vmmov $0x1ff;
	s29 =	ssub.s32 s8, s10;
	s31 =	sadd.s32 s7, s9;
	[dreg:$0x9] =	wrdreg s30  }
0xc: {  	vm9 =	vmmov $0x3ff;
	vm10 =	vmmov $0x7ff;
	vm11 =	vmmov $0xfff;
	s14 =	sadd.s32 $0x400, s0;
	[dreg:$0xa] =	wrdreg s31;
	s0 =	smax.u32 s29, $0x1  }
0xd: {  	vm12 =	vmmov $0x1fff;
	vm13 =	vmmov $0x3fff;
	vm14 =	vmmov $0x7fff;
	s4 =	simm.s32 $0x0;
	s2 =	simm.s32 $0x2;
	[dreg:$0xb] =	wrdreg s0  }
.LBB2_1:
0xe: {  	[dreg:$0xc] =	wrdreg s4  }
0xf: {  	s0 =	rddreg [dreg:$0x8]  }
0x10: {  	[tilespmem:s1], [sflag:$0x2] =	stream.linear.gather [hbm4b:s0+s1], $0x200, $0x38;
	[tilespmem:$0x10600] =	vst v63  }
0x11: {  	_ =	swait.ge [sflag:s2], $0x200  }
0x12: {  	[sflag:s2] =	ssyncset.done $0x0  }
0x13: {  	s4 =	simm.s32 $0x200;
	s8 =	rddreg [dreg:$0x9];
	[sflag:s2] =	ssyncadd.s32 $0xFFFFFE00  }
0x14: {  	[tilespmem:s4], [sflag:$0x2] =	stream.linear.gather [hbm4b:s8+s1], $0x200, $0x38;
	[tilespmem:$0x10600] =	vst v63  }
0x15: {  	_ =	swait.ge [sflag:s2], $0x200  }
0x16: {  	[sflag:s2] =	ssyncset.done $0x0  }
0x17: {  	[sflag:s2] =	ssyncadd.s32 $0xFFFFFE00  }
0x18: {  	v0 =	vld [tilespmem:s1+$0x0];
	_ =	sdelay $0x4  }
0x19: {  	v2 =	vshll.u32 v0, $0x4  }
0x1a: {  	(v2sf) =	vpush v2, $0x0  }
0x1b: {  	v63 =	vld [tilespmem:s4+$0x0];
	_ =	sdelay $0x2  }
0x1c: {  	(v2sf) =	vpush v2, $0x1;
	_ =	sdelay $0x1  }
0x1d: {  	v1 =	vadd.s32 $0xF4240, v63;
	(v2sf) =	vpush v2, $0x2  }
0x1e: {  	v1 =	vshll.u32 v1, $0x4  }
0x1f: {  	(v2sf) =	vpush v1, $0x0;
	_ =	sdelay $0x5  }
0x20: {  	v0 =	vshll.u32 v63, $0x4  }
0x21: {  	s9 =	spop (v2sf);
	(v2sf) =	vpush v0, $0x0  }
0x22: {  	s0 =	sand.u32 $0x1FFFFFF0, s9  }
0x23: {  	s10 =	simm.s32 $0x400;
	s6 =	sadd.s32 s3, s0  }
0x24: {  	[tilespmem:s10], [sflag:$0x1] =	stream.strided.gather [hbm4b:s6+s11], $0x0, s12, s11, $0x38;
	[tilespmem:$0x10600] =	vst v63  }
0x25: {  	s15 =	spop (v2sf)  }
0x26: {  	[tilespmem:s10], [sflag:$0x1] =	stream.linear.gather [hbm4b:s6+s1], $0x20, $0x38;
	[tilespmem:$0x10600] =	vst v63  }
0x27: {  	s16 =	simm.s32 $0x4400;
	s0 =	sadd.s32 s13, s0;
	s7 =	spop (v2sf)  }
0x28: {  	[tilespmem:s16], [sflag:$0x1] =	stream.strided.gather [hbm4b:s0+s11], $0x0, s12, s11, $0x38;
	[tilespmem:$0x10600] =	vst v63  }
0x29: {  	s17 =	spop (v2sf)  }
0x2a: {  	[tilespmem:s16], [sflag:$0x1] =	stream.linear.gather [hbm4b:s0+s1], $0x20, $0x38;
	[tilespmem:$0x10600] =	vst v63  }
0x2b: {  	(v2sf) =	vpush v1, $0x1;
	s0 =	sand.u32 $0x1FFFFFF0, s17  }
0x2c: {  	s18 =	simm.s32 $0x8400;
	s0 =	sadd.s32 s3, s0  }
0x2d: {  	[tilespmem:s18], [sflag:$0x1] =	stream.strided.gather [hbm4b:s0+s11], $0x0, s12, s11, $0x38;
	[tilespmem:$0x10600] =	vst v63  }
0x2e: {  	_ = 	snop  }
0x2f: {  	(v2sf) =	vpush v0, $0x1;
	[tilespmem:s18], [sflag:$0x1] =	stream.linear.gather [hbm4b:s0+s1], $0x20, $0x38;
	[tilespmem:$0x10600] =	vst v63  }
0x30: {  	s19 =	spop (v2sf)  }
0x31: {  	s0 =	sand.u32 $0x1FFFFFF0, s19  }
0x32: {  	s20 =	simm.s32 $0xC400;
	s0 =	sadd.s32 s14, s0  }
0x33: {  	[tilespmem:s20], [sflag:$0x1] =	stream.strided.gather [hbm4b:s0+s11], $0x0, s12, s11, $0x38;
	[tilespmem:$0x10600] =	vst v63  }
0x34: {  	s2 =	sand.u32 $0x1FFFFFF0, s15  }
0x35: {  	[tilespmem:s20], [sflag:$0x1] =	stream.linear.gather [hbm4b:s0+s1], $0x20, $0x38;
	[tilespmem:$0x10600] =	vst v63  }
0x36: {  	s21 =	simm.s32 $0x420;
	s22 =	sadd.s32 s3, s2  }
0x37: {  	[tilespmem:s21], [sflag:$0x1] =	stream.strided.gather [hbm4b:s22+s11], $0x0, s12, s11, $0x38;
	[tilespmem:$0x10600] =	vst v63  }
0x38: {  	_ = 	snop  }
0x39: {  	[tilespmem:s21], [sflag:$0x1] =	stream.linear.gather [hbm4b:s22+s1], $0x20, $0x38;
	[tilespmem:$0x10600] =	vst v63  }
0x3a: {  	s24 =	simm.s32 $0x4420;
	s2 =	sadd.s32 s13, s2;
	s23 =	spop (v2sf)  }
0x3b: {  	(v2sf) =	vpush v1, $0x2;
	[tilespmem:s24], [sflag:$0x1] =	stream.strided.gather [hbm4b:s2+s11], $0x0, s12, s11, $0x38;
	[tilespmem:$0x10600] =	vst v63  }
0x3c: {  	s0 =	sand.u32 $0x1FFFFFF0, s23  }
0x3d: {  	[tilespmem:s24], [sflag:$0x1] =	stream.linear.gather [hbm4b:s2+s1], $0x20, $0x38;
	[tilespmem:$0x10600] =	vst v63  }
0x3e: {  	s26 =	simm.s32 $0x8420;
	s25 =	spop (v2sf);
	s0 =	sadd.s32 s3, s0  }
0x3f: {  	(v2sf) =	vpush v0, $0x2;
	[tilespmem:s26], [sflag:$0x1] =	stream.strided.gather [hbm4b:s0+s11], $0x0, s12, s11, $0x38;
	[tilespmem:$0x10600] =	vst v63  }
0x40: {  	s2 =	sand.u32 $0x1FFFFFF0, s25  }
0x41: {  	[tilespmem:s26], [sflag:$0x1] =	stream.linear.gather [hbm4b:s0+s1], $0x20, $0x38;
	[tilespmem:$0x10600] =	vst v63  }
0x42: {  	s28 =	simm.s32 $0xC420;
	s2 =	sadd.s32 s14, s2  }
0x43: {  	(v2sf) =	vpush v2, $0x3;
	[tilespmem:s28], [sflag:$0x1] =	stream.strided.gather [hbm4b:s2+s11], $0x0, s12, s11, $0x38;
	[tilespmem:$0x10600] =	vst v63  }
0x44: {  	s29 =	sand.u32 $0x1FFFFFF0, s7  }
0x45: {  	[tilespmem:s28], [sflag:$0x1] =	stream.linear.gather [hbm4b:s2+s1], $0x20, $0x38;
	[tilespmem:$0x10600] =	vst v63  }
0x46: {  	s30 =	simm.s32 $0x440;
	s31 =	sadd.s32 s3, s29  }
0x47: {  	[tilespmem:s30], [sflag:$0x1] =	stream.strided.gather [hbm4b:s31+s11], $0x0, s12, s11, $0x38;
	[tilespmem:$0x10600] =	vst v63  }
0x48: {  	_ = 	snop  }
0x49: {  	[tilespmem:s30], [sflag:$0x1] =	stream.linear.gather [hbm4b:s31+s1], $0x20, $0x38;
	[tilespmem:$0x10600] =	vst v63  }
0x4a: {  	s7 =	simm.s32 $0x4440;
	s6 =	sadd.s32 s13, s29;
	s5 =	spop (v2sf)  }
0x4b: {  	(v2sf) =	vpush v1, $0x3;
	[tilespmem:s7], [sflag:$0x1] =	stream.strided.gather [hbm4b:s6+s11], $0x0, s12, s11, $0x38;
	[tilespmem:$0x10600] =	vst v63  }
0x4c: {  	s0 =	sand.u32 $0x1FFFFFF0, s5  }
0x4d: {  	[tilespmem:s7], [sflag:$0x1] =	stream.linear.gather [hbm4b:s6+s1], $0x20, $0x38;
	[tilespmem:$0x10600] =	vst v63  }
0x4e: {  	s9 =	simm.s32 $0x8440;
	s8 =	spop (v2sf);
	s0 =	sadd.s32 s3, s0  }
0x4f: {  	(v2sf) =	vpush v0, $0x3;
	[tilespmem:s9], [sflag:$0x1] =	stream.strided.gather [hbm4b:s0+s11], $0x0, s12, s11, $0x38;
	[tilespmem:$0x10600] =	vst v63  }
0x50: {  	s2 =	sand.u32 $0x1FFFFFF0, s8  }
0x51: {  	[tilespmem:s9], [sflag:$0x1] =	stream.linear.gather [hbm4b:s0+s1], $0x20, $0x38;
	[tilespmem:$0x10600] =	vst v63  }
0x52: {  	s15 =	simm.s32 $0xC440;
	s10 =	spop (v2sf);
	s2 =	sadd.s32 s14, s2  }
0x53: {  	(v2sf) =	vpush v2, $0x4;
	[tilespmem:s15], [sflag:$0x1] =	stream.strided.gather [hbm4b:s2+s11], $0x0, s12, s11, $0x38;
	[tilespmem:$0x10600] =	vst v63  }
0x54: {  	s0 =	sand.u32 $0x1FFFFFF0, s10  }
0x55: {  	[tilespmem:s15], [sflag:$0x1] =	stream.linear.gather [hbm4b:s2+s1], $0x20, $0x38;
	[tilespmem:$0x10600] =	vst v63  }
0x56: {  	s16 =	simm.s32 $0x460;
	s17 =	sadd.s32 s3, s0  }
0x57: {  	[tilespmem:s16], [sflag:$0x1] =	stream.strided.gather [hbm4b:s17+s11], $0x0, s12, s11, $0x38;
	[tilespmem:$0x10600] =	vst v63  }
0x58: {  	_ = 	snop  }
0x59: {  	[tilespmem:s16], [sflag:$0x1] =	stream.linear.gather [hbm4b:s17+s1], $0x20, $0x38;
	[tilespmem:$0x10600] =	vst v63  }
0x5a: {  	s19 =	simm.s32 $0x4460;
	s18 =	spop (v2sf);
	s0 =	sadd.s32 s13, s0  }
0x5b: {  	(v2sf) =	vpush v1, $0x4;
	[tilespmem:s19], [sflag:$0x1] =	stream.strided.gather [hbm4b:s0+s11], $0x0, s12, s11, $0x38;
	[tilespmem:$0x10600] =	vst v63  }
0x5c: {  	s2 =	sand.u32 $0x1FFFFFF0, s18  }
0x5d: {  	[tilespmem:s19], [sflag:$0x1] =	stream.linear.gather [hbm4b:s0+s1], $0x20, $0x38;
	[tilespmem:$0x10600] =	vst v63  }
0x5e: {  	s21 =	simm.s32 $0x8460;
	s20 =	spop (v2sf);
	s2 =	sadd.s32 s3, s2  }
0x5f: {  	(v2sf) =	vpush v0, $0x4;
	[tilespmem:s21], [sflag:$0x1] =	stream.strided.gather [hbm4b:s2+s11], $0x0, s12, s11, $0x38;
	[tilespmem:$0x10600] =	vst v63  }
0x60: {  	s0 =	sand.u32 $0x1FFFFFF0, s20  }
0x61: {  	[tilespmem:s21], [sflag:$0x1] =	stream.linear.gather [hbm4b:s2+s1], $0x20, $0x38;
	[tilespmem:$0x10600] =	vst v63  }
0x62: {  	s23 =	simm.s32 $0xC460;
	s22 =	spop (v2sf);
	s0 =	sadd.s32 s14, s0  }
0x63: {  	(v2sf) =	vpush v2, $0x5;
	[tilespmem:s23], [sflag:$0x1] =	stream.strided.gather [hbm4b:s0+s11], $0x0, s12, s11, $0x38;
	[tilespmem:$0x10600] =	vst v63  }
0x64: {  	s2 =	sand.u32 $0x1FFFFFF0, s22  }
0x65: {  	[tilespmem:s23], [sflag:$0x1] =	stream.linear.gather [hbm4b:s0+s1], $0x20, $0x38;
	[tilespmem:$0x10600] =	vst v63  }
0x66: {  	s24 =	simm.s32 $0x480;
	s25 =	sadd.s32 s3, s2  }
0x67: {  	[tilespmem:s24], [sflag:$0x1] =	stream.strided.gather [hbm4b:s25+s11], $0x0, s12, s11, $0x38;
	[tilespmem:$0x10600] =	vst v63  }
0x68: {  	_ = 	snop  }
0x69: {  	[tilespmem:s24], [sflag:$0x1] =	stream.linear.gather [hbm4b:s25+s1], $0x20, $0x38;
	[tilespmem:$0x10600] =	vst v63  }
0x6a: {  	s28 =	simm.s32 $0x4480;
	s26 =	spop (v2sf);
	s2 =	sadd.s32 s13, s2  }
0x6b: {  	(v2sf) =	vpush v1, $0x5;
	[tilespmem:s28], [sflag:$0x1] =	stream.strided.gather [hbm4b:s2+s11], $0x0, s12, s11, $0x38;
	[tilespmem:$0x10600] =	vst v63  }
0x6c: {  	s0 =	sand.u32 $0x1FFFFFF0, s26  }
0x6d: {  	[tilespmem:s28], [sflag:$0x1] =	stream.linear.gather [hbm4b:s2+s1], $0x20, $0x38;
	[tilespmem:$0x10600] =	vst v63  }
0x6e: {  	s30 =	simm.s32 $0x8480;
	s29 =	spop (v2sf);
	s0 =	sadd.s32 s3, s0  }
0x6f: {  	(v2sf) =	vpush v0, $0x5;
	[tilespmem:s30], [sflag:$0x1] =	stream.strided.gather [hbm4b:s0+s11], $0x0, s12, s11, $0x38;
	[tilespmem:$0x10600] =	vst v63  }
0x70: {  	s2 =	sand.u32 $0x1FFFFFF0, s29  }
0x71: {  	[tilespmem:s30], [sflag:$0x1] =	stream.linear.gather [hbm4b:s0+s1], $0x20, $0x38;
	[tilespmem:$0x10600] =	vst v63  }
0x72: {  	s5 =	simm.s32 $0xC480;
	s31 =	spop (v2sf);
	s2 =	sadd.s32 s14, s2  }
0x73: {  	(v2sf) =	vpush v2, $0x6;
	[tilespmem:s5], [sflag:$0x1] =	stream.strided.gather [hbm4b:s2+s11], $0x0, s12, s11, $0x38;
	[tilespmem:$0x10600] =	vst v63  }
0x74: {  	s0 =	sand.u32 $0x1FFFFFF0, s31  }
0x75: {  	[tilespmem:s5], [sflag:$0x1] =	stream.linear.gather [hbm4b:s2+s1], $0x20, $0x38;
	[tilespmem:$0x10600] =	vst v63  }
0x76: {  	s6 =	simm.s32 $0x4A0;
	s7 =	sadd.s32 s3, s0  }
0x77: {  	[tilespmem:s6], [sflag:$0x1] =	stream.strided.gather [hbm4b:s7+s11], $0x0, s12, s11, $0x38;
	[tilespmem:$0x10600] =	vst v63  }
0x78: {  	_ = 	snop  }
0x79: {  	[tilespmem:s6], [sflag:$0x1] =	stream.linear.gather [hbm4b:s7+s1], $0x20, $0x38;
	[tilespmem:$0x10600] =	vst v63  }
0x7a: {  	s9 =	simm.s32 $0x44A0;
	s8 =	spop (v2sf);
	s0 =	sadd.s32 s13, s0  }
0x7b: {  	(v2sf) =	vpush v1, $0x6;
	[tilespmem:s9], [sflag:$0x1] =	stream.strided.gather [hbm4b:s0+s11], $0x0, s12, s11, $0x38;
	[tilespmem:$0x10600] =	vst v63  }
0x7c: {  	s2 =	sand.u32 $0x1FFFFFF0, s8  }
0x7d: {  	[tilespmem:s9], [sflag:$0x1] =	stream.linear.gather [hbm4b:s0+s1], $0x20, $0x38;
	[tilespmem:$0x10600] =	vst v63  }
0x7e: {  	s15 =	simm.s32 $0x84A0;
	s10 =	spop (v2sf);
	s2 =	sadd.s32 s3, s2  }
0x7f: {  	(v2sf) =	vpush v0, $0x6;
	[tilespmem:s15], [sflag:$0x1] =	stream.strided.gather [hbm4b:s2+s11], $0x0, s12, s11, $0x38;
	[tilespmem:$0x10600] =	vst v63  }
0x80: {  	s0 =	sand.u32 $0x1FFFFFF0, s10  }
0x81: {  	[tilespmem:s15], [sflag:$0x1] =	stream.linear.gather [hbm4b:s2+s1], $0x20, $0x38;
	[tilespmem:$0x10600] =	vst v63  }
0x82: {  	s17 =	simm.s32 $0xC4A0;
	s16 =	spop (v2sf);
	s0 =	sadd.s32 s14, s0  }
0x83: {  	(v2sf) =	vpush v2, $0x7;
	[tilespmem:s17], [sflag:$0x1] =	stream.strided.gather [hbm4b:s0+s11], $0x0, s12, s11, $0x38;
	[tilespmem:$0x10600] =	vst v63  }
0x84: {  	s2 =	sand.u32 $0x1FFFFFF0, s16  }
0x85: {  	[tilespmem:s17], [sflag:$0x1] =	stream.linear.gather [hbm4b:s0+s1], $0x20, $0x38;
	[tilespmem:$0x10600] =	vst v63  }
0x86: {  	s18 =	simm.s32 $0x4C0;
	s19 =	sadd.s32 s3, s2  }
0x87: {  	[tilespmem:s18], [sflag:$0x1] =	stream.strided.gather [hbm4b:s19+s11], $0x0, s12, s11, $0x38;
	[tilespmem:$0x10600] =	vst v63  }
0x88: {  	_ = 	snop  }
0x89: {  	[tilespmem:s18], [sflag:$0x1] =	stream.linear.gather [hbm4b:s19+s1], $0x20, $0x38;
	[tilespmem:$0x10600] =	vst v63  }
0x8a: {  	s21 =	simm.s32 $0x44C0;
	s20 =	spop (v2sf);
	s2 =	sadd.s32 s13, s2  }
0x8b: {  	(v2sf) =	vpush v1, $0x7;
	[tilespmem:s21], [sflag:$0x1] =	stream.strided.gather [hbm4b:s2+s11], $0x0, s12, s11, $0x38;
	[tilespmem:$0x10600] =	vst v63  }
0x8c: {  	s0 =	sand.u32 $0x1FFFFFF0, s20  }
0x8d: {  	[tilespmem:s21], [sflag:$0x1] =	stream.linear.gather [hbm4b:s2+s1], $0x20, $0x38;
	[tilespmem:$0x10600] =	vst v63  }
0x8e: {  	s23 =	simm.s32 $0x84C0;
	s22 =	spop (v2sf);
	s0 =	sadd.s32 s3, s0  }
0x8f: {  	(v2sf) =	vpush v0, $0x7;
	[tilespmem:s23], [sflag:$0x1] =	stream.strided.gather [hbm4b:s0+s11], $0x0, s12, s11, $0x38;
	[tilespmem:$0x10600] =	vst v63  }
0x90: {  	s2 =	sand.u32 $0x1FFFFFF0, s22  }
0x91: {  	[tilespmem:s23], [sflag:$0x1] =	stream.linear.gather [hbm4b:s0+s1], $0x20, $0x38;
	[tilespmem:$0x10600] =	vst v63  }
0x92: {  	s25 =	simm.s32 $0xC4C0;
	s24 =	spop (v2sf);
	s2 =	sadd.s32 s14, s2  }
0x93: {  	(v2sf) =	vpush v2, $0x8;
	[tilespmem:s25], [sflag:$0x1] =	stream.strided.gather [hbm4b:s2+s11], $0x0, s12, s11, $0x38;
	[tilespmem:$0x10600] =	vst v63  }
0x94: {  	s0 =	sand.u32 $0x1FFFFFF0, s24  }
0x95: {  	[tilespmem:s25], [sflag:$0x1] =	stream.linear.gather [hbm4b:s2+s1], $0x20, $0x38;
	[tilespmem:$0x10600] =	vst v63  }
0x96: {  	s26 =	simm.s32 $0x4E0;
	s28 =	sadd.s32 s3, s0  }
0x97: {  	[tilespmem:s26], [sflag:$0x1] =	stream.strided.gather [hbm4b:s28+s11], $0x0, s12, s11, $0x38;
	[tilespmem:$0x10600] =	vst v63  }
0x98: {  	_ = 	snop  }
0x99: {  	[tilespmem:s26], [sflag:$0x1] =	stream.linear.gather [hbm4b:s28+s1], $0x20, $0x38;
	[tilespmem:$0x10600] =	vst v63  }
0x9a: {  	s30 =	simm.s32 $0x44E0;
	s29 =	spop (v2sf);
	s0 =	sadd.s32 s13, s0  }
0x9b: {  	(v2sf) =	vpush v1, $0x8;
	[tilespmem:s30], [sflag:$0x1] =	stream.strided.gather [hbm4b:s0+s11], $0x0, s12, s11, $0x38;
	[tilespmem:$0x10600] =	vst v63  }
0x9c: {  	s2 =	sand.u32 $0x1FFFFFF0, s29  }
0x9d: {  	[tilespmem:s30], [sflag:$0x1] =	stream.linear.gather [hbm4b:s0+s1], $0x20, $0x38;
	[tilespmem:$0x10600] =	vst v63  }
0x9e: {  	s5 =	simm.s32 $0x84E0;
	s31 =	spop (v2sf);
	s2 =	sadd.s32 s3, s2  }
0x9f: {  	(v2sf) =	vpush v0, $0x8;
	[tilespmem:s5], [sflag:$0x1] =	stream.strided.gather [hbm4b:s2+s11], $0x0, s12, s11, $0x38;
	[tilespmem:$0x10600] =	vst v63  }
0xa0: {  	s0 =	sand.u32 $0x1FFFFFF0, s31  }
0xa1: {  	[tilespmem:s5], [sflag:$0x1] =	stream.linear.gather [hbm4b:s2+s1], $0x20, $0x38;
	[tilespmem:$0x10600] =	vst v63  }
0xa2: {  	s7 =	simm.s32 $0xC4E0;
	s6 =	spop (v2sf);
	s0 =	sadd.s32 s14, s0  }
0xa3: {  	(v2sf) =	vpush v2, $0x9;
	[tilespmem:s7], [sflag:$0x1] =	stream.strided.gather [hbm4b:s0+s11], $0x0, s12, s11, $0x38;
	[tilespmem:$0x10600] =	vst v63  }
0xa4: {  	s2 =	sand.u32 $0x1FFFFFF0, s6  }
0xa5: {  	[tilespmem:s7], [sflag:$0x1] =	stream.linear.gather [hbm4b:s0+s1], $0x20, $0x38;
	[tilespmem:$0x10600] =	vst v63  }
0xa6: {  	s8 =	simm.s32 $0x500;
	s9 =	sadd.s32 s3, s2  }
0xa7: {  	[tilespmem:s8], [sflag:$0x1] =	stream.strided.gather [hbm4b:s9+s11], $0x0, s12, s11, $0x38;
	[tilespmem:$0x10600] =	vst v63  }
0xa8: {  	_ = 	snop  }
0xa9: {  	[tilespmem:s8], [sflag:$0x1] =	stream.linear.gather [hbm4b:s9+s1], $0x20, $0x38;
	[tilespmem:$0x10600] =	vst v63  }
0xaa: {  	s15 =	simm.s32 $0x4500;
	s10 =	spop (v2sf);
	s2 =	sadd.s32 s13, s2  }
0xab: {  	(v2sf) =	vpush v1, $0x9;
	[tilespmem:s15], [sflag:$0x1] =	stream.strided.gather [hbm4b:s2+s11], $0x0, s12, s11, $0x38;
	[tilespmem:$0x10600] =	vst v63  }
0xac: {  	s0 =	sand.u32 $0x1FFFFFF0, s10  }
0xad: {  	[tilespmem:s15], [sflag:$0x1] =	stream.linear.gather [hbm4b:s2+s1], $0x20, $0x38;
	[tilespmem:$0x10600] =	vst v63  }
0xae: {  	s17 =	simm.s32 $0x8500;
	s16 =	spop (v2sf);
	s0 =	sadd.s32 s3, s0  }
0xaf: {  	(v2sf) =	vpush v0, $0x9;
	[tilespmem:s17], [sflag:$0x1] =	stream.strided.gather [hbm4b:s0+s11], $0x0, s12, s11, $0x38;
	[tilespmem:$0x10600] =	vst v63  }
0xb0: {  	s2 =	sand.u32 $0x1FFFFFF0, s16  }
0xb1: {  	[tilespmem:s17], [sflag:$0x1] =	stream.linear.gather [hbm4b:s0+s1], $0x20, $0x38;
	[tilespmem:$0x10600] =	vst v63  }
0xb2: {  	s19 =	simm.s32 $0xC500;
	s18 =	spop (v2sf);
	s2 =	sadd.s32 s14, s2  }
0xb3: {  	(v2sf) =	vpush v2, $0xA;
	[tilespmem:s19], [sflag:$0x1] =	stream.strided.gather [hbm4b:s2+s11], $0x0, s12, s11, $0x38;
	[tilespmem:$0x10600] =	vst v63  }
0xb4: {  	s0 =	sand.u32 $0x1FFFFFF0, s18  }
0xb5: {  	[tilespmem:s19], [sflag:$0x1] =	stream.linear.gather [hbm4b:s2+s1], $0x20, $0x38;
	[tilespmem:$0x10600] =	vst v63  }
0xb6: {  	s20 =	simm.s32 $0x520;
	s21 =	sadd.s32 s3, s0  }
0xb7: {  	[tilespmem:s20], [sflag:$0x1] =	stream.strided.gather [hbm4b:s21+s11], $0x0, s12, s11, $0x38;
	[tilespmem:$0x10600] =	vst v63  }
0xb8: {  	_ = 	snop  }
0xb9: {  	[tilespmem:s20], [sflag:$0x1] =	stream.linear.gather [hbm4b:s21+s1], $0x20, $0x38;
	[tilespmem:$0x10600] =	vst v63  }
0xba: {  	s23 =	simm.s32 $0x4520;
	s22 =	spop (v2sf);
	s0 =	sadd.s32 s13, s0  }
0xbb: {  	(v2sf) =	vpush v1, $0xA;
	[tilespmem:s23], [sflag:$0x1] =	stream.strided.gather [hbm4b:s0+s11], $0x0, s12, s11, $0x38;
	[tilespmem:$0x10600] =	vst v63  }
0xbc: {  	s2 =	sand.u32 $0x1FFFFFF0, s22  }
0xbd: {  	[tilespmem:s23], [sflag:$0x1] =	stream.linear.gather [hbm4b:s0+s1], $0x20, $0x38;
	[tilespmem:$0x10600] =	vst v63  }
0xbe: {  	s25 =	simm.s32 $0x8520;
	s24 =	spop (v2sf);
	s2 =	sadd.s32 s3, s2  }
0xbf: {  	(v2sf) =	vpush v0, $0xA;
	[tilespmem:s25], [sflag:$0x1] =	stream.strided.gather [hbm4b:s2+s11], $0x0, s12, s11, $0x38;
	[tilespmem:$0x10600] =	vst v63  }
0xc0: {  	s0 =	sand.u32 $0x1FFFFFF0, s24  }
0xc1: {  	[tilespmem:s25], [sflag:$0x1] =	stream.linear.gather [hbm4b:s2+s1], $0x20, $0x38;
	[tilespmem:$0x10600] =	vst v63  }
0xc2: {  	s28 =	simm.s32 $0xC520;
	s26 =	spop (v2sf);
	s0 =	sadd.s32 s14, s0  }
0xc3: {  	(v2sf) =	vpush v2, $0xB;
	[tilespmem:s28], [sflag:$0x1] =	stream.strided.gather [hbm4b:s0+s11], $0x0, s12, s11, $0x38;
	[tilespmem:$0x10600] =	vst v63  }
0xc4: {  	s2 =	sand.u32 $0x1FFFFFF0, s26  }
0xc5: {  	[tilespmem:s28], [sflag:$0x1] =	stream.linear.gather [hbm4b:s0+s1], $0x20, $0x38;
	[tilespmem:$0x10600] =	vst v63  }
0xc6: {  	s29 =	simm.s32 $0x540;
	s30 =	sadd.s32 s3, s2  }
0xc7: {  	[tilespmem:s29], [sflag:$0x1] =	stream.strided.gather [hbm4b:s30+s11], $0x0, s12, s11, $0x38;
	[tilespmem:$0x10600] =	vst v63  }
0xc8: {  	_ = 	snop  }
0xc9: {  	[tilespmem:s29], [sflag:$0x1] =	stream.linear.gather [hbm4b:s30+s1], $0x20, $0x38;
	[tilespmem:$0x10600] =	vst v63  }
0xca: {  	s5 =	simm.s32 $0x4540;
	s31 =	spop (v2sf);
	s2 =	sadd.s32 s13, s2  }
0xcb: {  	(v2sf) =	vpush v1, $0xB;
	[tilespmem:s5], [sflag:$0x1] =	stream.strided.gather [hbm4b:s2+s11], $0x0, s12, s11, $0x38;
	[tilespmem:$0x10600] =	vst v63  }
0xcc: {  	s0 =	sand.u32 $0x1FFFFFF0, s31  }
0xcd: {  	[tilespmem:s5], [sflag:$0x1] =	stream.linear.gather [hbm4b:s2+s1], $0x20, $0x38;
	[tilespmem:$0x10600] =	vst v63  }
0xce: {  	s7 =	simm.s32 $0x8540;
	s6 =	spop (v2sf);
	s0 =	sadd.s32 s3, s0  }
0xcf: {  	(v2sf) =	vpush v0, $0xB;
	[tilespmem:s7], [sflag:$0x1] =	stream.strided.gather [hbm4b:s0+s11], $0x0, s12, s11, $0x38;
	[tilespmem:$0x10600] =	vst v63  }
0xd0: {  	s2 =	sand.u32 $0x1FFFFFF0, s6  }
0xd1: {  	[tilespmem:s7], [sflag:$0x1] =	stream.linear.gather [hbm4b:s0+s1], $0x20, $0x38;
	[tilespmem:$0x10600] =	vst v63  }
0xd2: {  	s9 =	simm.s32 $0xC540;
	s8 =	spop (v2sf);
	s2 =	sadd.s32 s14, s2  }
0xd3: {  	(v2sf) =	vpush v2, $0xC;
	[tilespmem:s9], [sflag:$0x1] =	stream.strided.gather [hbm4b:s2+s11], $0x0, s12, s11, $0x38;
	[tilespmem:$0x10600] =	vst v63  }
0xd4: {  	s0 =	sand.u32 $0x1FFFFFF0, s8  }
0xd5: {  	[tilespmem:s9], [sflag:$0x1] =	stream.linear.gather [hbm4b:s2+s1], $0x20, $0x38;
	[tilespmem:$0x10600] =	vst v63  }
0xd6: {  	s10 =	simm.s32 $0x560;
	s15 =	sadd.s32 s3, s0  }
0xd7: {  	[tilespmem:s10], [sflag:$0x1] =	stream.strided.gather [hbm4b:s15+s11], $0x0, s12, s11, $0x38;
	[tilespmem:$0x10600] =	vst v63  }
0xd8: {  	_ = 	snop  }
0xd9: {  	[tilespmem:s10], [sflag:$0x1] =	stream.linear.gather [hbm4b:s15+s1], $0x20, $0x38;
	[tilespmem:$0x10600] =	vst v63  }
0xda: {  	s17 =	simm.s32 $0x4560;
	s16 =	spop (v2sf);
	s0 =	sadd.s32 s13, s0  }
0xdb: {  	(v2sf) =	vpush v1, $0xC;
	[tilespmem:s17], [sflag:$0x1] =	stream.strided.gather [hbm4b:s0+s11], $0x0, s12, s11, $0x38;
	[tilespmem:$0x10600] =	vst v63  }
0xdc: {  	s2 =	sand.u32 $0x1FFFFFF0, s16  }
0xdd: {  	[tilespmem:s17], [sflag:$0x1] =	stream.linear.gather [hbm4b:s0+s1], $0x20, $0x38;
	[tilespmem:$0x10600] =	vst v63  }
0xde: {  	s19 =	simm.s32 $0x8560;
	s18 =	spop (v2sf);
	s2 =	sadd.s32 s3, s2  }
0xdf: {  	(v2sf) =	vpush v0, $0xC;
	[tilespmem:s19], [sflag:$0x1] =	stream.strided.gather [hbm4b:s2+s11], $0x0, s12, s11, $0x38;
	[tilespmem:$0x10600] =	vst v63  }
0xe0: {  	s0 =	sand.u32 $0x1FFFFFF0, s18  }
0xe1: {  	[tilespmem:s19], [sflag:$0x1] =	stream.linear.gather [hbm4b:s2+s1], $0x20, $0x38;
	[tilespmem:$0x10600] =	vst v63  }
0xe2: {  	s21 =	simm.s32 $0xC560;
	s20 =	spop (v2sf);
	s0 =	sadd.s32 s14, s0  }
0xe3: {  	(v2sf) =	vpush v2, $0xD;
	[tilespmem:s21], [sflag:$0x1] =	stream.strided.gather [hbm4b:s0+s11], $0x0, s12, s11, $0x38;
	[tilespmem:$0x10600] =	vst v63  }
0xe4: {  	s2 =	sand.u32 $0x1FFFFFF0, s20  }
0xe5: {  	[tilespmem:s21], [sflag:$0x1] =	stream.linear.gather [hbm4b:s0+s1], $0x20, $0x38;
	[tilespmem:$0x10600] =	vst v63  }
0xe6: {  	s22 =	simm.s32 $0x580;
	s23 =	sadd.s32 s3, s2  }
0xe7: {  	[tilespmem:s22], [sflag:$0x1] =	stream.strided.gather [hbm4b:s23+s11], $0x0, s12, s11, $0x38;
	[tilespmem:$0x10600] =	vst v63  }
0xe8: {  	_ = 	snop  }
0xe9: {  	[tilespmem:s22], [sflag:$0x1] =	stream.linear.gather [hbm4b:s23+s1], $0x20, $0x38;
	[tilespmem:$0x10600] =	vst v63  }
0xea: {  	s25 =	simm.s32 $0x4580;
	s24 =	spop (v2sf);
	s2 =	sadd.s32 s13, s2  }
0xeb: {  	(v2sf) =	vpush v1, $0xD;
	[tilespmem:s25], [sflag:$0x1] =	stream.strided.gather [hbm4b:s2+s11], $0x0, s12, s11, $0x38;
	[tilespmem:$0x10600] =	vst v63  }
0xec: {  	s0 =	sand.u32 $0x1FFFFFF0, s24  }
0xed: {  	[tilespmem:s25], [sflag:$0x1] =	stream.linear.gather [hbm4b:s2+s1], $0x20, $0x38;
	[tilespmem:$0x10600] =	vst v63  }
0xee: {  	s28 =	simm.s32 $0x8580;
	s26 =	spop (v2sf);
	s0 =	sadd.s32 s3, s0  }
0xef: {  	(v2sf) =	vpush v0, $0xD;
	[tilespmem:s28], [sflag:$0x1] =	stream.strided.gather [hbm4b:s0+s11], $0x0, s12, s11, $0x38;
	[tilespmem:$0x10600] =	vst v63  }
0xf0: {  	s2 =	sand.u32 $0x1FFFFFF0, s26  }
0xf1: {  	[tilespmem:s28], [sflag:$0x1] =	stream.linear.gather [hbm4b:s0+s1], $0x20, $0x38;
	[tilespmem:$0x10600] =	vst v63  }
0xf2: {  	s30 =	simm.s32 $0xC580;
	s29 =	spop (v2sf);
	s2 =	sadd.s32 s14, s2  }
0xf3: {  	(v2sf) =	vpush v2, $0xE;
	[tilespmem:s30], [sflag:$0x1] =	stream.strided.gather [hbm4b:s2+s11], $0x0, s12, s11, $0x38;
	[tilespmem:$0x10600] =	vst v63  }
0xf4: {  	s0 =	sand.u32 $0x1FFFFFF0, s29  }
0xf5: {  	[tilespmem:s30], [sflag:$0x1] =	stream.linear.gather [hbm4b:s2+s1], $0x20, $0x38;
	[tilespmem:$0x10600] =	vst v63  }
0xf6: {  	s31 =	simm.s32 $0x5A0;
	s5 =	sadd.s32 s3, s0  }
0xf7: {  	[tilespmem:s31], [sflag:$0x1] =	stream.strided.gather [hbm4b:s5+s11], $0x0, s12, s11, $0x38;
	[tilespmem:$0x10600] =	vst v63  }
0xf8: {  	_ = 	snop  }
0xf9: {  	[tilespmem:s31], [sflag:$0x1] =	stream.linear.gather [hbm4b:s5+s1], $0x20, $0x38;
	[tilespmem:$0x10600] =	vst v63  }
0xfa: {  	s7 =	simm.s32 $0x45A0;
	s6 =	spop (v2sf);
	s0 =	sadd.s32 s13, s0  }
0xfb: {  	(v2sf) =	vpush v1, $0xE;
	[tilespmem:s7], [sflag:$0x1] =	stream.strided.gather [hbm4b:s0+s11], $0x0, s12, s11, $0x38;
	[tilespmem:$0x10600] =	vst v63  }
0xfc: {  	s2 =	sand.u32 $0x1FFFFFF0, s6  }
0xfd: {  	[tilespmem:s7], [sflag:$0x1] =	stream.linear.gather [hbm4b:s0+s1], $0x20, $0x38;
	[tilespmem:$0x10600] =	vst v63  }
0xfe: {  	s9 =	simm.s32 $0x85A0;
	s8 =	spop (v2sf);
	s2 =	sadd.s32 s3, s2  }
0xff: {  	(v2sf) =	vpush v0, $0xE;
	[tilespmem:s9], [sflag:$0x1] =	stream.strided.gather [hbm4b:s2+s11], $0x0, s12, s11, $0x38;
	[tilespmem:$0x10600] =	vst v63  }
0x100: {  	s0 =	sand.u32 $0x1FFFFFF0, s8  }
0x101: {  	[tilespmem:s9], [sflag:$0x1] =	stream.linear.gather [hbm4b:s2+s1], $0x20, $0x38;
	[tilespmem:$0x10600] =	vst v63  }
0x102: {  	s15 =	simm.s32 $0xC5A0;
	s10 =	spop (v2sf);
	s0 =	sadd.s32 s14, s0  }
0x103: {  	(v2sf) =	vpush v2, $0xF;
	[tilespmem:s15], [sflag:$0x1] =	stream.strided.gather [hbm4b:s0+s11], $0x0, s12, s11, $0x38;
	[tilespmem:$0x10600] =	vst v63  }
0x104: {  	s2 =	sand.u32 $0x1FFFFFF0, s10  }
0x105: {  	[tilespmem:s15], [sflag:$0x1] =	stream.linear.gather [hbm4b:s0+s1], $0x20, $0x38;
	[tilespmem:$0x10600] =	vst v63  }
0x106: {  	s16 =	simm.s32 $0x5C0;
	s17 =	sadd.s32 s3, s2  }
0x107: {  	[tilespmem:s16], [sflag:$0x1] =	stream.strided.gather [hbm4b:s17+s11], $0x0, s12, s11, $0x38;
	[tilespmem:$0x10600] =	vst v63  }
0x108: {  	_ = 	snop  }
0x109: {  	[tilespmem:s16], [sflag:$0x1] =	stream.linear.gather [hbm4b:s17+s1], $0x20, $0x38;
	[tilespmem:$0x10600] =	vst v63  }
0x10a: {  	s19 =	simm.s32 $0x45C0;
	s18 =	spop (v2sf);
	s2 =	sadd.s32 s13, s2  }
0x10b: {  	(v2sf) =	vpush v1, $0xF;
	[tilespmem:s19], [sflag:$0x1] =	stream.strided.gather [hbm4b:s2+s11], $0x0, s12, s11, $0x38;
	[tilespmem:$0x10600] =	vst v63  }
0x10c: {  	s0 =	sand.u32 $0x1FFFFFF0, s18  }
0x10d: {  	[tilespmem:s19], [sflag:$0x1] =	stream.linear.gather [hbm4b:s2+s1], $0x20, $0x38;
	[tilespmem:$0x10600] =	vst v63  }
0x10e: {  	s21 =	simm.s32 $0x85C0;
	s20 =	spop (v2sf);
	s0 =	sadd.s32 s3, s0  }
0x10f: {  	(v2sf) =	vpush v0, $0xF;
	[tilespmem:s21], [sflag:$0x1] =	stream.strided.gather [hbm4b:s0+s11], $0x0, s12, s11, $0x38;
	[tilespmem:$0x10600] =	vst v63  }
0x110: {  	s2 =	sand.u32 $0x1FFFFFF0, s20  }
0x111: {  	[tilespmem:s21], [sflag:$0x1] =	stream.linear.gather [hbm4b:s0+s1], $0x20, $0x38;
	[tilespmem:$0x10600] =	vst v63  }
0x112: {  	s23 =	simm.s32 $0xC5C0;
	s22 =	spop (v2sf);
	s2 =	sadd.s32 s14, s2  }
0x113: {  	[tilespmem:s23], [sflag:$0x1] =	stream.strided.gather [hbm4b:s2+s11], $0x0, s12, s11, $0x38;
	[tilespmem:$0x10600] =	vst v63  }
0x114: {  	s0 =	sand.u32 $0x1FFFFFF0, s22  }
0x115: {  	[tilespmem:s23], [sflag:$0x1] =	stream.linear.gather [hbm4b:s2+s1], $0x20, $0x38;
	[tilespmem:$0x10600] =	vst v63  }
0x116: {  	s24 =	simm.s32 $0x5E0;
	s25 =	sadd.s32 s3, s0  }
0x117: {  	[tilespmem:s24], [sflag:$0x1] =	stream.strided.gather [hbm4b:s25+s11], $0x0, s12, s11, $0x38;
	[tilespmem:$0x10600] =	vst v63  }
0x118: {  	_ = 	snop  }
0x119: {  	[tilespmem:s24], [sflag:$0x1] =	stream.linear.gather [hbm4b:s25+s1], $0x20, $0x38;
	[tilespmem:$0x10600] =	vst v63  }
0x11a: {  	s28 =	simm.s32 $0x45E0;
	s26 =	spop (v2sf);
	s0 =	sadd.s32 s13, s0  }
0x11b: {  	[tilespmem:s28], [sflag:$0x1] =	stream.strided.gather [hbm4b:s0+s11], $0x0, s12, s11, $0x38;
	[tilespmem:$0x10600] =	vst v63  }
0x11c: {  	s2 =	sand.u32 $0x1FFFFFF0, s26  }
0x11d: {  	[tilespmem:s28], [sflag:$0x1] =	stream.linear.gather [hbm4b:s0+s1], $0x20, $0x38;
	[tilespmem:$0x10600] =	vst v63  }
0x11e: {  	s30 =	simm.s32 $0x85E0;
	s29 =	spop (v2sf);
	s2 =	sadd.s32 s3, s2  }
0x11f: {  	[tilespmem:s30], [sflag:$0x1] =	stream.strided.gather [hbm4b:s2+s11], $0x0, s12, s11, $0x38;
	[tilespmem:$0x10600] =	vst v63  }
0x120: {  	s6 =	simm.s32 $0x0;
	s31 =	sand.u32 $0x1FFFFFF0, s29  }
0x121: {  	[tilespmem:s30], [sflag:$0x1] =	stream.linear.gather [hbm4b:s2+s1], $0x20, $0x38;
	[tilespmem:$0x10600] =	vst v63  }
0x122: {  	s5 =	simm.s32 $0x800;
	s0 =	simm.s32 $0xC5E0;
	s2 =	sadd.s32 s14, s31  }
0x123: {  	[tilespmem:s0], [sflag:$0x1] =	stream.strided.gather [hbm4b:s2+s11], $0x0, s12, s11, $0x38;
	[tilespmem:$0x10600] =	vst v63  }
.LBB2_2:
0x124: {  	s6 =	sadd.s32 $0x10, s6  }
0x125: {  	[tilespmem:s0], [sflag:$0x1] =	stream.linear.gather [hbm4b:s2+s1], $0x20, $0x38;
	[tilespmem:$0x10600] =	vst v63  }
0x126: {  	v0 =	vld [tilespmem:s6+$0x0];
	_ =	sdelay $0x3  }
0x127: {  	s4 =	sadd.s32 $0x10, s4  }
0x128: {  	v63 =	vld [tilespmem:s4+$0x0];
	v1 =	vshll.u32 v0, $0x4  }
0x129: {  	(v2sf) =	vpush v1, $0x0;
	_ =	sdelay $0x1  }
0x12a: {  	(v2sf) =	vpush v1, $0x1;
	_ =	sdelay $0x1  }
0x12b: {  	v2 =	vadd.s32 $0xF4240, v63;
	(v2sf) =	vpush v1, $0x2  }
0x12c: {  	v2 =	vshll.u32 v2, $0x4  }
0x12d: {  	(v2sf) =	vpush v2, $0x0;
	_ =	sdelay $0x2  }
0x12e: {  	v0 =	vshll.u32 v63, $0x4  }
0x12f: {  	(v2sf) =	vpush v0, $0x0;
	_ =	sdelay $0x3  }
0x130: {  	(v2sf) =	vpush v2, $0x1  }
0x131: {  	s19 =	smov.u32 s5;
	s21 =	spop (v2sf)  }
0x132: {  	s19 =	sshra.s32 s19, $0x2;
	(v2sf) =	vpush v0, $0x1;
	s22 =	sand.u32 $0x1FFFFFF0, s21  }
0x133: {  	s24 =	sadd.s32 $0x400, s19;
	s23 =	spop (v2sf);
	s7 =	sadd.s32 s3, s22  }
0x134: {  	(v2sf) =	vpush v2, $0x2;
	[tilespmem:s24], [sflag:$0x1] =	stream.strided.gather [hbm4b:s7+s11], $0x0, s12, s11, $0x38;
	[tilespmem:$0x10600] =	vst v63  }
0x135: {  	s8 =	spop (v2sf)  }
0x136: {  	(v2sf) =	vpush v0, $0x2;
	[tilespmem:s24], [sflag:$0x1] =	stream.linear.gather [hbm4b:s7+s1], $0x20, $0x38;
	[tilespmem:$0x10600] =	vst v63  }
0x137: {  	s25 =	sadd.s32 $0x4400, s19;
	s26 =	sadd.s32 s13, s22;
	s9 =	spop (v2sf)  }
0x138: {  	(v2sf) =	vpush v1, $0x3;
	[tilespmem:s25], [sflag:$0x1] =	stream.strided.gather [hbm4b:s26+s11], $0x0, s12, s11, $0x38;
	[tilespmem:$0x10600] =	vst v63  }
0x139: {  	p0 =	sne.s32 s5, $0xF800;
	s30 =	sand.u32 $0x1FFFFFF0, s9  }
0x13a: {  	[tilespmem:s25], [sflag:$0x1] =	stream.linear.gather [hbm4b:s26+s1], $0x20, $0x38;
	[tilespmem:$0x10600] =	vst v63  }
0x13b: {  	s29 =	sadd.s32 $0x8400, s19;
	s31 =	spop (v2sf);
	s7 =	sadd.s32 s3, s30  }
0x13c: {  	(v2sf) =	vpush v2, $0x3;
	[tilespmem:s29], [sflag:$0x1] =	stream.strided.gather [hbm4b:s7+s11], $0x0, s12, s11, $0x38;
	[tilespmem:$0x10600] =	vst v63  }
0x13d: {  	s20 =	sadd.s32 $0x800, s5;
	[dreg:$0x5] =	wrdreg s4;
	s9 =	sand.u32 $0x1FFFFFF0, s31  }
0x13e: {  	[tilespmem:s29], [sflag:$0x1] =	stream.linear.gather [hbm4b:s7+s1], $0x20, $0x38;
	[tilespmem:$0x10600] =	vst v63  }
0x13f: {  	s28 =	sadd.s32 $0xC400, s19;
	s10 =	spop (v2sf);
	s9 =	sadd.s32 s14, s9  }
0x140: {  	(v2sf) =	vpush v0, $0x3;
	[tilespmem:s28], [sflag:$0x1] =	stream.strided.gather [hbm4b:s9+s11], $0x0, s12, s11, $0x38;
	[tilespmem:$0x10600] =	vst v63  }
0x141: {  	[dreg:$0x6] =	wrdreg s20;
	s2 =	sand.u32 $0x1FFFFFF0, s23;
	s4 =	spop (v2sf)  }
0x142: {  	[tilespmem:s28], [sflag:$0x1] =	stream.linear.gather [hbm4b:s9+s1], $0x20, $0x38;
	[tilespmem:$0x10600] =	vst v63  }
0x143: {  	s5 =	sadd.s32 $0x420, s19;
	s20 =	sadd.s32 s3, s2;
	s15 =	spop (v2sf)  }
0x144: {  	(v2sf) =	vpush v1, $0x4;
	[tilespmem:s5], [sflag:$0x1] =	stream.strided.gather [hbm4b:s20+s11], $0x0, s12, s11, $0x38;
	[tilespmem:$0x10600] =	vst v63  }
0x145: {  	s21 =	spop (v2sf)  }
0x146: {  	(v2sf) =	vpush v2, $0x4;
	[tilespmem:s5], [sflag:$0x1] =	stream.linear.gather [hbm4b:s20+s1], $0x20, $0x38;
	[tilespmem:$0x10600] =	vst v63  }
0x147: {  	s18 =	sadd.s32 $0x4420, s19;
	s22 =	sadd.s32 s13, s2;
	s16 =	spop (v2sf)  }
0x148: {  	(v2sf) =	vpush v0, $0x4;
	[tilespmem:s18], [sflag:$0x1] =	stream.strided.gather [hbm4b:s22+s11], $0x0, s12, s11, $0x38;
	[tilespmem:$0x10600] =	vst v63  }
0x149: {  	s10 =	sand.u32 $0x1FFFFFF0, s10  }
0x14a: {  	[tilespmem:s18], [sflag:$0x1] =	stream.linear.gather [hbm4b:s22+s1], $0x20, $0x38;
	[tilespmem:$0x10600] =	vst v63  }
0x14b: {  	s23 =	sadd.s32 $0x8420, s19;
	s10 =	sadd.s32 s3, s10;
	s20 =	spop (v2sf)  }
0x14c: {  	(v2sf) =	vpush v1, $0x5;
	[tilespmem:s23], [sflag:$0x1] =	stream.strided.gather [hbm4b:s10+s11], $0x0, s12, s11, $0x38;
	[tilespmem:$0x10600] =	vst v63  }
0x14d: {  	s17 =	smov.u32 s14;
	s14 =	sand.u32 $0x1FFFFFF0, s4  }
0x14e: {  	(v2sf) =	vpush v2, $0x5;
	[tilespmem:s23], [sflag:$0x1] =	stream.linear.gather [hbm4b:s10+s1], $0x20, $0x38;
	[tilespmem:$0x10600] =	vst v63  }
0x14f: {  	s14 =	sadd.s32 s17, s14;
	s25 =	sadd.s32 $0xC420, s19;
	s24 =	spop (v2sf)  }
0x150: {  	(v2sf) =	vpush v0, $0x5;
	[tilespmem:s25], [sflag:$0x1] =	stream.strided.gather [hbm4b:s14+s11], $0x0, s12, s11, $0x38;
	[tilespmem:$0x10600] =	vst v63  }
0x151: {  	s0 =	sand.u32 $0x1FFFFFF0, s8;
	s8 =	sand.u32 $0x1FFFFFF0, s21;
	s21 =	sand.u32 $0x1FFFFFF0, s24  }
0x152: {  	[tilespmem:s25], [sflag:$0x1] =	stream.linear.gather [hbm4b:s14+s1], $0x20, $0x38;
	[tilespmem:$0x10600] =	vst v63  }
0x153: {  	s24 =	sadd.s32 s3, s0;
	s23 =	sadd.s32 $0x440, s19;
	s26 =	spop (v2sf)  }
0x154: {  	(v2sf) =	vpush v1, $0x6;
	[tilespmem:s23], [sflag:$0x1] =	stream.strided.gather [hbm4b:s24+s11], $0x0, s12, s11, $0x38;
	[tilespmem:$0x10600] =	vst v63  }
0x155: {  	s28 =	spop (v2sf)  }
0x156: {  	[tilespmem:s23], [sflag:$0x1] =	stream.linear.gather [hbm4b:s24+s1], $0x20, $0x38;
	[tilespmem:$0x10600] =	vst v63  }
0x157: {  	s30 =	sadd.s32 $0x4440, s19;
	s0 =	sadd.s32 s13, s0;
	s29 =	spop (v2sf)  }
0x158: {  	(v2sf) =	vpush v2, $0x6;
	[tilespmem:s30], [sflag:$0x1] =	stream.strided.gather [hbm4b:s0+s11], $0x0, s12, s11, $0x38;
	[tilespmem:$0x10600] =	vst v63  }
0x159: {  	[dreg:$0x7] =	wrdreg s6;
	s6 =	sand.u32 $0x1FFFFFF0, s15  }
0x15a: {  	[tilespmem:s30], [sflag:$0x1] =	stream.linear.gather [hbm4b:s0+s1], $0x20, $0x38;
	[tilespmem:$0x10600] =	vst v63  }
0x15b: {  	s4 =	sadd.s32 $0x8440, s19;
	s5 =	sadd.s32 s3, s6;
	s31 =	spop (v2sf)  }
0x15c: {  	(v2sf) =	vpush v0, $0x6;
	[tilespmem:s4], [sflag:$0x1] =	stream.strided.gather [hbm4b:s5+s11], $0x0, s12, s11, $0x38;
	[tilespmem:$0x10600] =	vst v63  }
0x15d: {  	s2 =	sand.u32 $0x1FFFFFF0, s16;
	s7 =	sand.u32 $0x1FFFFFF0, s20;
	s15 =	spop (v2sf)  }
0x15e: {  	[tilespmem:s4], [sflag:$0x1] =	stream.linear.gather [hbm4b:s5+s1], $0x20, $0x38;
	[tilespmem:$0x10600] =	vst v63  }
0x15f: {  	s18 =	sadd.s32 $0xC440, s19;
	s25 =	sadd.s32 s17, s8;
	s16 =	spop (v2sf)  }
0x160: {  	(v2sf) =	vpush v1, $0x7;
	[tilespmem:s18], [sflag:$0x1] =	stream.strided.gather [hbm4b:s25+s11], $0x0, s12, s11, $0x38;
	[tilespmem:$0x10600] =	vst v63  }
0x161: {  	s20 =	sand.u32 $0x1FFFFFF0, s26;
	s14 =	sand.u32 $0x1FFFFFF0, s28;
	s10 =	sand.u32 $0x1FFFFFF0, s29  }
0x162: {  	[tilespmem:s18], [sflag:$0x1] =	stream.linear.gather [hbm4b:s25+s1], $0x20, $0x38;
	[tilespmem:$0x10600] =	vst v63  }
0x163: {  	s28 =	sadd.s32 $0x460, s19;
	s29 =	sadd.s32 s3, s2;
	s26 =	spop (v2sf)  }
0x164: {  	(v2sf) =	vpush v2, $0x7;
	[tilespmem:s28], [sflag:$0x1] =	stream.strided.gather [hbm4b:s29+s11], $0x0, s12, s11, $0x38;
	[tilespmem:$0x10600] =	vst v63  }
0x165: {  	s9 =	sand.u32 $0x1FFFFFF0, s31;
	s31 =	sadd.s32 $0x4460, s19  }
0x166: {  	[tilespmem:s28], [sflag:$0x1] =	stream.linear.gather [hbm4b:s29+s1], $0x20, $0x38;
	[tilespmem:$0x10600] =	vst v63  }
0x167: {  	s8 =	sand.u32 $0x1FFFFFF0, s26;
	s26 =	sadd.s32 s13, s2;
	s30 =	spop (v2sf)  }
0x168: {  	(v2sf) =	vpush v0, $0x7;
	[tilespmem:s31], [sflag:$0x1] =	stream.strided.gather [hbm4b:s26+s11], $0x0, s12, s11, $0x38;
	[tilespmem:$0x10600] =	vst v63  }
0x169: {  	s6 =	sand.u32 $0x1FFFFFF0, s15  }
0x16a: {  	[tilespmem:s31], [sflag:$0x1] =	stream.linear.gather [hbm4b:s26+s1], $0x20, $0x38;
	[tilespmem:$0x10600] =	vst v63  }
0x16b: {  	s15 =	sadd.s32 s3, s7;
	s5 =	sadd.s32 $0x8460, s19;
	s4 =	spop (v2sf)  }
0x16c: {  	(v2sf) =	vpush v1, $0x8;
	[tilespmem:s5], [sflag:$0x1] =	stream.strided.gather [hbm4b:s15+s11], $0x0, s12, s11, $0x38;
	[tilespmem:$0x10600] =	vst v63  }
0x16d: {  	s21 =	sadd.s32 s17, s21  }
0x16e: {  	(v2sf) =	vpush v2, $0x8;
	[tilespmem:s5], [sflag:$0x1] =	stream.linear.gather [hbm4b:s15+s1], $0x20, $0x38;
	[tilespmem:$0x10600] =	vst v63  }
0x16f: {  	s0 =	sand.u32 $0x1FFFFFF0, s16;
	s18 =	sadd.s32 $0xC460, s19;
	s16 =	spop (v2sf)  }
0x170: {  	(v2sf) =	vpush v0, $0x8;
	[tilespmem:s18], [sflag:$0x1] =	stream.strided.gather [hbm4b:s21+s11], $0x0, s12, s11, $0x38;
	[tilespmem:$0x10600] =	vst v63  }
0x171: {  	s2 =	sand.u32 $0x1FFFFFF0, s30  }
0x172: {  	[tilespmem:s18], [sflag:$0x1] =	stream.linear.gather [hbm4b:s21+s1], $0x20, $0x38;
	[tilespmem:$0x10600] =	vst v63  }
0x173: {  	s30 =	sadd.s32 $0x480, s19;
	s31 =	sadd.s32 s3, s20;
	s29 =	spop (v2sf)  }
0x174: {  	(v2sf) =	vpush v1, $0x9;
	[tilespmem:s30], [sflag:$0x1] =	stream.strided.gather [hbm4b:s31+s11], $0x0, s12, s11, $0x38;
	[tilespmem:$0x10600] =	vst v63  }
0x175: {  	s7 =	sand.u32 $0x1FFFFFF0, s4  }
0x176: {  	[tilespmem:s30], [sflag:$0x1] =	stream.linear.gather [hbm4b:s31+s1], $0x20, $0x38;
	[tilespmem:$0x10600] =	vst v63  }
0x177: {  	s20 =	sadd.s32 s13, s20;
	s5 =	sadd.s32 $0x4480, s19;
	s4 =	spop (v2sf)  }
0x178: {  	(v2sf) =	vpush v2, $0x9;
	[tilespmem:s5], [sflag:$0x1] =	stream.strided.gather [hbm4b:s20+s11], $0x0, s12, s11, $0x38;
	[tilespmem:$0x10600] =	vst v63  }
0x179: {  	s14 =	sadd.s32 s3, s14  }
0x17a: {  	[tilespmem:s5], [sflag:$0x1] =	stream.linear.gather [hbm4b:s20+s1], $0x20, $0x38;
	[tilespmem:$0x10600] =	vst v63  }
0x17b: {  	s28 =	sand.u32 $0x1FFFFFF0, s16;
	s16 =	sadd.s32 $0x8480, s19;
	s15 =	spop (v2sf)  }
0x17c: {  	(v2sf) =	vpush v0, $0x9;
	[tilespmem:s16], [sflag:$0x1] =	stream.strided.gather [hbm4b:s14+s11], $0x0, s12, s11, $0x38;
	[tilespmem:$0x10600] =	vst v63  }
0x17d: {  	s10 =	sadd.s32 s17, s10;
	s18 =	spop (v2sf)  }
0x17e: {  	[tilespmem:s16], [sflag:$0x1] =	stream.linear.gather [hbm4b:s14+s1], $0x20, $0x38;
	[tilespmem:$0x10600] =	vst v63  }
0x17f: {  	s25 =	sand.u32 $0x1FFFFFF0, s29;
	s29 =	sadd.s32 $0xC480, s19;
	s22 =	spop (v2sf)  }
0x180: {  	(v2sf) =	vpush v1, $0xA;
	[tilespmem:s29], [sflag:$0x1] =	stream.strided.gather [hbm4b:s10+s11], $0x0, s12, s11, $0x38;
	[tilespmem:$0x10600] =	vst v63  }
0x181: {  	_ = 	snop  }
0x182: {  	[tilespmem:s29], [sflag:$0x1] =	stream.linear.gather [hbm4b:s10+s1], $0x20, $0x38;
	[tilespmem:$0x10600] =	vst v63  }
0x183: {  	s30 =	sadd.s32 $0x4A0, s19;
	s31 =	sadd.s32 s3, s9;
	s24 =	spop (v2sf)  }
0x184: {  	(v2sf) =	vpush v2, $0xA;
	[tilespmem:s30], [sflag:$0x1] =	stream.strided.gather [hbm4b:s31+s11], $0x0, s12, s11, $0x38;
	[tilespmem:$0x10600] =	vst v63  }
0x185: {  	s26 =	sand.u32 $0x1FFFFFF0, s4  }
0x186: {  	[tilespmem:s30], [sflag:$0x1] =	stream.linear.gather [hbm4b:s31+s1], $0x20, $0x38;
	[tilespmem:$0x10600] =	vst v63  }
0x187: {  	s4 =	sadd.s32 $0x44A0, s19;
	s9 =	sadd.s32 s13, s9;
	s29 =	spop (v2sf)  }
0x188: {  	(v2sf) =	vpush v0, $0xA;
	[tilespmem:s4], [sflag:$0x1] =	stream.strided.gather [hbm4b:s9+s11], $0x0, s12, s11, $0x38;
	[tilespmem:$0x10600] =	vst v63  }
0x189: {  	s21 =	sand.u32 $0x1FFFFFF0, s15  }
0x18a: {  	[tilespmem:s4], [sflag:$0x1] =	stream.linear.gather [hbm4b:s9+s1], $0x20, $0x38;
	[tilespmem:$0x10600] =	vst v63  }
0x18b: {  	s15 =	sadd.s32 $0x84A0, s19;
	s16 =	sadd.s32 s3, s6;
	s5 =	spop (v2sf)  }
0x18c: {  	(v2sf) =	vpush v1, $0xB;
	[tilespmem:s15], [sflag:$0x1] =	stream.strided.gather [hbm4b:s16+s11], $0x0, s12, s11, $0x38;
	[tilespmem:$0x10600] =	vst v63  }
0x18d: {  	s23 =	sand.u32 $0x1FFFFFF0, s18;
	s6 =	sand.u32 $0x1FFFFFF0, s5  }
0x18e: {  	[tilespmem:s15], [sflag:$0x1] =	stream.linear.gather [hbm4b:s16+s1], $0x20, $0x38;
	[tilespmem:$0x10600] =	vst v63  }
0x18f: {  	s18 =	spop (v2sf);
	s5 =	sadd.s32 s17, s0;
	s4 =	sadd.s32 $0xC4A0, s19  }
0x190: {  	(v2sf) =	vpush v2, $0xB;
	[tilespmem:s4], [sflag:$0x1] =	stream.strided.gather [hbm4b:s5+s11], $0x0, s12, s11, $0x38;
	[tilespmem:$0x10600] =	vst v63  }
0x191: {  	s0 =	sand.u32 $0x1FFFFFF0, s18  }
0x192: {  	[tilespmem:s4], [sflag:$0x1] =	stream.linear.gather [hbm4b:s5+s1], $0x20, $0x38;
	[tilespmem:$0x10600] =	vst v63  }
0x193: {  	s18 =	sadd.s32 s3, s8;
	s14 =	spop (v2sf);
	s15 =	sadd.s32 $0x4C0, s19  }
0x194: {  	(v2sf) =	vpush v0, $0xB;
	[tilespmem:s15], [sflag:$0x1] =	stream.strided.gather [hbm4b:s18+s11], $0x0, s12, s11, $0x38;
	[tilespmem:$0x10600] =	vst v63  }
0x195: {  	_ = 	snop  }
0x196: {  	[tilespmem:s15], [sflag:$0x1] =	stream.linear.gather [hbm4b:s18+s1], $0x20, $0x38;
	[tilespmem:$0x10600] =	vst v63  }
0x197: {  	s16 =	sadd.s32 s13, s8;
	s4 =	spop (v2sf);
	s5 =	sadd.s32 $0x44C0, s19  }
0x198: {  	(v2sf) =	vpush v1, $0xC;
	[tilespmem:s5], [sflag:$0x1] =	stream.strided.gather [hbm4b:s16+s11], $0x0, s12, s11, $0x38;
	[tilespmem:$0x10600] =	vst v63  }
0x199: {  	s8 =	sand.u32 $0x1FFFFFF0, s4  }
0x19a: {  	(v2sf) =	vpush v2, $0xC;
	[tilespmem:s5], [sflag:$0x1] =	stream.linear.gather [hbm4b:s16+s1], $0x20, $0x38;
	[tilespmem:$0x10600] =	vst v63  }
0x19b: {  	s4 =	sadd.s32 $0x84C0, s19;
	s18 =	spop (v2sf);
	s15 =	sadd.s32 s3, s2  }
0x19c: {  	[tilespmem:s4], [sflag:$0x1] =	stream.strided.gather [hbm4b:s15+s11], $0x0, s12, s11, $0x38;
	[tilespmem:$0x10600] =	vst v63  }
0x19d: {  	s2 =	sand.u32 $0x1FFFFFF0, s18  }
0x19e: {  	(v2sf) =	vpush v0, $0xC;
	[tilespmem:s4], [sflag:$0x1] =	stream.linear.gather [hbm4b:s15+s1], $0x20, $0x38;
	[tilespmem:$0x10600] =	vst v63  }
0x19f: {  	s18 =	sadd.s32 $0xC4C0, s19;
	s16 =	spop (v2sf);
	s5 =	sadd.s32 s17, s7  }
0x1a0: {  	[tilespmem:s18], [sflag:$0x1] =	stream.strided.gather [hbm4b:s5+s11], $0x0, s12, s11, $0x38;
	[tilespmem:$0x10600] =	vst v63  }
0x1a1: {  	s7 =	sand.u32 $0x1FFFFFF0, s16  }
0x1a2: {  	(v2sf) =	vpush v1, $0xD;
	[tilespmem:s18], [sflag:$0x1] =	stream.linear.gather [hbm4b:s5+s1], $0x20, $0x38;
	[tilespmem:$0x10600] =	vst v63  }
0x1a3: {  	s16 =	sadd.s32 $0x4E0, s19;
	s15 =	spop (v2sf);
	s4 =	sadd.s32 s3, s28  }
0x1a4: {  	(v2sf) =	vpush v2, $0xD;
	[tilespmem:s16], [sflag:$0x1] =	stream.strided.gather [hbm4b:s4+s11], $0x0, s12, s11, $0x38;
	[tilespmem:$0x10600] =	vst v63  }
0x1a5: {  	s18 =	smov.u32 s13  }
0x1a6: {  	(v2sf) =	vpush v0, $0xD;
	[tilespmem:s16], [sflag:$0x1] =	stream.linear.gather [hbm4b:s4+s1], $0x20, $0x38;
	[tilespmem:$0x10600] =	vst v63  }
0x1a7: {  	s10 =	spop (v2sf);
	s5 =	sadd.s32 $0x44E0, s19;
	s28 =	sadd.s32 s18, s28  }
0x1a8: {  	[tilespmem:s5], [sflag:$0x1] =	stream.strided.gather [hbm4b:s28+s11], $0x0, s12, s11, $0x38;
	[tilespmem:$0x10600] =	vst v63  }
0x1a9: {  	s9 =	sand.u32 $0x1FFFFFF0, s15;
	s15 =	spop (v2sf)  }
0x1aa: {  	[tilespmem:s5], [sflag:$0x1] =	stream.linear.gather [hbm4b:s28+s1], $0x20, $0x38;
	[tilespmem:$0x10600] =	vst v63  }
0x1ab: {  	s25 =	sadd.s32 s3, s25;
	s30 =	sand.u32 $0x1FFFFFF0, s15;
	s15 =	sadd.s32 $0x84E0, s19  }
0x1ac: {  	(v2sf) =	vpush v1, $0xE;
	[tilespmem:s15], [sflag:$0x1] =	stream.strided.gather [hbm4b:s25+s11], $0x0, s12, s11, $0x38;
	[tilespmem:$0x10600] =	vst v63  }
0x1ad: {  	s26 =	sadd.s32 s17, s26;
	s20 =	sand.u32 $0x1FFFFFF0, s22;
	s16 =	spop (v2sf)  }
0x1ae: {  	(v2sf) =	vpush v2, $0xE;
	[tilespmem:s15], [sflag:$0x1] =	stream.linear.gather [hbm4b:s25+s1], $0x20, $0x38;
	[tilespmem:$0x10600] =	vst v63  }
0x1af: {  	s22 =	sand.u32 $0x1FFFFFF0, s24;
	s31 =	sand.u32 $0x1FFFFFF0, s16;
	s16 =	sadd.s32 $0xC4E0, s19  }
0x1b0: {  	[tilespmem:s16], [sflag:$0x1] =	stream.strided.gather [hbm4b:s26+s11], $0x0, s12, s11, $0x38;
	[tilespmem:$0x10600] =	vst v63  }
0x1b1: {  	s24 =	sand.u32 $0x1FFFFFF0, s29;
	s13 =	sadd.s32 $0x500, s19;
	s29 =	spop (v2sf)  }
0x1b2: {  	[tilespmem:s16], [sflag:$0x1] =	stream.linear.gather [hbm4b:s26+s1], $0x20, $0x38;
	[tilespmem:$0x10600] =	vst v63  }
0x1b3: {  	s28 =	sand.u32 $0x1FFFFFF0, s29;
	s29 =	spop (v2sf);
	s15 =	sadd.s32 s3, s21  }
0x1b4: {  	[tilespmem:s13], [sflag:$0x1] =	stream.strided.gather [hbm4b:s15+s11], $0x0, s12, s11, $0x38;
	[tilespmem:$0x10600] =	vst v63  }
0x1b5: {  	s4 =	spop (v2sf)  }
0x1b6: {  	[tilespmem:s13], [sflag:$0x1] =	stream.linear.gather [hbm4b:s15+s1], $0x20, $0x38;
	[tilespmem:$0x10600] =	vst v63  }
0x1b7: {  	s25 =	sadd.s32 $0x4500, s19;
	s26 =	sand.u32 $0x1FFFFFF0, s4;
	s4 =	sadd.s32 s18, s21  }
0x1b8: {  	[tilespmem:s25], [sflag:$0x1] =	stream.strided.gather [hbm4b:s4+s11], $0x0, s12, s11, $0x38;
	[tilespmem:$0x10600] =	vst v63  }
0x1b9: {  	_ = 	snop  }
0x1ba: {  	[tilespmem:s25], [sflag:$0x1] =	stream.linear.gather [hbm4b:s4+s1], $0x20, $0x38;
	[tilespmem:$0x10600] =	vst v63  }
0x1bb: {  	s5 =	spop (v2sf);
	s16 =	sadd.s32 s3, s23;
	s15 =	sadd.s32 $0x8500, s19  }
0x1bc: {  	[tilespmem:s15], [sflag:$0x1] =	stream.strided.gather [hbm4b:s16+s11], $0x0, s12, s11, $0x38;
	[tilespmem:$0x10600] =	vst v63  }
0x1bd: {  	s21 =	sand.u32 $0x1FFFFFF0, s5;
	s5 =	spop (v2sf)  }
0x1be: {  	[tilespmem:s15], [sflag:$0x1] =	stream.linear.gather [hbm4b:s16+s1], $0x20, $0x38;
	[tilespmem:$0x10600] =	vst v63  }
0x1bf: {  	s23 =	sand.u32 $0x1FFFFFF0, s5;
	s13 =	sadd.s32 $0xC500, s19;
	s5 =	sadd.s32 s17, s20  }
0x1c0: {  	[tilespmem:s13], [sflag:$0x1] =	stream.strided.gather [hbm4b:s5+s11], $0x0, s12, s11, $0x38;
	[tilespmem:$0x10600] =	vst v63  }
0x1c1: {  	_ = 	snop  }
0x1c2: {  	[tilespmem:s13], [sflag:$0x1] =	stream.linear.gather [hbm4b:s5+s1], $0x20, $0x38;
	[tilespmem:$0x10600] =	vst v63  }
0x1c3: {  	s15 =	sadd.s32 $0x520, s19;
	s16 =	sadd.s32 s3, s22  }
0x1c4: {  	[tilespmem:s15], [sflag:$0x1] =	stream.strided.gather [hbm4b:s16+s11], $0x0, s12, s11, $0x38;
	[tilespmem:$0x10600] =	vst v63  }
0x1c5: {  	_ = 	snop  }
0x1c6: {  	[tilespmem:s15], [sflag:$0x1] =	stream.linear.gather [hbm4b:s16+s1], $0x20, $0x38;
	[tilespmem:$0x10600] =	vst v63  }
0x1c7: {  	s5 =	sadd.s32 $0x4520, s19;
	s13 =	sadd.s32 s18, s22  }
0x1c8: {  	(v2sf) =	vpush v0, $0xE;
	[tilespmem:s5], [sflag:$0x1] =	stream.strided.gather [hbm4b:s13+s11], $0x0, s12, s11, $0x38;
	[tilespmem:$0x10600] =	vst v63  }
0x1c9: {  	_ = 	snop  }
0x1ca: {  	(v2sf) =	vpush v1, $0xF;
	[tilespmem:s5], [sflag:$0x1] =	stream.linear.gather [hbm4b:s13+s1], $0x20, $0x38;
	[tilespmem:$0x10600] =	vst v63  }
0x1cb: {  	s15 =	sadd.s32 $0x8520, s19;
	s16 =	sadd.s32 s3, s24  }
0x1cc: {  	(v2sf) =	vpush v2, $0xF;
	[tilespmem:s15], [sflag:$0x1] =	stream.strided.gather [hbm4b:s16+s11], $0x0, s12, s11, $0x38;
	[tilespmem:$0x10600] =	vst v63  }
0x1cd: {  	_ = 	snop  }
0x1ce: {  	(v2sf) =	vpush v0, $0xF;
	[tilespmem:s15], [sflag:$0x1] =	stream.linear.gather [hbm4b:s16+s1], $0x20, $0x38;
	[tilespmem:$0x10600] =	vst v63  }
0x1cf: {  	s5 =	sadd.s32 $0xC520, s19;
	s13 =	sadd.s32 s17, s6  }
0x1d0: {  	[tilespmem:s5], [sflag:$0x1] =	stream.strided.gather [hbm4b:s13+s11], $0x0, s12, s11, $0x38;
	[tilespmem:$0x10600] =	vst v63  }
0x1d1: {  	_ = 	snop  }
0x1d2: {  	[tilespmem:s5], [sflag:$0x1] =	stream.linear.gather [hbm4b:s13+s1], $0x20, $0x38;
	[tilespmem:$0x10600] =	vst v63  }
0x1d3: {  	s15 =	sadd.s32 $0x540, s19;
	s16 =	sadd.s32 s3, s0  }
0x1d4: {  	[tilespmem:s15], [sflag:$0x1] =	stream.strided.gather [hbm4b:s16+s11], $0x0, s12, s11, $0x38;
	[tilespmem:$0x10600] =	vst v63  }
0x1d5: {  	_ = 	snop  }
0x1d6: {  	[tilespmem:s15], [sflag:$0x1] =	stream.linear.gather [hbm4b:s16+s1], $0x20, $0x38;
	[tilespmem:$0x10600] =	vst v63  }
0x1d7: {  	s25 =	spop (v2sf);
	s0 =	sadd.s32 s18, s0;
	s5 =	sadd.s32 $0x4540, s19  }
0x1d8: {  	[tilespmem:s5], [sflag:$0x1] =	stream.strided.gather [hbm4b:s0+s11], $0x0, s12, s11, $0x38;
	[tilespmem:$0x10600] =	vst v63  }
0x1d9: {  	s14 =	sand.u32 $0x1FFFFFF0, s14;
	s20 =	spop (v2sf)  }
0x1da: {  	[tilespmem:s5], [sflag:$0x1] =	stream.linear.gather [hbm4b:s0+s1], $0x20, $0x38;
	[tilespmem:$0x10600] =	vst v63  }
0x1db: {  	s4 =	spop (v2sf);
	s15 =	sadd.s32 $0x8540, s19;
	s16 =	sadd.s32 s3, s14  }
0x1dc: {  	[tilespmem:s15], [sflag:$0x1] =	stream.strided.gather [hbm4b:s16+s11], $0x0, s12, s11, $0x38;
	[tilespmem:$0x10600] =	vst v63  }
0x1dd: {  	s22 =	sand.u32 $0x1FFFFFF0, s4;
	s4 =	spop (v2sf)  }
0x1de: {  	[tilespmem:s15], [sflag:$0x1] =	stream.linear.gather [hbm4b:s16+s1], $0x20, $0x38;
	[tilespmem:$0x10600] =	vst v63  }
0x1df: {  	s8 =	sadd.s32 s17, s8;
	s24 =	sand.u32 $0x1FFFFFF0, s4;
	s4 =	sadd.s32 $0xC540, s19  }
0x1e0: {  	[tilespmem:s4], [sflag:$0x1] =	stream.strided.gather [hbm4b:s8+s11], $0x0, s12, s11, $0x38;
	[tilespmem:$0x10600] =	vst v63  }
0x1e1: {  	_ = 	snop  }
0x1e2: {  	[tilespmem:s4], [sflag:$0x1] =	stream.linear.gather [hbm4b:s8+s1], $0x20, $0x38;
	[tilespmem:$0x10600] =	vst v63  }
0x1e3: {  	s15 =	sadd.s32 $0x560, s19;
	s16 =	sadd.s32 s3, s2  }
0x1e4: {  	[tilespmem:s15], [sflag:$0x1] =	stream.strided.gather [hbm4b:s16+s11], $0x0, s12, s11, $0x38;
	[tilespmem:$0x10600] =	vst v63  }
0x1e5: {  	_ = 	snop  }
0x1e6: {  	[tilespmem:s15], [sflag:$0x1] =	stream.linear.gather [hbm4b:s16+s1], $0x20, $0x38;
	[tilespmem:$0x10600] =	vst v63  }
0x1e7: {  	s2 =	sadd.s32 s18, s2;
	s8 =	sadd.s32 $0x4560, s19  }
0x1e8: {  	[tilespmem:s8], [sflag:$0x1] =	stream.strided.gather [hbm4b:s2+s11], $0x0, s12, s11, $0x38;
	[tilespmem:$0x10600] =	vst v63  }
0x1e9: {  	_ = 	snop  }
0x1ea: {  	[tilespmem:s8], [sflag:$0x1] =	stream.linear.gather [hbm4b:s2+s1], $0x20, $0x38;
	[tilespmem:$0x10600] =	vst v63  }
0x1eb: {  	s15 =	sadd.s32 $0x8560, s19;
	s16 =	sadd.s32 s3, s7  }
0x1ec: {  	[tilespmem:s15], [sflag:$0x1] =	stream.strided.gather [hbm4b:s16+s11], $0x0, s12, s11, $0x38;
	[tilespmem:$0x10600] =	vst v63  }
0x1ed: {  	_ = 	snop  }
0x1ee: {  	[tilespmem:s15], [sflag:$0x1] =	stream.linear.gather [hbm4b:s16+s1], $0x20, $0x38;
	[tilespmem:$0x10600] =	vst v63  }
0x1ef: {  	s6 =	sadd.s32 s17, s9;
	s2 =	sadd.s32 $0xC560, s19  }
0x1f0: {  	[tilespmem:s2], [sflag:$0x1] =	stream.strided.gather [hbm4b:s6+s11], $0x0, s12, s11, $0x38;
	[tilespmem:$0x10600] =	vst v63  }
0x1f1: {  	s7 =	sand.u32 $0x1FFFFFF0, s10  }
0x1f2: {  	[tilespmem:s2], [sflag:$0x1] =	stream.linear.gather [hbm4b:s6+s1], $0x20, $0x38;
	[tilespmem:$0x10600] =	vst v63  }
0x1f3: {  	s9 =	sadd.s32 s3, s7;
	s8 =	sadd.s32 $0x580, s19  }
0x1f4: {  	[tilespmem:s8], [sflag:$0x1] =	stream.strided.gather [hbm4b:s9+s11], $0x0, s12, s11, $0x38;
	[tilespmem:$0x10600] =	vst v63  }
0x1f5: {  	_ = 	snop  }
0x1f6: {  	[tilespmem:s8], [sflag:$0x1] =	stream.linear.gather [hbm4b:s9+s1], $0x20, $0x38;
	[tilespmem:$0x10600] =	vst v63  }
0x1f7: {  	s10 =	sadd.s32 $0x4580, s19;
	s15 =	sadd.s32 s18, s7  }
0x1f8: {  	[tilespmem:s10], [sflag:$0x1] =	stream.strided.gather [hbm4b:s15+s11], $0x0, s12, s11, $0x38;
	[tilespmem:$0x10600] =	vst v63  }
0x1f9: {  	_ = 	snop  }
0x1fa: {  	[tilespmem:s10], [sflag:$0x1] =	stream.linear.gather [hbm4b:s15+s1], $0x20, $0x38;
	[tilespmem:$0x10600] =	vst v63  }
0x1fb: {  	s30 =	sadd.s32 s3, s30;
	s16 =	sadd.s32 $0x8580, s19  }
0x1fc: {  	[tilespmem:s16], [sflag:$0x1] =	stream.strided.gather [hbm4b:s30+s11], $0x0, s12, s11, $0x38;
	[tilespmem:$0x10600] =	vst v63  }
0x1fd: {  	_ = 	snop  }
0x1fe: {  	[tilespmem:s16], [sflag:$0x1] =	stream.linear.gather [hbm4b:s30+s1], $0x20, $0x38;
	[tilespmem:$0x10600] =	vst v63  }
0x1ff: {  	s7 =	sadd.s32 $0xC580, s19;
	s8 =	sadd.s32 s17, s31  }
0x200: {  	[tilespmem:s7], [sflag:$0x1] =	stream.strided.gather [hbm4b:s8+s11], $0x0, s12, s11, $0x38;
	[tilespmem:$0x10600] =	vst v63  }
0x201: {  	_ = 	snop  }
0x202: {  	[tilespmem:s7], [sflag:$0x1] =	stream.linear.gather [hbm4b:s8+s1], $0x20, $0x38;
	[tilespmem:$0x10600] =	vst v63  }
0x203: {  	s9 =	sadd.s32 $0x5A0, s19;
	s10 =	sadd.s32 s3, s28  }
0x204: {  	[tilespmem:s9], [sflag:$0x1] =	stream.strided.gather [hbm4b:s10+s11], $0x0, s12, s11, $0x38;
	[tilespmem:$0x10600] =	vst v63  }
0x205: {  	_ = 	snop  }
0x206: {  	[tilespmem:s9], [sflag:$0x1] =	stream.linear.gather [hbm4b:s10+s1], $0x20, $0x38;
	[tilespmem:$0x10600] =	vst v63  }
0x207: {  	s15 =	sadd.s32 $0x45A0, s19;
	s16 =	sadd.s32 s18, s28  }
0x208: {  	[tilespmem:s15], [sflag:$0x1] =	stream.strided.gather [hbm4b:s16+s11], $0x0, s12, s11, $0x38;
	[tilespmem:$0x10600] =	vst v63  }
0x209: {  	s28 =	sand.u32 $0x1FFFFFF0, s29  }
0x20a: {  	[tilespmem:s15], [sflag:$0x1] =	stream.linear.gather [hbm4b:s16+s1], $0x20, $0x38;
	[tilespmem:$0x10600] =	vst v63  }
0x20b: {  	s29 =	sadd.s32 $0x85A0, s19;
	s4 =	sadd.s32 s3, s28  }
0x20c: {  	[tilespmem:s29], [sflag:$0x1] =	stream.strided.gather [hbm4b:s4+s11], $0x0, s12, s11, $0x38;
	[tilespmem:$0x10600] =	vst v63  }
0x20d: {  	_ = 	snop  }
0x20e: {  	[tilespmem:s29], [sflag:$0x1] =	stream.linear.gather [hbm4b:s4+s1], $0x20, $0x38;
	[tilespmem:$0x10600] =	vst v63  }
0x20f: {  	s31 =	sadd.s32 s17, s26;
	s30 =	sadd.s32 $0xC5A0, s19  }
0x210: {  	[tilespmem:s30], [sflag:$0x1] =	stream.strided.gather [hbm4b:s31+s11], $0x0, s12, s11, $0x38;
	[tilespmem:$0x10600] =	vst v63  }
0x211: {  	_ = 	snop  }
0x212: {  	[tilespmem:s30], [sflag:$0x1] =	stream.linear.gather [hbm4b:s31+s1], $0x20, $0x38;
	[tilespmem:$0x10600] =	vst v63  }
0x213: {  	s7 =	sadd.s32 $0x5C0, s19;
	s8 =	sadd.s32 s3, s21  }
0x214: {  	[tilespmem:s7], [sflag:$0x1] =	stream.strided.gather [hbm4b:s8+s11], $0x0, s12, s11, $0x38;
	[tilespmem:$0x10600] =	vst v63  }
0x215: {  	_ = 	snop  }
0x216: {  	[tilespmem:s7], [sflag:$0x1] =	stream.linear.gather [hbm4b:s8+s1], $0x20, $0x38;
	[tilespmem:$0x10600] =	vst v63  }
0x217: {  	s9 =	sadd.s32 $0x45C0, s19;
	s10 =	sadd.s32 s18, s21  }
0x218: {  	[tilespmem:s9], [sflag:$0x1] =	stream.strided.gather [hbm4b:s10+s11], $0x0, s12, s11, $0x38;
	[tilespmem:$0x10600] =	vst v63  }
0x219: {  	_ = 	snop  }
0x21a: {  	[tilespmem:s9], [sflag:$0x1] =	stream.linear.gather [hbm4b:s10+s1], $0x20, $0x38;
	[tilespmem:$0x10600] =	vst v63  }
0x21b: {  	s15 =	sadd.s32 $0x85C0, s19;
	s16 =	sadd.s32 s3, s23  }
0x21c: {  	[tilespmem:s15], [sflag:$0x1] =	stream.strided.gather [hbm4b:s16+s11], $0x0, s12, s11, $0x38;
	[tilespmem:$0x10600] =	vst v63  }
0x21d: {  	s25 =	sand.u32 $0x1FFFFFF0, s25  }
0x21e: {  	[tilespmem:s15], [sflag:$0x1] =	stream.linear.gather [hbm4b:s16+s1], $0x20, $0x38;
	[tilespmem:$0x10600] =	vst v63  }
0x21f: {  	s21 =	sadd.s32 $0xC5C0, s19;
	s23 =	sadd.s32 s17, s25  }
0x220: {  	[tilespmem:s21], [sflag:$0x1] =	stream.strided.gather [hbm4b:s23+s11], $0x0, s12, s11, $0x38;
	[tilespmem:$0x10600] =	vst v63  }
0x221: {  	s20 =	sand.u32 $0x1FFFFFF0, s20  }
0x222: {  	[tilespmem:s21], [sflag:$0x1] =	stream.linear.gather [hbm4b:s23+s1], $0x20, $0x38;
	[tilespmem:$0x10600] =	vst v63  }
0x223: {  	s26 =	sadd.s32 s3, s20;
	s25 =	sadd.s32 $0x5E0, s19  }
0x224: {  	[tilespmem:s25], [sflag:$0x1] =	stream.strided.gather [hbm4b:s26+s11], $0x0, s12, s11, $0x38;
	[tilespmem:$0x10600] =	vst v63  }
0x225: {  	_ = 	snop  }
0x226: {  	[tilespmem:s25], [sflag:$0x1] =	stream.linear.gather [hbm4b:s26+s1], $0x20, $0x38;
	[tilespmem:$0x10600] =	vst v63  }
0x227: {  	s28 =	sadd.s32 $0x45E0, s19;
	s29 =	sadd.s32 s18, s20  }
0x228: {  	[tilespmem:s28], [sflag:$0x1] =	stream.strided.gather [hbm4b:s29+s11], $0x0, s12, s11, $0x38;
	[tilespmem:$0x10600] =	vst v63  }
0x229: {  	_ = 	snop  }
0x22a: {  	[tilespmem:s28], [sflag:$0x1] =	stream.linear.gather [hbm4b:s29+s1], $0x20, $0x38;
	[tilespmem:$0x10600] =	vst v63  }
0x22b: {  	s30 =	sadd.s32 $0x85E0, s19;
	s31 =	sadd.s32 s3, s22  }
0x22c: {  	[tilespmem:s30], [sflag:$0x1] =	stream.strided.gather [hbm4b:s31+s11], $0x0, s12, s11, $0x38;
	[tilespmem:$0x10600] =	vst v63  }
.Ltmp0:
0x22d: {  	s5 =	rddreg [dreg:$0x6];
	(pc) =	sbr.rel @p0 .LBB2_2-.Ltmp0, $4  }
0x22e: {  	s13 =	smov.u32 s18;
	s14 =	smov.u32 s17;
	s6 =	rddreg [dreg:$0x7]  }
0x22f: {  	[tilespmem:s30], [sflag:$0x1] =	stream.linear.gather [hbm4b:s31+s1], $0x20, $0x38;
	[tilespmem:$0x10600] =	vst v63  }
0x230: {  	s0 =	sadd.s32 $0xC5E0, s19;
	s2 =	sadd.s32 s17, s24;
	s4 =	rddreg [dreg:$0x5]  }
0x231: {  	[tilespmem:s0], [sflag:$0x1] =	stream.strided.gather [hbm4b:s2+s11], $0x0, s12, s11, $0x38;
	[tilespmem:$0x10600] =	vst v63  }
0x232: {  	[tilespmem:s0], [sflag:$0x1] =	stream.linear.gather [hbm4b:s2+s1], $0x20, $0x38;
	[tilespmem:$0x10600] =	vst v63  }
0x233: {  	s31 =	simm.s32 $0x1  }
0x234: {  	_ =	swait.ge [sflag:s31], $0x4000  }
0x235: {  	[sflag:s31] =	ssyncset.done $0x0  }
0x236: {  	[sflag:s31] =	ssyncadd.s32 $0xFFFFC000  }
0x237: {  	_ =	swait.ge [sflag:s31], $0x4000  }
0x238: {  	[sflag:s31] =	ssyncset.done $0x0  }
0x239: {  	[sflag:s31] =	ssyncadd.s32 $0xFFFFC000  }
0x23a: {  	_ =	swait.ge [sflag:s31], $0x4000  }
0x23b: {  	[sflag:s31] =	ssyncset.done $0x0  }
0x23c: {  	[sflag:s31] =	ssyncadd.s32 $0xFFFFC000  }
0x23d: {  	_ =	swait.ge [sflag:s31], $0x4000  }
0x23e: {  	[sflag:s31] =	ssyncset.done $0x0  }
0x23f: {  	s16 =	simm.s32 $0x0;
	[sflag:s31] =	ssyncadd.s32 $0xFFFFC000  }
0x240: {  	v20 =	vld [tilespmem:s16+$0x45D0]  }
0x241: {  	v21 =	vld [tilespmem:s16+$0xC5D0]  }
0x242: {  	v0 =	vld [tilespmem:s16+$0x5E0]  }
0x243: {  	v51 =	vld [tilespmem:s16+$0x85E0]  }
0x244: {  	v52 =	vld [tilespmem:s16+$0x5F0]  }
0x245: {  	v53 =	vld [tilespmem:s16+$0x85F0]  }
0x246: {  	v22 =	vld [tilespmem:s16+$0x45C0]  }
0x247: {  	v23 =	vld [tilespmem:s16+$0xC5C0]  }
0x248: {  	v24 =	vld [tilespmem:s16+$0x4590]  }
0x249: {  	v25 =	vld [tilespmem:s16+$0xC590]  }
0x24a: {  	v54 =	vld [tilespmem:s16+$0x45A0]  }
0x24b: {  	v26 =	vld [tilespmem:s16+$0x5C0]  }
0x24c: {  	v27 =	vld [tilespmem:s16+$0x85C0]  }
0x24d: {  	v28 =	vld [tilespmem:s16+$0x5D0]  }
0x24e: {  	v29 =	vld [tilespmem:s16+$0x85D0]  }
0x24f: {  	v55 =	vld [tilespmem:s16+$0x4570]  }
0x250: {  	v56 =	vld [tilespmem:s16+$0xC570]  }
0x251: {  	v32 =	vld [tilespmem:s16+$0x4580]  }
0x252: {  	v33 =	vld [tilespmem:s16+$0xC580]  }
0x253: {  	v57 =	vld [tilespmem:s16+$0x5A0]  }
0x254: {  	v58 =	vld [tilespmem:s16+$0x85A0]  }
0x255: {  	v59 =	vld [tilespmem:s16+$0x5B0]  }
0x256: {  	v60 =	vld [tilespmem:s16+$0x85B0]  }
0x257: {  	v34 =	vld [tilespmem:s16+$0x4560]  }
0x258: {  	v35 =	vld [tilespmem:s16+$0xC560]  }
0x259: {  	v36 =	vld [tilespmem:s16+$0x580]  }
0x25a: {  	v37 =	vld [tilespmem:s16+$0x8580]  }
0x25b: {  	v38 =	vld [tilespmem:s16+$0x590]  }
0x25c: {  	v39 =	vld [tilespmem:s16+$0x8590]  }
0x25d: {  	v40 =	vld [tilespmem:s16+$0x4530]  }
0x25e: {  	v41 =	vld [tilespmem:s16+$0xC530]  }
0x25f: {  	v61 =	vld [tilespmem:s16+$0x4540]  }
0x260: {  	v42 =	vld [tilespmem:s16+$0x560]  }
0x261: {  	v43 =	vld [tilespmem:s16+$0x8560]  }
0x262: {  	v44 =	vld [tilespmem:s16+$0x570]  }
0x263: {  	v45 =	vld [tilespmem:s16+$0x8570]  }
0x264: {  	v46 =	vld [tilespmem:s16+$0x4510]  }
0x265: {  	v47 =	vld [tilespmem:s16+$0xC510]  }
0x266: {  	v48 =	vld [tilespmem:s16+$0x4520]  }
0x267: {  	v49 =	vld [tilespmem:s16+$0xC520]  }
0x268: {  	v62 =	vld [tilespmem:s16+$0x540]  }
0x269: {  	v63 =	vld [tilespmem:s16+$0x8540]  }
0x26a: {  	v4 =	vld [tilespmem:s16+$0x550]  }
0x26b: {  	v5 =	vld [tilespmem:s16+$0x8550]  }
0x26c: {  	v50 =	vld [tilespmem:s16+$0x4500]  }
0x26d: {  	v6 =	vld [tilespmem:s16+$0x44E0]  }
0x26e: {  	v13 =	vld [tilespmem:s16+$0x44C0]  }
0x26f: {  	v10 =	vld [tilespmem:s16+$0xC4C0]  }
0x270: {  	v7 =	vld [tilespmem:s16+$0x4E0]  }
0x271: {  	v8 =	vld [tilespmem:s16+$0x84E0]  }
0x272: {  	v9 =	vld [tilespmem:s16+$0x4F0]  }
0x273: {  	v11 =	vld [tilespmem:s16+$0x84F0]  }
0x274: {  	v15 =	vld [tilespmem:s16+$0x44A0]  }
0x275: {  	v14 =	vld [tilespmem:s16+$0xC4A0]  }
0x276: {  	v3 =	vld [tilespmem:s16+$0x4C0]  }
0x277: {  	v2 =	vld [tilespmem:s16+$0x84C0]  }
0x278: {  	v1 =	vld [tilespmem:s16+$0x4D0]  }
0x279: {  	v17 =	vld [tilespmem:s16+$0x4470]  }
0x27a: {  	v16 =	vld [tilespmem:s16+$0xC470]  }
0x27b: {  	v31 =	vld [tilespmem:s16+$0x4450]  }
0x27c: {  	v30 =	vld [tilespmem:s16+$0xC450]  }
0x27d: {  	v19 =	vld [tilespmem:s16+$0x4410]  }
0x27e: {  	v18 =	vld [tilespmem:s16+$0xC410]  }
0x27f: {  	v12 =	vld [tilespmem:s16+$0x4440]  }
0x280: {  	[tilespmem:$0x1FE70] =	vst v51;
	v51 =	vld [tilespmem:s16+$0xC500]  }
0x281: {  	[tilespmem:$0x1FE80] =	vst v52;
	v52 =	vld [tilespmem:s16+$0x520]  }
0x282: {  	[tilespmem:$0x1FE90] =	vst v53;
	v53 =	vld [tilespmem:s16+$0x8520]  }
0x283: {  	[tilespmem:$0x1FE50] =	vst v54;
	v54 =	vld [tilespmem:s16+$0x530]  }
0x284: {  	[tilespmem:$0x1FD00] =	vst v55;
	v55 =	vld [tilespmem:s16+$0x8530]  }
0x285: {  	[tilespmem:$0x1FD10] =	vst v56;
	v56 =	vld [tilespmem:s16+$0x44D0]  }
0x286: {  	[tilespmem:$0x1FE10] =	vst v57;
	v57 =	vld [tilespmem:s16+$0xC4D0]  }
0x287: {  	[tilespmem:$0x1FE20] =	vst v58;
	v58 =	vld [tilespmem:s16+$0x500]  }
0x288: {  	[tilespmem:$0x1FE30] =	vst v59;
	v59 =	vld [tilespmem:s16+$0x8500]  }
0x289: {  	[tilespmem:$0x1FE40] =	vst v60;
	v60 =	vld [tilespmem:s16+$0x510]  }
0x28a: {  	[tilespmem:$0x1FE00] =	vst v61;
	v61 =	vld [tilespmem:s16+$0x8510]  }
0x28b: {  	[tilespmem:$0x1FDC0] =	vst v62;
	v62 =	vld [tilespmem:s16+$0x44B0]  }
0x28c: {  	[tilespmem:$0x1FDD0] =	vst v63;
	v63 =	vld [tilespmem:s16+$0xC4B0]  }
0x28d: {  	[tilespmem:$0x1FE60] =	vst v0;
	v0 =	vld [tilespmem:s16+$0x84D0]  }
0x28e: {  	[tilespmem:$0x1FDE0] =	vst v4;
	v4 =	vld [tilespmem:s16+$0x4480]  }
0x28f: {  	[tilespmem:$0x1FD70] =	vst v7;
	v7 =	vld [tilespmem:s16+$0x4A0]  }
0x290: {  	[tilespmem:$0x1FDB0] =	vst v6;
	v6 =	vld [tilespmem:s16+$0x84A0]  }
0x291: {  	[tilespmem:$0x1FDF0] =	vst v5;
	v5 =	vld [tilespmem:s16+$0x4B0]  }
0x292: {  	[tilespmem:$0x1FD90] =	vst v9;
	v9 =	vld [tilespmem:s16+$0x4460]  }
0x293: {  	[tilespmem:$0x1FD80] =	vst v8;
	v8 =	vld [tilespmem:s16+$0xC460]  }
0x294: {  	[tilespmem:$0x1FDA0] =	vst v11;
	v11 =	vld [tilespmem:s16+$0x480]  }
0x295: {  	v26 =	vmul.f32 v27, v26;
	v27 =	vmul.f32 v29, v28;
	v28 =	vld [tilespmem:s16+$0x460]  }
0x296: {  	v29 =	vmul.f32 v37, v36;
	v37 =	vld [tilespmem:s16+$0x8460]  }
0x297: {  	v22 =	vmul.f32 v23, v22;
	v23 =	vld [tilespmem:s16+$0x470]  }
0x298: {  	v24 =	vmul.f32 v25, v24;
	v25 =	vld [tilespmem:s16+$0xC400]  }
0x299: {  	v36 =	vmul.f32 v39, v38;
	v39 =	vld [tilespmem:$0x1FD70]  }
0x29a: {  	v20 =	vmul.f32 v21, v20;
	v40 =	vmul.f32 v41, v40;
	v41 =	vld [tilespmem:$0x1FD90]  }
0x29b: {  	v26 =	vadd.f32 v27, v26;
	v21 =	vadd.f32 v36, v29;
	v27 =	vmul.f32 v33, v32;
	v29 =	vld [tilespmem:s16+$0x8470]  }
0x29c: {  	v33 =	vld [tilespmem:s16+$0x4400]  }
0x29d: {  	v21 =	vadd.f32 v27, v21;
	v27 =	vld [tilespmem:s16+$0x440]  }
0x29e: {  	[tilespmem:$0x1FD60] =	vst v4;
	v4 =	vld [tilespmem:s16+$0x84B0]  }
0x29f: {  	[tilespmem:$0x1FD20] =	vst v11;
	v11 =	vld [tilespmem:s16+$0x8480]  }
0x2a0: {  	v22 =	vadd.f32 v22, v26;
	v26 =	vmul.f32 v43, v42;
	v43 =	vmul.f32 v53, v52;
	v52 =	vld [tilespmem:s16+$0x450]  }
0x2a1: {  	v53 =	vld [tilespmem:$0x1FD00]  }
0x2a2: {  	v42 =	vmul.f32 v45, v44;
	v44 =	vmul.f32 v55, v54;
	v54 =	vld [tilespmem:$0x1FD10]  }
0x2a3: {  	v45 =	vmul.f32 v61, v60;
	v60 =	vld [tilespmem:s16+$0x8400]  }
0x2a4: {  	v61 =	vld [tilespmem:s16+$0x400]  }
0x2a5: {  	v55 =	vmul.f32 v49, v48;
	v48 =	vmul.f32 v14, v15;
	v14 =	vld [tilespmem:s16+$0x430]  }
0x2a6: {  	v49 =	vld [tilespmem:s16+$0x8430]  }
0x2a7: {  	v21 =	vadd.f32 v24, v21;
	v24 =	vld [tilespmem:s16+$0x8440]  }
0x2a8: {  	v20 =	vadd.f32 v20, v22;
	v22 =	vadd.f32 v42, v26;
	v42 =	vld [tilespmem:s16+$0x410]  }
0x2a9: {  	v15 =	vmul.f32 v63, v62;
	v62 =	vld [tilespmem:$0x1FD20]  }
0x2aa: {  	v26 =	vmul.f32 v35, v34;
	v35 =	vld [tilespmem:s16+$0x44F0]  }
0x2ab: {  	v36 =	vld [tilespmem:$0x1FD60]  }
0x2ac: {  	v32 =	vadd.f32 v44, v43;
	v43 =	vmul.f32 v10, v13;
	v44 =	vld [tilespmem:s16+$0x8410]  }
0x2ad: {  	v13 =	vmul.f32 v29, v23;
	v23 =	vmul.f32 v57, v56;
	v56 =	vld [tilespmem:s16+$0xC480]  }
0x2ae: {  	[tilespmem:$0x1FD30] =	vst v11;
	v11 =	vld [tilespmem:s16+$0x490]  }
0x2af: {  	v22 =	vadd.f32 v26, v22;
	v26 =	vmul.f32 v59, v58;
	v58 =	vld [tilespmem:s16+$0x8450]  }
0x2b0: {  	v59 =	vmul.f32 v51, v50;
	v51 =	vmul.f32 v16, v17;
	v16 =	vld [tilespmem:s16+$0xC420]  }
0x2b1: {  	v32 =	vadd.f32 v55, v32;
	v55 =	vmul.f32 v49, v14;
	v14 =	vld [tilespmem:s16+$0xC490]  }
0x2b2: {  	v38 =	vmul.f32 v54, v53;
	v26 =	vadd.f32 v45, v26;
	v50 =	vmul.f32 v24, v27;
	v24 =	vld [tilespmem:s16+$0x4420]  }
0x2b3: {  	v6 =	vmul.f32 v6, v7;
	v4 =	vmul.f32 v4, v5;
	v32 =	vadd.f32 v40, v32;
	[tilespmem:$0x1FD40] =	vst v11;
	v11 =	vld [tilespmem:s16+$0x8490]  }
0x2b4: {  	(xrf2) =	vadd.scan.msk.f32 $0xffff, v20;
	v40 =	vld [tilespmem:$0x1FD80];
	v38 =	vadd.f32 v38, v22;
	v22 =	vadd.f32 v59, v26;
	v26 =	vmul.f32 v47, v46  }
0x2b5: {  	(xrf2) =	vadd.scan.msk.f32 $0xffff, v21;
	v46 =	vld [tilespmem:s16+$0x420];
	v4 =	vadd.f32 v4, v6  }
0x2b6: {  	v2 =	vmul.f32 v2, v3;
	v0 =	vmul.f32 v0, v1;
	v45 =	vadd.f32 v26, v22;
	v22 =	vld [tilespmem:s16+$0x8420];
	(xrf2) =	vadd.scan.msk.f32 $0xffff, v38  }
0x2b7: {  	v4 =	vadd.f32 v48, v4;
	(xrf2) =	vadd.scan.msk.f32 $0xffff, v32;
	v32 =	vld [tilespmem:$0x1FD40]  }
0x2b8: {  	v0 =	vadd.f32 v0, v2;
	[tilespmem:$0x1FD50] =	vst v11;
	v11 =	vld [tilespmem:s16+$0xC440]  }
0x2b9: {  	v47 =	vmul.f32 v37, v28;
	v4 =	vadd.f32 v15, v4;
	v15 =	vld [tilespmem:$0x1FD50]  }
0x2ba: {  	v0 =	vadd.f32 v43, v0;
	v37 =	vld [tilespmem:s16+$0xC4F0]  }
0x2bb: {  	v10 =	vmul.f32 v44, v42;
	v42 =	vld [tilespmem:$0x1FDA0];
	v2 =	vadd.f32 v13, v47;
	v13 =	vmul.f32 v58, v52  }
0x2bc: {  	v1 =	vmul.f32 v60, v61;
	v0 =	vadd.f32 v23, v0;
	v47 =	vld [tilespmem:$0x1FDB0]  }
0x2bd: {  	v6 =	vadd.f32 v13, v50;
	v13 =	vld [tilespmem:s16+$0x4490];
	v54 =	vmul.f32 v22, v46;
	v11 =	vmul.f32 v11, v12  }
0x2be: {  	v1 =	vadd.f32 v10, v1;
	v58 =	vmul.f32 v25, v33;
	v10 =	vmul.f32 v15, v32;
	v15 =	vld [tilespmem:s16+$0xC4E0]  }
0x2bf: {  	v52 =	vld [tilespmem:s16+$0xC430];
	(xrf2) =	vadd.scan.msk.f32 $0xffff, v45;
	v60 =	vmul.f32 v16, v24;
	v53 =	vadd.f32 v11, v6;
	v6 =	vadd.f32 v55, v54  }
0x2c0: {  	v61 =	vadd.f32 v58, v1;
	(xrf2) =	vadd.scan.msk.f32 $0xffff, v0;
	v12 =	vld [tilespmem:s16+$0x4430]  }
0x2c1: {  	v58 =	vld [tilespmem:$0x1FE10];
	(xrf2) =	vadd.scan.msk.f32 $0xffff, v4;
	v4 =	vmul.f32 v40, v39;
	v33 =	vadd.f32 v60, v6;
	v6 =	vmul.f32 v42, v41  }
0x2c2: {  	v45 =	vmul.f32 v14, v13;
	v14 =	vld [tilespmem:$0x1FE20]  }
0x2c3: {  	v17 =	vld [tilespmem:$0x1FE70];
	v4 =	vadd.f32 v6, v4;
	v6 =	vmul.f32 v15, v47  }
0x2c4: {  	v63 =	vld [tilespmem:$0x1FD30]  }
0x2c5: {  	v5 =	vmul.f32 v37, v35;
	v34 =	vmul.f32 v52, v12;
	v52 =	vld [tilespmem:$0x1FDE0];
	v4 =	vadd.f32 v6, v4  }
0x2c6: {  	v15 =	vld [tilespmem:$0x1FE40]  }
0x2c7: {  	v4 =	vadd.f32 v5, v4;
	v5 =	vmul.f32 v14, v58;
	v14 =	vld [tilespmem:$0x1FE30]  }
0x2c8: {  	v8 =	vmul.f32 v8, v9;
	v12 =	vld [tilespmem:$0x1FDF0]  }
0x2c9: {  	v43 =	vld [tilespmem:s16+$0xC540]  }
0x2ca: {  	v48 =	vld [tilespmem:s16+$0xC550];
	v2 =	vadd.f32 v8, v2  }
0x2cb: {  	v57 =	vmul.f32 v30, v31;
	v50 =	vld [tilespmem:$0x1FDC0]  }
0x2cc: {  	v59 =	vmul.f32 v18, v19;
	v2 =	vadd.f32 v51, v2;
	v51 =	vld [tilespmem:$0x1FDD0];
	v14 =	vmul.f32 v15, v14  }
0x2cd: {  	v1 =	vmul.f32 v63, v62;
	v11 =	vmul.f32 v12, v52;
	v12 =	vld [tilespmem:s16+$0xC5A0]  }
0x2ce: {  	v3 =	vadd.f32 v57, v53;
	v5 =	vadd.f32 v14, v5;
	v14 =	vld [tilespmem:$0x1FE50]  }
0x2cf: {  	v0 =	vadd.f32 v59, v61;
	(xrf2) =	vadd.scan.msk.f32 $0xffff, v2;
	v2 =	vmul.f32 v56, v36;
	v55 =	vld [tilespmem:$0x1FE00];
	v1 =	vadd.f32 v10, v1  }
0x2d0: {  	v62 =	vld [tilespmem:$0x1FE60];
	(xrf2) =	vadd.scan.msk.f32 $0xffff, v3;
	v38 =	vadd.f32 v34, v33  }
0x2d1: {  	v46 =	vld [tilespmem:s16+$0x4550];
	v44 =	vadd.f32 v2, v1;
	(xrf2) =	vadd.scan.msk.f32 $0xffff, v0  }
0x2d2: {  	v63 =	vld [tilespmem:$0x1FE80];
	v9, _, _ =	vpop (xrf2);
	v1 =	vmul.f32 v51, v50;
	(xrf2) =	vadd.scan.msk.f32 $0xffff, v38  }
0x2d3: {  	v49, _, _ =	vpop (xrf2);
	v56 =	vld [tilespmem:s16+$0xC5B0];
	v0 =	vadd.f32 v45, v44;
	v12 =	vmul.f32 v12, v14  }
0x2d4: {  	v13, _, _ =	vpop (xrf2);
	v53 =	vld [tilespmem:s16+$0x45B0];
	v8 =	vmul.f32 v43, v55;
	v1 =	vadd.f32 v11, v1  }
0x2d5: {  	v54, _, _ =	vpop (xrf2);
	(xrf2) =	vadd.scan.msk.f32 $0xffff, v0;
	v5 =	vadd.f32 v12, v5;
	v12 =	vld [tilespmem:$0x1FE90]  }
0x2d6: {  	v59 =	vld [tilespmem:s16+$0xC5E0];
	v57, _, _ =	vpop (xrf2);
	v2 =	vmul.f32 v48, v46;
	v1 =	vadd.f32 v8, v1  }
0x2d7: {  	v16, _, _ =	vpop (xrf2);
	v15 =	vld [tilespmem:s16+$0x45E0]  }
0x2d8: {  	v60, _, _ =	vpop (xrf2);
	(xrf2) =	vadd.scan.msk.f32 $0xffff, v4;
	v1 =	vadd.f32 v2, v1;
	v2 =	vmul.f32 v17, v62;
	v17 =	vld [tilespmem:s16+$0xC5F0]  }
0x2d9: {  	v61, _, _ =	vpop (xrf2);
	v14 =	vld [tilespmem:s16+$0x45F0]  }
0x2da: {  	v6 =	vmul.f32 v56, v53;
	v18, _, _ =	vpop (xrf2);
	v11 =	vmul.f32 v12, v63  }
0x2db: {  	(xrf2) =	vadd.scan.msk.f32 $0xffff, v1;
	v12, _, _ =	vpop (xrf2)  }
0x2dc: {  	v33 =	vmul.f32 v59, v15;
	v32 =	vadd.f32 v6, v5;
	v34, _, _ =	vpop (xrf2);
	v2 =	vadd.f32 v11, v2  }
0x2dd: {  	v35 =	vbroadcast v12, $0xF;
	v6 =	vbroadcast v34, $0xF  }
0x2de: {  	v36 =	vbroadcast v18, $0xF;
	v37 =	vmul.f32 v17, v14;
	(xrf2) =	vadd.scan.msk.f32 $0xffff, v32;
	v2 =	vadd.f32 v33, v2  }
0x2df: {  	v4 =	vbroadcast v61, $0xF;
	v39, _, _ =	vpop (xrf2);
	v38 =	vsel vm0, v35, v6  }
0x2e0: {  	v6 =	vbroadcast v39, $0xF;
	v1 =	vsel vm1, v38, v36;
	v2 =	vadd.f32 v37, v2  }
0x2e1: {  	v40 =	vbroadcast v60, $0xF;
	v1 =	vsel vm2, v1, v4  }
0x2e2: {  	v41 =	vbroadcast v16, $0xF;
	v42, _, _ =	vpop (xrf2);
	v1 =	vsel vm3, v1, v6;
	(xrf2) =	vadd.scan.msk.f32 $0xffff, v2  }
0x2e3: {  	v43 =	vbroadcast v42, $0xF;
	v1 =	vsel vm4, v1, v40  }
0x2e4: {  	v0 =	vbroadcast v57, $0xF;
	v1 =	vsel vm5, v1, v41  }
0x2e5: {  	v44 =	vbroadcast v54, $0xF;
	v45, _, _ =	vpop (xrf2);
	v1 =	vsel vm6, v1, v43  }
0x2e6: {  	v46 =	vbroadcast v45, $0xF;
	v0 =	vsel vm7, v1, v0  }
0x2e7: {  	v47 =	vbroadcast v13, $0xF;
	v0 =	vsel vm8, v0, v44  }
0x2e8: {  	v48 =	vbroadcast v49, $0xF;
	v49, _, _ =	vpop (xrf2);
	v0 =	vsel vm9, v0, v46  }
0x2e9: {  	v50 =	vbroadcast v49, $0xF;
	v0 =	vsel vm10, v0, v47  }
0x2ea: {  	v51 =	vbroadcast v9, $0xF;
	v0 =	vsel vm11, v0, v48  }
0x2eb: {  	v0 =	vsel vm12, v0, v50  }
0x2ec: {  	v0 =	vsel vm13, v0, v51;
	v52, _, _ =	vpop (xrf2)  }
0x2ed: {  	s16 =	simm.s32 $0x10400;
	v0 =	vsel vm14, v0, v52  }
0x2ee: {  	s17 =	simm.s32 $0x200;
	[tilespmem:s16+$0x0] =	vst v0  }
0x2ef: {  	v6 =	vld [tilespmem:s17+$0x45D0]  }
0x2f0: {  	v9 =	vld [tilespmem:s17+$0xC5D0]  }
0x2f1: {  	v0 =	vld [tilespmem:s17+$0x5E0]  }
0x2f2: {  	v53 =	vld [tilespmem:s17+$0x85E0]  }
0x2f3: {  	v54 =	vld [tilespmem:s17+$0x5F0]  }
0x2f4: {  	v55 =	vld [tilespmem:s17+$0x85F0]  }
0x2f5: {  	v56 =	vld [tilespmem:s17+$0x45C0]  }
0x2f6: {  	v31 =	vld [tilespmem:s17+$0xC5C0]  }
0x2f7: {  	v11 =	vld [tilespmem:s17+$0x4590]  }
0x2f8: {  	v12 =	vld [tilespmem:s17+$0xC590]  }
0x2f9: {  	v57 =	vld [tilespmem:s17+$0x45A0]  }
0x2fa: {  	v26 =	vld [tilespmem:s17+$0x5C0]  }
0x2fb: {  	v32 =	vld [tilespmem:s17+$0x85C0]  }
0x2fc: {  	v33 =	vld [tilespmem:s17+$0x5D0]  }
0x2fd: {  	v35 =	vld [tilespmem:s17+$0x85D0]  }
0x2fe: {  	v14 =	vld [tilespmem:s17+$0x4570]  }
0x2ff: {  	v23 =	vld [tilespmem:s17+$0xC570]  }
0x300: {  	v58 =	vld [tilespmem:s17+$0x4580]  }
0x301: {  	v63 =	vld [tilespmem:s17+$0xC580]  }
0x302: {  	v59 =	vld [tilespmem:s17+$0x5A0]  }
0x303: {  	v60 =	vld [tilespmem:s17+$0x85A0]  }
0x304: {  	v61 =	vld [tilespmem:s17+$0x5B0]  }
0x305: {  	v62 =	vld [tilespmem:s17+$0x85B0]  }
0x306: {  	v36 =	vld [tilespmem:s17+$0x4560]  }
0x307: {  	v34 =	vld [tilespmem:s17+$0xC560]  }
0x308: {  	v43 =	vld [tilespmem:s17+$0x580]  }
0x309: {  	v44 =	vld [tilespmem:s17+$0x8580]  }
0x30a: {  	v45 =	vld [tilespmem:s17+$0x590]  }
0x30b: {  	v46 =	vld [tilespmem:s17+$0x8590]  }
0x30c: {  	v5 =	vld [tilespmem:s17+$0x4530]  }
0x30d: {  	v7 =	vld [tilespmem:s17+$0xC530]  }
0x30e: {  	v4 =	vld [tilespmem:s17+$0x4540]  }
0x30f: {  	v49 =	vld [tilespmem:s17+$0x560]  }
0x310: {  	v1 =	vld [tilespmem:s17+$0x8560]  }
0x311: {  	v2 =	vld [tilespmem:s17+$0x570]  }
0x312: {  	v52 =	vld [tilespmem:s17+$0x8570]  }
0x313: {  	v3 =	vld [tilespmem:s17+$0x4510]  }
0x314: {  	v8 =	vld [tilespmem:s17+$0x540]  }
0x315: {  	v10 =	vld [tilespmem:s17+$0x8540]  }
0x316: {  	v37 =	vld [tilespmem:s17+$0x550]  }
0x317: {  	v38 =	vld [tilespmem:s17+$0x8550]  }
0x318: {  	v50 =	vld [tilespmem:s17+$0x4500]  }
0x319: {  	v39 =	vld [tilespmem:s17+$0xC500]  }
0x31a: {  	v13 =	vld [tilespmem:s17+$0x44D0]  }
0x31b: {  	v20 =	vld [tilespmem:s17+$0xC4D0]  }
0x31c: {  	v40 =	vld [tilespmem:s17+$0x44E0]  }
0x31d: {  	v48 =	vld [tilespmem:s17+$0x8500]  }
0x31e: {  	v47 =	vld [tilespmem:s17+$0x8510]  }
0x31f: {  	v15 =	vld [tilespmem:s17+$0x4E0]  }
0x320: {  	v16 =	vld [tilespmem:s17+$0x84E0]  }
0x321: {  	v17 =	vld [tilespmem:s17+$0x4F0]  }
0x322: {  	v18 =	vld [tilespmem:s17+$0x84F0]  }
0x323: {  	v41 =	vld [tilespmem:s17+$0x44A0]  }
0x324: {  	v42 =	vld [tilespmem:s17+$0xC4A0]  }
0x325: {  	v22 =	vld [tilespmem:s17+$0x84C0]  }
0x326: {  	v21 =	vld [tilespmem:s17+$0x84D0]  }
0x327: {  	v29 =	vld [tilespmem:s17+$0x4470]  }
0x328: {  	v30 =	vld [tilespmem:s17+$0xC470]  }
0x329: {  	v19 =	vld [tilespmem:s17+$0x4480]  }
0x32a: {  	v27 =	vld [tilespmem:s17+$0x4450]  }
0x32b: {  	v28 =	vld [tilespmem:s17+$0xC450]  }
0x32c: {  	v51 =	vld [tilespmem:s17+$0x4460]  }
0x32d: {  	v24 =	vld [tilespmem:s17+$0x8480]  }
0x32e: {  	v25 =	vld [tilespmem:s17+$0x490]  }
0x32f: {  	[tilespmem:$0x1FF30] =	vst v4;
	v4 =	vld [tilespmem:s17+$0xC510]  }
0x330: {  	[tilespmem:$0x1FFA0] =	vst v58;
	v58 =	vld [tilespmem:s17+$0x4520]  }
0x331: {  	[tilespmem:$0x1FEE0] =	vst v57;
	v57 =	vld [tilespmem:s17+$0xC520]  }
0x332: {  	[tilespmem:$0x1FEF0] =	vst v59;
	v59 =	vld [tilespmem:s17+$0x520]  }
0x333: {  	[tilespmem:$0x1FF00] =	vst v60;
	v60 =	vld [tilespmem:s17+$0x8520]  }
0x334: {  	[tilespmem:$0x1FF10] =	vst v61;
	v61 =	vld [tilespmem:s17+$0x530]  }
0x335: {  	[tilespmem:$0x1FF20] =	vst v62;
	v62 =	vld [tilespmem:s17+$0x8530]  }
0x336: {  	[tilespmem:$0x1FEC0] =	vst v54;
	v54 =	vld [tilespmem:s17+$0x500]  }
0x337: {  	[tilespmem:$0x1FEB0] =	vst v53;
	v53 =	vld [tilespmem:s17+$0x510]  }
0x338: {  	[tilespmem:$0x1FF40] =	vst v8;
	v8 =	vld [tilespmem:s17+$0x44B0]  }
0x339: {  	[tilespmem:$0x1FF50] =	vst v10;
	v10 =	vld [tilespmem:s17+$0xC4B0]  }
0x33a: {  	[tilespmem:$0x1FF90] =	vst v56;
	v56 =	vld [tilespmem:s17+$0x44C0]  }
0x33b: {  	[tilespmem:$0x1FED0] =	vst v55;
	v55 =	vld [tilespmem:s17+$0xC4C0]  }
0x33c: {  	[tilespmem:$0x1FF70] =	vst v38;
	v38 =	vld [tilespmem:s17+$0x4C0]  }
0x33d: {  	[tilespmem:$0x1FF60] =	vst v37;
	v37 =	vld [tilespmem:s17+$0x4D0]  }
0x33e: {  	[tilespmem:$0x1FFD0] =	vst v42;
	v42 =	vld [tilespmem:s17+$0x4A0]  }
0x33f: {  	[tilespmem:$0x1FF80] =	vst v40;
	v40 =	vld [tilespmem:s17+$0x84A0]  }
0x340: {  	[tilespmem:$0x1FFC0] =	vst v41;
	v41 =	vld [tilespmem:s17+$0x4B0]  }
0x341: {  	[tilespmem:$0x1FFB0] =	vst v39;
	v39 =	vld [tilespmem:s17+$0x84B0]  }
0x342: {  	[tilespmem:$0x1FFE0] =	vst v51;
	v51 =	vld [tilespmem:s17+$0xC460]  }
0x343: {  	v32 =	vmul.f32 v32, v26;
	v26 =	vld [tilespmem:s17+$0x8490];
	v43 =	vmul.f32 v44, v43  }
0x344: {  	v44 =	vmul.f32 v46, v45;
	v45 =	vmul.f32 v1, v49;
	v49 =	vld [tilespmem:s17+$0x470]  }
0x345: {  	v1 =	vld [tilespmem:s17+$0x440]  }
0x346: {  	v33 =	vmul.f32 v35, v33;
	v35 =	vld [tilespmem:$0x1FF90]  }
0x347: {  	v46 =	vmul.f32 v52, v2;
	v52 =	vld [tilespmem:$0x1FFA0]  }
0x348: {  	v5 =	vmul.f32 v7, v5;
	v7 =	vld [tilespmem:$0x1FFB0]  }
0x349: {  	[tilespmem:$0x1FEA0] =	vst v0;
	v0 =	vadd.f32 v33, v32;
	v32 =	vld [tilespmem:s17+$0xC410]  }
0x34a: {  	v33 =	vld [tilespmem:s17+$0x4440]  }
0x34b: {  	v45 =	vadd.f32 v46, v45;
	v46 =	vld [tilespmem:s17+$0x460]  }
0x34c: {  	v43 =	vadd.f32 v44, v43;
	v44 =	vld [tilespmem:s17+$0x8460]  }
0x34d: {  	v6 =	vmul.f32 v9, v6;
	v34 =	vmul.f32 v34, v36;
	[tilespmem:$0x1FFF0] =	vst v51;
	v51 =	vld [tilespmem:s17+$0x480]  }
0x34e: {  	v21 =	vmul.f32 v21, v37;
	v37 =	vld [tilespmem:s17+$0x8400];
	v35 =	vmul.f32 v31, v35  }
0x34f: {  	v22 =	vmul.f32 v22, v38;
	v38 =	vld [tilespmem:s17+$0x400];
	v2 =	vmul.f32 v63, v52  }
0x350: {  	v11 =	vmul.f32 v12, v11;
	v39 =	vmul.f32 v39, v41;
	v41 =	vld [tilespmem:s17+$0x8410];
	v0 =	vadd.f32 v35, v0  }
0x351: {  	v34 =	vadd.f32 v34, v45;
	v40 =	vmul.f32 v40, v42;
	v31 =	vld [tilespmem:s17+$0x4410];
	v9 =	vadd.f32 v2, v43  }
0x352: {  	v52 =	vmul.f32 v23, v14;
	v63 =	vmul.f32 v57, v58;
	v57 =	vld [tilespmem:$0x1FFC0];
	v0 =	vadd.f32 v6, v0  }
0x353: {  	v58 =	vld [tilespmem:$0x1FFD0];
	v36 =	vadd.f32 v11, v9  }
0x354: {  	v40 =	vadd.f32 v39, v40;
	v39 =	vld [tilespmem:s17+$0x410];
	v45 =	vadd.f32 v52, v34;
	(xrf2) =	vadd.scan.msk.f32 $0xffff, v0  }
0x355: {  	v60 =	vmul.f32 v60, v59;
	v62 =	vmul.f32 v62, v61;
	v35 =	vld [tilespmem:s17+$0xC440];
	(xrf2) =	vadd.scan.msk.f32 $0xffff, v36  }
0x356: {  	v48 =	vmul.f32 v48, v54;
	v47 =	vmul.f32 v47, v53;
	v43 =	vld [tilespmem:s17+$0x8470];
	(xrf2) =	vadd.scan.msk.f32 $0xffff, v45  }
0x357: {  	v21 =	vadd.f32 v21, v22;
	v52 =	vld [tilespmem:s17+$0x8440]  }
0x358: {  	v22 =	vmul.f32 v55, v56;
	v6 =	vadd.f32 v47, v48;
	v48 =	vld [tilespmem:s17+$0x450];
	v0 =	vadd.f32 v62, v60  }
0x359: {  	v9 =	vmul.f32 v7, v50;
	v11 =	vld [tilespmem:s17+$0x8450]  }
0x35a: {  	v21 =	vadd.f32 v22, v21;
	v22 =	vmul.f32 v20, v13;
	v62 =	vld [tilespmem:$0x1FFE0];
	v0 =	vadd.f32 v63, v0  }
0x35b: {  	v56 =	vmul.f32 v4, v3;
	v55 =	vadd.f32 v9, v6;
	v63 =	vld [tilespmem:$0x1FFF0]  }
0x35c: {  	v34 =	vld [tilespmem:s17+$0x4400];
	v59 =	vmul.f32 v58, v57;
	v22 =	vadd.f32 v22, v21;
	v0 =	vadd.f32 v5, v0  }
0x35d: {  	v44 =	vmul.f32 v44, v46;
	v36 =	vld [tilespmem:s17+$0xC400];
	v43 =	vmul.f32 v43, v49;
	v42 =	vadd.f32 v56, v55  }
0x35e: {  	v61 =	vmul.f32 v10, v8;
	v60 =	vadd.f32 v59, v40;
	v40 =	vld [tilespmem:s17+$0x420];
	(xrf2) =	vadd.scan.msk.f32 $0xffff, v0;
	v54, _, _ =	vpop (xrf2)  }
0x35f: {  	v47 =	vmul.f32 v52, v1;
	v45 =	vadd.f32 v43, v44;
	v43 =	vld [tilespmem:s17+$0x430];
	(xrf2) =	vadd.scan.msk.f32 $0xffff, v42;
	v21, _, _ =	vpop (xrf2)  }
0x360: {  	s18 =	simm.s32 $0x1000;
	v48 =	vmul.f32 v11, v48;
	v44 =	vadd.f32 v61, v60;
	v46 =	vmul.f32 v63, v62;
	v42 =	vld [tilespmem:s17+$0x8420];
	(xrf2) =	vadd.scan.msk.f32 $0xffff, v22;
	v22, _, _ =	vpop (xrf2)  }
.LBB2_4:
0x361: {  	v49 =	vld [tilespmem:s17+$0x8430]  }
0x362: {  	v10 =	vld [tilespmem:s17+$0xC420]  }
0x363: {  	v11 =	vld [tilespmem:s17+$0x4430]  }
0x364: {  	v50 =	vld [tilespmem:s17+$0xC490]  }
0x365: {  	v15 =	vmul.f32 v16, v15;
	v16 =	vmul.f32 v18, v17;
	v17 =	vld [tilespmem:s17+$0xC540]  }
0x366: {  	v52 =	vld [tilespmem:$0x1FF40]  }
0x367: {  	v1 =	vld [tilespmem:$0x1FF50]  }
0x368: {  	v53 =	vld [tilespmem:$0x1FF60]  }
0x369: {  	v55 =	vld [tilespmem:$0x1FF70]  }
0x36a: {  	v12 =	vld [tilespmem:s17+$0xC5A0]  }
0x36b: {  	v56 =	vld [tilespmem:$0x1FF30]  }
0x36c: {  	v57 =	vld [tilespmem:s17+$0xC5B0]  }
0x36d: {  	v58 =	vld [tilespmem:$0x1FEF0]  }
0x36e: {  	v59 =	vld [tilespmem:$0x1FF00]  }
0x36f: {  	v60 =	vld [tilespmem:$0x1FF10]  }
0x370: {  	v61 =	vld [tilespmem:$0x1FF20]  }
0x371: {  	v62 =	vld [tilespmem:$0x1FEE0];
	v45 =	vadd.f32 v46, v45;
	v0 =	vmul.f32 v30, v29;
	v33 =	vmul.f32 v35, v33  }
0x372: {  	v7 =	vadd.f32 v48, v47;
	v30 =	vld [tilespmem:s17+$0x4420];
	v8 =	vmul.f32 v37, v38;
	v9 =	vmul.f32 v41, v39  }
0x373: {  	(xrf2) =	vadd.scan.msk.f32 $0xffff, v44;
	v47 =	vld [tilespmem:s17+$0xC480];
	v15 =	vadd.f32 v16, v15;
	v27 =	vmul.f32 v28, v27;
	v34 =	vmul.f32 v36, v34  }
0x374: {  	v44 =	vld [tilespmem:s17+$0xC430];
	v31 =	vmul.f32 v32, v31;
	v0 =	vadd.f32 v0, v45;
	v33 =	vadd.f32 v33, v7  }
0x375: {  	v48 =	vld [tilespmem:s17+$0x4490];
	v46 =	vmul.f32 v49, v43;
	v28 =	vadd.f32 v9, v8;
	v45 =	vmul.f32 v42, v40  }
0x376: {  	v16 =	vld [tilespmem:s17+$0xC550];
	v23 =	vmul.f32 v24, v51;
	v24 =	vmul.f32 v26, v25;
	v29, _, _ =	vpop (xrf2);
	(xrf2) =	vadd.scan.msk.f32 $0xffff, v0;
	v27 =	vadd.f32 v27, v33  }
0x377: {  	v25 =	vld [tilespmem:s17+$0xC4E0];
	v28 =	vadd.f32 v34, v28;
	v49 =	vadd.f32 v46, v45;
	v30 =	vmul.f32 v10, v30  }
0x378: {  	v51 =	vld [tilespmem:$0x1FF80];
	v23 =	vadd.f32 v24, v23;
	v20 =	vmul.f32 v47, v19  }
0x379: {  	v24 =	vld [tilespmem:s17+$0xC4F0];
	v39, _, _ =	vpop (xrf2);
	(xrf2) =	vadd.scan.msk.f32 $0xffff, v27;
	v27 =	vadd.f32 v31, v28;
	v28 =	vadd.f32 v30, v49;
	v30 =	vmul.f32 v44, v11  }
0x37a: {  	v31 =	vld [tilespmem:s17+$0x44F0]  }
0x37b: {  	v32 =	vld [tilespmem:$0x1FEB0];
	v20 =	vadd.f32 v20, v23;
	v23 =	vmul.f32 v50, v48;
	v26, _, _ =	vpop (xrf2);
	(xrf2) =	vadd.scan.msk.f32 $0xffff, v27;
	v27 =	vadd.f32 v30, v28  }
0x37c: {  	v35 =	vld [tilespmem:$0x1FEC0];
	v10 =	vmul.f32 v1, v52;
	v11 =	vmul.f32 v55, v53  }
0x37d: {  	v14 =	vmul.f32 v25, v51;
	v18, _, _ =	vpop (xrf2);
	v28 =	vld [tilespmem:s17+$0x4550];
	(xrf2) =	vadd.scan.msk.f32 $0xffff, v27  }
0x37e: {  	v36 =	vld [tilespmem:$0x1FED0];
	v9 =	vmul.f32 v17, v56;
	v20 =	vadd.f32 v23, v20;
	v10 =	vadd.f32 v11, v10  }
0x37f: {  	v23 =	vld [tilespmem:s17+$0x45B0];
	v14 =	vadd.f32 v14, v15;
	v15 =	vmul.f32 v24, v31  }
0x380: {  	v9 =	vadd.f32 v9, v10;
	v10 =	vld [tilespmem:$0x1FEA0];
	v13, _, _ =	vpop (xrf2);
	(xrf2) =	vadd.scan.msk.f32 $0xffff, v20  }
0x381: {  	v5 =	vmul.f32 v59, v58;
	v6 =	vmul.f32 v61, v60;
	v7 =	vld [tilespmem:s17+$0x45E0];
	v14 =	vadd.f32 v15, v14  }
0x382: {  	v15 =	vld [tilespmem:s17+$0xC5E0];
	v16 =	vmul.f32 v16, v28  }
0x383: {  	v63 =	vld [tilespmem:s17+$0x45F0];
	v4 =	vmul.f32 v12, v62;
	v5 =	vadd.f32 v6, v5;
	v8, _, _ =	vpop (xrf2);
	(xrf2) =	vadd.scan.msk.f32 $0xffff, v14  }
0x384: {  	v3 =	vld [tilespmem:s17+$0xC5F0];
	v0 =	vmul.f32 v36, v35;
	v9 =	vadd.f32 v16, v9  }
0x385: {  	v12 =	vadd.f32 v4, v5;
	v34 =	vmul.f32 v57, v23;
	v2 =	vmul.f32 v32, v10  }
0x386: {  	v33, _, _ =	vpop (xrf2);
	(xrf2) =	vadd.scan.msk.f32 $0xffff, v9  }
0x387: {  	v37 =	vadd.f32 v34, v12;
	v0 =	vadd.f32 v0, v2;
	v38 =	vmul.f32 v15, v7;
	v40, _, _ =	vpop (xrf2)  }
0x388: {  	v41 =	vbroadcast v33, $0xF;
	v42 =	vbroadcast v40, $0xF  }
0x389: {  	v44 =	vmul.f32 v3, v63;
	v43 =	vbroadcast v8, $0xF;
	v0 =	vadd.f32 v38, v0;
	(xrf2) =	vadd.scan.msk.f32 $0xffff, v37  }
0x38a: {  	v46 =	vbroadcast v13, $0xF;
	v45 =	vsel vm0, v41, v42;
	v47, _, _ =	vpop (xrf2)  }
0x38b: {  	v0 =	vadd.f32 v44, v0;
	v1 =	vsel vm1, v45, v43;
	v48 =	vbroadcast v47, $0xF  }
0x38c: {  	v49 =	vbroadcast v18, $0xF;
	v1 =	vsel vm2, v1, v46  }
0x38d: {  	v50 =	vbroadcast v26, $0xF;
	v51, _, _ =	vpop (xrf2);
	(xrf2) =	vadd.scan.msk.f32 $0xffff, v0;
	v1 =	vsel vm3, v1, v48  }
0x38e: {  	v53 =	vbroadcast v51, $0xF;
	v52 =	vsel vm4, v1, v49  }
0x38f: {  	v55 =	vbroadcast v39, $0xF;
	v0 =	vsel vm5, v52, v50  }
0x390: {  	v56 =	vbroadcast v29, $0xF;
	v57, _, _ =	vpop (xrf2);
	v0 =	vsel vm6, v0, v53  }
0x391: {  	v58 =	vbroadcast v57, $0xF;
	v0 =	vsel vm7, v0, v55  }
0x392: {  	v59 =	vbroadcast v22, $0xF;
	v0 =	vsel vm8, v0, v56  }
0x393: {  	v60 =	vbroadcast v21, $0xF;
	v61, _, _ =	vpop (xrf2);
	v0 =	vsel vm9, v0, v58  }
0x394: {  	v3 =	vbroadcast v61, $0xF;
	v0 =	vsel vm10, v0, v59  }
0x395: {  	v62 =	vbroadcast v54, $0xF;
	v0 =	vsel vm11, v0, v60  }
0x396: {  	v0 =	vsel vm12, v0, v3  }
0x397: {  	v63, _, _ =	vpop (xrf2);
	v0 =	vsel vm13, v0, v62  }
0x398: {  	s16 =	sadd.s32 $0x10, s16;
	v0 =	vsel vm14, v0, v63  }
0x399: {  	s17 =	sshra.s32 s18, $0x2;
	[tilespmem:s16+$0x0] =	vst v0  }
0x39a: {  	v0 =	vld [tilespmem:s17+$0x45D0]  }
0x39b: {  	v21 =	vld [tilespmem:s17+$0xC5D0]  }
0x39c: {  	v4 =	vld [tilespmem:s17+$0x5E0]  }
0x39d: {  	v5 =	vld [tilespmem:s17+$0x85E0]  }
0x39e: {  	v6 =	vld [tilespmem:s17+$0x5F0]  }
0x39f: {  	v7 =	vld [tilespmem:s17+$0x85F0]  }
0x3a0: {  	v26 =	vld [tilespmem:s17+$0x45C0]  }
0x3a1: {  	v31 =	vld [tilespmem:s17+$0xC5C0]  }
0x3a2: {  	v34 =	vld [tilespmem:s17+$0x4590]  }
0x3a3: {  	v37 =	vld [tilespmem:s17+$0xC590]  }
0x3a4: {  	v8 =	vld [tilespmem:s17+$0x45A0]  }
0x3a5: {  	v24 =	vld [tilespmem:s17+$0x5C0]  }
0x3a6: {  	v25 =	vld [tilespmem:s17+$0x85C0]  }
0x3a7: {  	v32 =	vld [tilespmem:s17+$0x5D0]  }
0x3a8: {  	v48 =	vld [tilespmem:s17+$0x85D0]  }
0x3a9: {  	v9 =	vld [tilespmem:s17+$0x4570]  }
0x3aa: {  	v22 =	vld [tilespmem:s17+$0xC570]  }
0x3ab: {  	v33 =	vld [tilespmem:s17+$0x4580]  }
0x3ac: {  	v35 =	vld [tilespmem:s17+$0xC580]  }
0x3ad: {  	v10 =	vld [tilespmem:s17+$0x5A0]  }
0x3ae: {  	v11 =	vld [tilespmem:s17+$0x85A0]  }
0x3af: {  	v36 =	vld [tilespmem:s17+$0x5B0]  }
0x3b0: {  	v38 =	vld [tilespmem:s17+$0x85B0]  }
0x3b1: {  	v43 =	vld [tilespmem:s17+$0x4560]  }
0x3b2: {  	v46 =	vld [tilespmem:s17+$0xC560]  }
0x3b3: {  	v53 =	vld [tilespmem:s17+$0x580]  }
0x3b4: {  	v54 =	vld [tilespmem:s17+$0x8580]  }
0x3b5: {  	v55 =	vld [tilespmem:s17+$0x590]  }
0x3b6: {  	v56 =	vld [tilespmem:s17+$0x8590]  }
0x3b7: {  	v39 =	vld [tilespmem:s17+$0x4530]  }
0x3b8: {  	v41 =	vld [tilespmem:s17+$0xC530]  }
0x3b9: {  	v40 =	vld [tilespmem:s17+$0x4540]  }
0x3ba: {  	v57 =	vld [tilespmem:s17+$0x560]  }
0x3bb: {  	v58 =	vld [tilespmem:s17+$0x8560]  }
0x3bc: {  	v59 =	vld [tilespmem:s17+$0x570]  }
0x3bd: {  	v60 =	vld [tilespmem:s17+$0x8570]  }
0x3be: {  	v42 =	vld [tilespmem:s17+$0x4510]  }
0x3bf: {  	v44 =	vld [tilespmem:s17+$0xC510]  }
0x3c0: {  	v52 =	vld [tilespmem:s17+$0xC520]  }
0x3c1: {  	v45 =	vld [tilespmem:s17+$0x540]  }
0x3c2: {  	v47 =	vld [tilespmem:s17+$0x8540]  }
0x3c3: {  	v49 =	vld [tilespmem:s17+$0x550]  }
0x3c4: {  	v50 =	vld [tilespmem:s17+$0x8550]  }
0x3c5: {  	v61 =	vld [tilespmem:s17+$0x520]  }
0x3c6: {  	v62 =	vld [tilespmem:s17+$0x8520]  }
0x3c7: {  	v63 =	vld [tilespmem:s17+$0x530]  }
0x3c8: {  	v51 =	vld [tilespmem:s17+$0x44E0]  }
0x3c9: {  	v1 =	vld [tilespmem:s17+$0x500]  }
0x3ca: {  	v2 =	vld [tilespmem:s17+$0x8500]  }
0x3cb: {  	v3 =	vld [tilespmem:s17+$0x510]  }
0x3cc: {  	v23 =	vld [tilespmem:s17+$0x84E0]  }
0x3cd: {  	v12 =	vld [tilespmem:s17+$0x84D0]  }
0x3ce: {  	v29 =	vld [tilespmem:s17+$0x4470]  }
0x3cf: {  	v30 =	vld [tilespmem:s17+$0xC470]  }
0x3d0: {  	v19 =	vld [tilespmem:s17+$0x4480]  }
0x3d1: {  	v13 =	vld [tilespmem:s17+$0x4A0]  }
0x3d2: {  	v14 =	vld [tilespmem:s17+$0x84A0]  }
0x3d3: {  	v15 =	vld [tilespmem:s17+$0x4B0]  }
0x3d4: {  	v16 =	vld [tilespmem:s17+$0x84B0]  }
0x3d5: {  	v27 =	vld [tilespmem:s17+$0x4450]  }
0x3d6: {  	v28 =	vld [tilespmem:s17+$0xC450]  }
0x3d7: {  	v17 =	vld [tilespmem:s17+$0x4460]  }
0x3d8: {  	v18 =	vld [tilespmem:s17+$0xC460]  }
0x3d9: {  	[tilespmem:$0x1FF10] =	vst v36;
	v36 =	vld [tilespmem:s17+$0x4520]  }
0x3da: {  	[tilespmem:$0x1FF60] =	vst v49;
	v49 =	vld [tilespmem:s17+$0x4500]  }
0x3db: {  	[tilespmem:$0x1FF20] =	vst v38;
	v38 =	vld [tilespmem:s17+$0xC500]  }
0x3dc: {  	[tilespmem:$0x1FCB0] =	vst v0;
	v0 =	vld [tilespmem:s17+$0x8530]  }
0x3dd: {  	[tilespmem:$0x1FF30] =	vst v40;
	v40 =	vld [tilespmem:s17+$0x44D0]  }
0x3de: {  	[tilespmem:$0x1FCD0] =	vst v39;
	v39 =	vld [tilespmem:s17+$0xC4D0]  }
0x3df: {  	[tilespmem:$0x1FEA0] =	vst v4;
	v4 =	vld [tilespmem:s17+$0x8510]  }
0x3e0: {  	[tilespmem:$0x1FCE0] =	vst v42;
	v42 =	vld [tilespmem:s17+$0x44B0]  }
0x3e1: {  	[tilespmem:$0x1FF40] =	vst v45;
	v45 =	vld [tilespmem:s17+$0xC4B0]  }
0x3e2: {  	[tilespmem:$0x1FEB0] =	vst v5;
	v5 =	vld [tilespmem:s17+$0x44C0]  }
0x3e3: {  	[tilespmem:$0x1FEC0] =	vst v6;
	v6 =	vld [tilespmem:s17+$0xC4C0]  }
0x3e4: {  	[tilespmem:$0x1FF70] =	vst v50;
	v50 =	vld [tilespmem:s17+$0x4E0]  }
0x3e5: {  	[tilespmem:$0x1FF50] =	vst v47;
	v47 =	vld [tilespmem:s17+$0x4F0]  }
0x3e6: {  	[tilespmem:$0x1FCF0] =	vst v44;
	v44 =	vld [tilespmem:s17+$0x84F0]  }
0x3e7: {  	[tilespmem:$0x1FED0] =	vst v7;
	v7 =	vld [tilespmem:s17+$0x44A0]  }
0x3e8: {  	[tilespmem:$0x1FEE0] =	vst v8;
	v8 =	vld [tilespmem:s17+$0xC4A0]  }
0x3e9: {  	[tilespmem:$0x1FCC0] =	vst v9;
	v9 =	vld [tilespmem:s17+$0x4C0]  }
0x3ea: {  	[tilespmem:$0x1FEF0] =	vst v10;
	v10 =	vld [tilespmem:s17+$0x84C0]  }
0x3eb: {  	[tilespmem:$0x1FF00] =	vst v11;
	v11 =	vld [tilespmem:s17+$0x4D0]  }
0x3ec: {  	[tilespmem:$0x1FF80] =	vst v51;
	v51 =	vld [tilespmem:s17+$0x480]  }
0x3ed: {  	v20 =	vmul.f32 v25, v24;
	v24 =	vld [tilespmem:s17+$0x8480]  }
0x3ee: {  	v32 =	vmul.f32 v48, v32;
	v25 =	vld [tilespmem:s17+$0x490]  }
0x3ef: {  	v48 =	vmul.f32 v54, v53;
	v53 =	vmul.f32 v56, v55;
	v56 =	vld [tilespmem:$0x1FCB0]  }
0x3f0: {  	v60 =	vmul.f32 v60, v59;
	v59 =	vld [tilespmem:$0x1FCC0]  }
0x3f1: {  	v43 =	vmul.f32 v46, v43;
	v46 =	vld [tilespmem:$0x1FCF0]  }
0x3f2: {  	v20 =	vadd.f32 v32, v20;
	v32 =	vmul.f32 v31, v26;
	v26 =	vld [tilespmem:s17+$0x8490]  }
0x3f3: {  	v58 =	vmul.f32 v58, v57;
	v31 =	vld [tilespmem:s17+$0x4410]  }
0x3f4: {  	v48 =	vadd.f32 v53, v48;
	v53 =	vmul.f32 v35, v33;
	v33 =	vld [tilespmem:s17+$0x4440]  }
0x3f5: {  	v35 =	vld [tilespmem:s17+$0xC440];
	v57 =	vadd.f32 v60, v58  }
0x3f6: {  	v20 =	vadd.f32 v32, v20;
	v32 =	vld [tilespmem:s17+$0xC410]  }
0x3f7: {  	v34 =	vmul.f32 v37, v34;
	v37 =	vadd.f32 v43, v57;
	v43 =	vld [tilespmem:s17+$0x8470]  }
0x3f8: {  	v60 =	vmul.f32 v52, v36;
	v36 =	vld [tilespmem:s17+$0xC400];
	v21 =	vmul.f32 v21, v56  }
0x3f9: {  	v58 =	vmul.f32 v62, v61;
	v0 =	vmul.f32 v0, v63;
	v63 =	vld [tilespmem:$0x1FCD0]  }
0x3fa: {  	v61 =	vmul.f32 v4, v3;
	v3 =	vld [tilespmem:s17+$0x8440];
	v20 =	vadd.f32 v21, v20;
	v21 =	vadd.f32 v53, v48  }
0x3fb: {  	v22 =	vmul.f32 v22, v59;
	v59 =	vmul.f32 v39, v40;
	v39 =	vld [tilespmem:s17+$0x410]  }
0x3fc: {  	v40 =	vld [tilespmem:s17+$0x420];
	v21 =	vadd.f32 v34, v21  }
0x3fd: {  	v48 =	vld [tilespmem:s17+$0x460];
	v62 =	vadd.f32 v22, v37;
	(xrf2) =	vadd.scan.msk.f32 $0xffff, v20  }
0x3fe: {  	v53 =	vld [tilespmem:s17+$0x470];
	(xrf2) =	vadd.scan.msk.f32 $0xffff, v21  }
0x3ff: {  	v0 =	vadd.f32 v0, v58;
	v4 =	vmul.f32 v41, v63;
	v41 =	vld [tilespmem:$0x1FCE0];
	(xrf2) =	vadd.scan.msk.f32 $0xffff, v62  }
0x400: {  	v1 =	vmul.f32 v2, v1;
	v9 =	vmul.f32 v10, v9;
	v22 =	vld [tilespmem:s17+$0x440]  }
0x401: {  	v37 =	vmul.f32 v38, v49;
	v38 =	vmul.f32 v12, v11;
	v0 =	vadd.f32 v60, v0;
	v20 =	vld [tilespmem:s17+$0x8460]  }
0x402: {  	v57 =	vmul.f32 v16, v15;
	v5 =	vmul.f32 v6, v5;
	v1 =	vadd.f32 v61, v1;
	v11 =	vld [tilespmem:s17+$0x8450]  }
0x403: {  	v49 =	vmul.f32 v14, v13;
	v34 =	vld [tilespmem:s17+$0x4400];
	v9 =	vadd.f32 v38, v9;
	v0 =	vadd.f32 v4, v0  }
0x404: {  	p0 =	sne.s32 s18, $0xF800;
	v16 =	vmovc v23;
	v60 =	vmul.f32 v8, v7;
	v1 =	vadd.f32 v37, v1;
	v4 =	vld [tilespmem:s17+$0x450];
	v2 =	vmul.f32 v46, v41  }
.Ltmp1:
0x405: {  	v37 =	vld [tilespmem:s17+$0x8400];
	v63 =	vmul.f32 v45, v42;
	v58 =	vadd.f32 v5, v9;
	(xrf2) =	vadd.scan.msk.f32 $0xffff, v0;
	v0 =	vadd.f32 v57, v49;
	(pc) =	sbr.rel @p0 .LBB2_4-.Ltmp1, $4  }
0x406: {  	v15 =	vmovc v50;
	v38 =	vld [tilespmem:s17+$0x400];
	v62 =	vmul.f32 v43, v53;
	v61 =	vmul.f32 v20, v48;
	v1 =	vadd.f32 v2, v1  }
0x407: {  	v42 =	vld [tilespmem:s17+$0x8420];
	v46 =	vmul.f32 v18, v17;
	v0 =	vadd.f32 v60, v0;
	v2 =	vadd.f32 v59, v58;
	v54, _, _ =	vpop (xrf2)  }
0x408: {  	v43 =	vld [tilespmem:s17+$0x430];
	v18 =	vmov v44;
	v17 =	vmov v47;
	v47 =	vmul.f32 v3, v22;
	(xrf2) =	vadd.scan.msk.f32 $0xffff, v1;
	v21, _, _ =	vpop (xrf2)  }
0x409: {  	s18 =	sadd.s32 $0x800, s18;
	v41 =	vld [tilespmem:s17+$0x8410];
	v45 =	vadd.f32 v62, v61;
	v48 =	vmul.f32 v11, v4;
	v44 =	vadd.f32 v63, v0;
	(xrf2) =	vadd.scan.msk.f32 $0xffff, v2;
	v22, _, _ =	vpop (xrf2)  }
0x40a: {  	v0 =	vld [tilespmem:s17+$0x8430]  }
0x40b: {  	v1 =	vld [tilespmem:s17+$0x4420]  }
0x40c: {  	v4 =	vld [tilespmem:s17+$0xC420]  }
0x40d: {  	v7 =	vld [tilespmem:s17+$0x4430]  }
0x40e: {  	v6 =	vmul.f32 v35, v33;
	v33 =	vld [tilespmem:s17+$0xC430]  }
0x40f: {  	v10 =	vld [tilespmem:s17+$0xC480]  }
0x410: {  	v12 =	vld [tilespmem:s17+$0x4490]  }
0x411: {  	v14 =	vld [tilespmem:s17+$0xC4E0]  }
0x412: {  	v50 =	vld [tilespmem:s17+$0xC540]  }
0x413: {  	v52 =	vld [tilespmem:s17+$0x4550]  }
0x414: {  	v53 =	vld [tilespmem:$0x1FF80]  }
0x415: {  	v55 =	vld [tilespmem:s17+$0xC550]  }
0x416: {  	v57 =	vld [tilespmem:$0x1FF40]  }
0x417: {  	v58 =	vld [tilespmem:$0x1FF50]  }
0x418: {  	v59 =	vld [tilespmem:$0x1FF60]  }
0x419: {  	v60 =	vld [tilespmem:$0x1FF70]  }
0x41a: {  	v61 =	vld [tilespmem:s17+$0xC5A0]  }
0x41b: {  	v3 =	vmul.f32 v30, v29;
	v11 =	vmul.f32 v28, v27;
	v62 =	vld [tilespmem:s17+$0x45B0]  }
0x41c: {  	v13 =	vmul.f32 v32, v31;
	v49 =	vmul.f32 v18, v17;
	v17 =	vld [tilespmem:$0x1FF30]  }
0x41d: {  	v18 =	vld [tilespmem:s17+$0xC5B0];
	v2 =	vadd.f32 v46, v45;
	v8 =	vmul.f32 v37, v38;
	v9 =	vmul.f32 v41, v39  }
0x41e: {  	v20 =	vld [tilespmem:$0x1FEF0];
	v5 =	vadd.f32 v48, v47;
	v35 =	vmul.f32 v42, v40;
	v0 =	vmul.f32 v0, v43  }
0x41f: {  	v23 =	vld [tilespmem:$0x1FF00];
	v37 =	vmul.f32 v36, v34;
	v40 =	vmul.f32 v24, v51;
	v8 =	vadd.f32 v9, v8  }
0x420: {  	v38 =	vld [tilespmem:s17+$0xC490];
	v5 =	vadd.f32 v6, v5;
	v1 =	vmul.f32 v4, v1;
	v0 =	vadd.f32 v0, v35  }
0x421: {  	v31 =	vld [tilespmem:$0x1FEE0];
	v2 =	vadd.f32 v3, v2;
	v41 =	vmul.f32 v26, v25;
	v39 =	vadd.f32 v37, v8  }
0x422: {  	(xrf2) =	vadd.scan.msk.f32 $0xffff, v44;
	v47 =	vld [tilespmem:s17+$0xC4F0];
	v5 =	vadd.f32 v11, v5;
	v42 =	vmul.f32 v33, v7;
	v0 =	vadd.f32 v1, v0  }
0x423: {  	v43 =	vld [tilespmem:s17+$0x44F0];
	(xrf2) =	vadd.scan.msk.f32 $0xffff, v2;
	v46 =	vmul.f32 v10, v19;
	v45 =	vadd.f32 v41, v40;
	v44 =	vadd.f32 v13, v39  }
0x424: {  	v48 =	vmul.f32 v16, v15;
	v24 =	vld [tilespmem:$0x1FF10];
	(xrf2) =	vadd.scan.msk.f32 $0xffff, v5;
	v0 =	vadd.f32 v42, v0  }
0x425: {  	v25 =	vld [tilespmem:$0x1FF20];
	v4 =	vmul.f32 v38, v12;
	v51 =	vadd.f32 v46, v45;
	(xrf2) =	vadd.scan.msk.f32 $0xffff, v44  }
0x426: {  	v34 =	vld [tilespmem:$0x1FEA0];
	v5 =	vmul.f32 v14, v53;
	v1 =	vadd.f32 v49, v48;
	(xrf2) =	vadd.scan.msk.f32 $0xffff, v0  }
0x427: {  	v2 =	vmul.f32 v58, v57;
	v38 =	vld [tilespmem:$0x1FEC0];
	v56 =	vadd.f32 v4, v51;
	v4 =	vmul.f32 v60, v59  }
0x428: {  	v35 =	vld [tilespmem:$0x1FEB0];
	v3 =	vmul.f32 v47, v43;
	v1 =	vadd.f32 v5, v1  }
0x429: {  	v63, _, _ =	vpop (xrf2);
	v39 =	vld [tilespmem:$0x1FED0];
	v2 =	vadd.f32 v4, v2;
	v4 =	vmul.f32 v50, v17;
	(xrf2) =	vadd.scan.msk.f32 $0xffff, v56  }
0x42a: {  	v29 =	vld [tilespmem:s17+$0xC5E0];
	v19, _, _ =	vpop (xrf2);
	v11 =	vmul.f32 v25, v24;
	v1 =	vadd.f32 v3, v1;
	v3 =	vmul.f32 v23, v20  }
0x42b: {  	v26 =	vld [tilespmem:s17+$0x45E0];
	v28 =	vmul.f32 v55, v52;
	v27, _, _ =	vpop (xrf2);
	v2 =	vadd.f32 v4, v2  }
0x42c: {  	v32 =	vld [tilespmem:s17+$0x45F0];
	v10 =	vmul.f32 v61, v31;
	v30, _, _ =	vpop (xrf2);
	v3 =	vadd.f32 v11, v3;
	(xrf2) =	vadd.scan.msk.f32 $0xffff, v1  }
0x42d: {  	v36 =	vld [tilespmem:s17+$0xC5F0];
	v5 =	vmul.f32 v18, v62;
	v33, _, _ =	vpop (xrf2);
	v2 =	vadd.f32 v28, v2  }
0x42e: {  	v4 =	vmul.f32 v35, v34;
	v9 =	vmul.f32 v39, v38;
	v37, _, _ =	vpop (xrf2);
	v3 =	vadd.f32 v10, v3  }
0x42f: {  	(xrf2) =	vadd.scan.msk.f32 $0xffff, v2;
	v40, _, _ =	vpop (xrf2)  }
0x430: {  	v43 =	vmul.f32 v29, v26;
	v42 =	vadd.f32 v9, v4;
	v41 =	vadd.f32 v5, v3;
	v44, _, _ =	vpop (xrf2)  }
0x431: {  	v45 =	vbroadcast v40, $0xF;
	v5 =	vbroadcast v44, $0xF  }
0x432: {  	v47 =	vmul.f32 v36, v32;
	v46 =	vbroadcast v37, $0xF;
	v3 =	vadd.f32 v43, v42;
	(xrf2) =	vadd.scan.msk.f32 $0xffff, v41  }
0x433: {  	v1 =	vbroadcast v33, $0xF;
	v49, _, _ =	vpop (xrf2);
	v48 =	vsel vm0, v45, v5  }
0x434: {  	v3 =	vadd.f32 v47, v3;
	v5 =	vbroadcast v49, $0xF;
	v2 =	vsel vm1, v48, v46  }
0x435: {  	v50 =	vbroadcast v30, $0xF;
	v1 =	vsel vm2, v2, v1  }
0x436: {  	v51 =	vbroadcast v27, $0xF;
	(xrf2) =	vadd.scan.msk.f32 $0xffff, v3;
	v52, _, _ =	vpop (xrf2);
	v1 =	vsel vm3, v1, v5  }
0x437: {  	v53 =	vbroadcast v52, $0xF;
	v1 =	vsel vm4, v1, v50  }
0x438: {  	v0 =	vbroadcast v19, $0xF;
	v1 =	vsel vm5, v1, v51  }
0x439: {  	v55 =	vbroadcast v63, $0xF;
	v56, _, _ =	vpop (xrf2);
	v1 =	vsel vm6, v1, v53  }
0x43a: {  	v57 =	vbroadcast v56, $0xF;
	v0 =	vsel vm7, v1, v0  }
0x43b: {  	v58 =	vbroadcast v22, $0xF;
	v0 =	vsel vm8, v0, v55  }
0x43c: {  	v59 =	vbroadcast v21, $0xF;
	v60, _, _ =	vpop (xrf2);
	v0 =	vsel vm9, v0, v57  }
0x43d: {  	v61 =	vbroadcast v60, $0xF;
	v0 =	vsel vm10, v0, v58  }
0x43e: {  	v62 =	vbroadcast v54, $0xF;
	v0 =	vsel vm11, v0, v59  }
0x43f: {  	v0 =	vsel vm12, v0, v61  }
0x440: {  	v63, _, _ =	vpop (xrf2);
	v0 =	vsel vm13, v0, v62  }
0x441: {  	s0 =	sadd.s32 $0x10, s16;
	v0 =	vsel vm14, v0, v63  }
0x442: {  	s30 =	rddreg [dreg:$0xa];
	s2 =	simm.s32 $0x10400;
	[tilespmem:s0+$0x0] =	vst v0  }
0x443: {  	[hbm4b:s30+s1] =	stream.linear.scatter [tilespmem:s2], [sflag:$0x2], $0x200, $0x38;
	[tilespmem:$0x10600] =	vst v63  }
0x444: {  	s2 =	simm.s32 $0x2  }
0x445: {  	_ =	swait.ge [sflag:s2], $0x200  }
0x446: {  	s4 =	rddreg [dreg:$0xc]  }
0x447: {  	s31 =	rddreg [dreg:$0xb];
	s4 =	sadd.s32 $0x1, s4  }
0x448: {  	p0 =	sne.s32 s4, s31  }
.Ltmp2:
0x449: {  	_ = 	snop;
	(pc) =	sbr.rel @p0 .LBB2_1-.Ltmp2, $3  }
0x44a: {  	_ =	sdelay $0x1  }
0x44b: {  	[sflag:s2] =	ssyncset.done $0x0  }
0x44c: {  	[sflag:s2] =	ssyncadd.s32 $0xFFFFFE00  }
0x44d: {  	_ =	sfence.sel $0x180000  }
0x44e: {  	[bflag:$0x0] =	sbarrier.arrive $0xFFFF  }
0x44f: {  	_ =	strace $0x90000047  }
0x450: {  	s0 =	stileid.u32;
	[bflag:$0x2] =	sbarrier.arrive $0xFFFF  }
0x451: {  	p0 =	sne.s32 s0, $0x0;
	s0 =	rddreg [dreg:$0x4]  }
0x452: {  	s0 =	sadd.s32 @!p0 $0x100000, s0  }
0x453: {  	[sflag:s0] =	ssyncadd.tile.s32 @!p0 $0x1;
	_ =	shalt  }
.Lfunc_end2:
_tile_overlayer_lowered:
.L_overlay_start_2:
0x454: {  	(tag) =	ssettag $0x2  }
0x455: {  	s0 =	rddreg [dreg:$0x0];
	s2 =	stileid.u32  }
0x456: {  	s1 =	rddreg [dreg:$0x1];
	p0 =	sne.s32 s2, $0x0  }
0x457: {  	s3 =	rddreg [dreg:$0x2];
	[bflag:$0x3] =	sbarrier.arrive $0xFFFF;
	s2 =	simm.s32 @!p0 $0x1C02  }
0x458: {  	[timem:s3], [sflag:s2] =	dma.local @!p0 [hbm:s0], s1  }
0x459: {  	s0 =	simm.s32 @!p0 $0x2  }
0x45a: {  	_ =	swait.ge @!p0 [sflag:s0], s1  }
0x45b: {  	s1 =	ssub.s32 @!p0 $0x0, s1;
	[sflag:s0] =	ssyncset.done @!p0 $0x0  }
0x45c: {  	[sflag:s0] =	ssyncadd.s32 @!p0 s1  }
0x45d: {  	[bflag:$0x3] =	sbarrier.arrive $0xFFFF  }
0x45e: {  	_ =	shalt  }

</sc_bundles>
